<compile_context>
chip_gen: v7x
topology: tpu7x:2x2x1
jax: 0.10.2.dev20260603
libtpu: 0.0.44.dev20260713+nightly
codegen_flags: <defaults>
</compile_context>

<pallas_src>
import functools

import jax
import jax.numpy as jnp
from jax import lax
from jax.experimental import pallas as pl
from jax.experimental.pallas import tpu as pltpu
from jax.experimental.pallas import tpu_sc as plsc

NC = 2
NS = 16
L = 16


def _sc_mesh():
    return plsc.VectorSubcoreMesh(
        core_axis_name="c", subcore_axis_name="s", num_cores=NC, num_subcores=NS
    )


C = 40
NB = 5
NR = 5
ZR = 32


def _make_deg_kernel(EPW, NP, W):
    NCH = EPW // C
    RPT = NP // NS
    A = NR - 1
    assert EPW % (C * NR) == 0 and NP % NS == 0 and RPT % ZR == 0 and W % L == 0
    assert NCH >= 2 * NR

    @functools.partial(
        pl.kernel,
        out_type=jax.ShapeDtypeStruct((NC * NP, W), jnp.float32),
        mesh=_sc_mesh(),
        scratch_types=(
            [pltpu.VMEM((C,), jnp.int32)] * NR
            + [
                pltpu.VMEM((C, W), jnp.float32),
                pltpu.VMEM((ZR, W), jnp.float32),
                pltpu.VMEM_SHARED((NP, W), jnp.float32),
            ]
            + [pltpu.SemaphoreType.DMA] * (2 * NR)
        ),
    )
    def deg_kernel(dst_hbm, out_hbm, *scr):
        dsti = scr[:NR]
        ones_v, zb_v, acc_sh = scr[NR:NR + 3]
        dsem = scr[NR + 3:NR + 3 + NR]
        ssem = scr[NR + 3 + NR:]
        c = lax.axis_index("c")
        s = lax.axis_index("s")
        wid = c * NS + s
        base = wid * EPW
        one_row = jnp.where(lax.iota(jnp.int32, L) == 0, 1.0, 0.0)
        zero_row = jnp.zeros((L,), jnp.float32)

        for m in range(A):
            pltpu.async_copy(dst_hbm.at[pl.ds(base + m * C, C)], dsti[m], dsem[m])

        @pl.loop(0, C)
        def _(i):
            ones_v[i, pl.ds(0, L)] = one_row

            @pl.loop(L, W, step=L)
            def _(j):
                ones_v[i, pl.ds(j, L)] = zero_row

        @pl.loop(0, ZR)
        def _(i):
            @pl.loop(0, W, step=L)
            def _(j):
                zb_v[i, pl.ds(j, L)] = zero_row

        @pl.loop(0, RPT, step=ZR)
        def _(r):
            pltpu.sync_copy(zb_v, acc_sh.at[pl.ds(s * RPT + r, ZR)])

        plsc.subcore_barrier()

        @pl.loop(0, NCH, step=NR)
        def _(g):
            for j in range(NR):
                k = g + j
                pltpu.make_async_copy(
                    dst_hbm.at[pl.ds(base + k * C, C)], dsti[j], dsem[j]
                ).wait()
                pltpu.async_copy(ones_v, acc_sh.at[dsti[j]], ssem[j], add=True)
                nk = k + A
                bn = (j + A) % NR

                def _refill():
                    pltpu.async_copy(
                        dst_hbm.at[pl.ds(base + nk * C, C)], dsti[bn], dsem[bn]
                    )

                if j == 0:
                    @pl.when(g == 0)
                    def _():
                        _refill()

                    @pl.when((g > 0) & (nk < NCH))
                    def _():
                        pltpu.make_async_copy(
                            ones_v, acc_sh.at[dsti[bn]], ssem[bn]
                        ).wait()
                        _refill()
                else:
                    @pl.when(nk < NCH)
                    def _():
                        pltpu.make_async_copy(
                            ones_v, acc_sh.at[dsti[bn]], ssem[bn]
                        ).wait()
                        _refill()

        for b in range(NR):
            pltpu.make_async_copy(ones_v, acc_sh.at[dsti[b]], ssem[b]).wait()

        plsc.subcore_barrier()
        pltpu.sync_copy(
            acc_sh.at[pl.ds(s * RPT, RPT)],
            out_hbm.at[pl.ds(c * NP + s * RPT, RPT)],
        )

    return deg_kernel


def _make_mp_kernel(EPW, D, NP):
    NCH = EPW // C
    RPT = NP // NS
    A = NB - 1
    assert EPW % (C * NB) == 0 and D % L == 0 and NCH >= 2 * NB
    assert NP % NS == 0 and RPT % ZR == 0

    @functools.partial(
        pl.kernel,
        out_type=jax.ShapeDtypeStruct((NC * NP, D), jnp.float32),
        mesh=_sc_mesh(),
        scratch_types=(
            [pltpu.VMEM((EPW,), jnp.int32)]
            + [pltpu.VMEM((C,), jnp.int32)] * NB
            + [pltpu.VMEM((C, D), jnp.float32)] * NB
            + [
                pltpu.VMEM((ZR, D), jnp.float32),
                pltpu.VMEM_SHARED((NP, D), jnp.float32),
            ]
            + [pltpu.SemaphoreType.DMA] * (3 * NB)
        ),
    )
    def mp_kernel(g_hbm, src_hbm, dst_hbm, out_hbm, *scr):
        srci = scr[0]
        dsti = scr[1:1 + NB]
        rows = scr[1 + NB:1 + 2 * NB]
        zb_v, acc_sh = scr[1 + 2 * NB:3 + 2 * NB]
        gsem = scr[3 + 2 * NB:3 + 3 * NB]
        dsem = scr[3 + 3 * NB:3 + 4 * NB]
        ssem = scr[3 + 4 * NB:3 + 5 * NB]
        c = lax.axis_index("c")
        s = lax.axis_index("s")
        wid = c * NS + s
        base = wid * EPW
        zero_row = jnp.zeros((L,), jnp.float32)

        for m in range(A):
            pltpu.async_copy(dst_hbm.at[pl.ds(base + m * C, C)], dsti[m], dsem[m])
        pltpu.sync_copy(src_hbm.at[pl.ds(base, EPW)], srci)

        @pl.loop(0, ZR)
        def _(i):
            @pl.loop(0, D, step=L)
            def _(j):
                zb_v[i, pl.ds(j, L)] = zero_row

        @pl.loop(0, RPT, step=ZR)
        def _(r):
            pltpu.sync_copy(zb_v, acc_sh.at[pl.ds(s * RPT + r, ZR)])

        plsc.subcore_barrier()

        for b in range(A):
            pltpu.async_copy(
                g_hbm.at[srci.at[pl.ds(b * C, C)]], rows[b], gsem[b]
            )

        @pl.loop(0, NCH, step=NB)
        def _(g):
            for j in range(NB):
                k = g + j
                pltpu.make_async_copy(
                    g_hbm.at[srci.at[pl.ds(k * C, C)]], rows[j], gsem[j]
                ).wait()
                pltpu.make_async_copy(
                    dst_hbm.at[pl.ds(base + k * C, C)], dsti[j], dsem[j]
                ).wait()
                pltpu.async_copy(rows[j], acc_sh.at[dsti[j]], ssem[j], add=True)
                nk = k + A
                bn = (j + A) % NB

                def _refill():
                    pltpu.async_copy(
                        dst_hbm.at[pl.ds(base + nk * C, C)], dsti[bn], dsem[bn]
                    )
                    pltpu.async_copy(
                        g_hbm.at[srci.at[pl.ds(nk * C, C)]], rows[bn], gsem[bn]
                    )

                if j == 0:
                    @pl.when(g == 0)
                    def _():
                        _refill()

                    @pl.when((g > 0) & (nk < NCH))
                    def _():
                        pltpu.make_async_copy(
                            rows[bn], acc_sh.at[dsti[bn]], ssem[bn]
                        ).wait()
                        _refill()
                else:
                    @pl.when(nk < NCH)
                    def _():
                        pltpu.make_async_copy(
                            rows[bn], acc_sh.at[dsti[bn]], ssem[bn]
                        ).wait()
                        _refill()

        for b in range(NB):
            pltpu.make_async_copy(rows[b], acc_sh.at[dsti[b]], ssem[b]).wait()

        plsc.subcore_barrier()
        pltpu.sync_copy(
            acc_sh.at[pl.ds(s * RPT, RPT)],
            out_hbm.at[pl.ds(c * NP + s * RPT, RPT)],
        )

    return mp_kernel


def _mm_body(x_ref, w_ref, o_ref):
    o_ref[...] = jnp.dot(x_ref[...], w_ref[...],
                         preferred_element_type=jnp.float32)


def _scale_body(h_ref, dp_ref, g_ref, dinv_ref):
    p = dp_ref[...]
    deg = jnp.sum(p[0] + p[1], axis=1, keepdims=True) + 1.0
    dinv = lax.rsqrt(deg)
    dinv_ref[...] = dinv
    g_ref[...] = dinv * h_ref[...]


def _mid_body(a_ref, g_ref, dinv_ref, b_ref, w_ref, o_ref):
    dinv = dinv_ref[...]
    acc = a_ref[0] + a_ref[1] + g_ref[...]
    z = jnp.maximum(dinv * acc + b_ref[...], 0.0)
    o_ref[...] = dinv * jnp.dot(z, w_ref[...],
                                preferred_element_type=jnp.float32)


def _out_body(a_ref, g_ref, dinv_ref, b_ref, o_ref):
    o_ref[...] = dinv_ref[...] * (a_ref[0] + a_ref[1] + g_ref[...]) + b_ref[...]


def kernel(x, edge_index, W1, b1, W2, b2):
    n, K = x.shape
    E = edge_index.shape[1]
    RB = 1000
    assert n % RB == 0
    G = n // RB
    NP = -(-n // 2048) * 2048
    NW = NC * NS
    EPW = -(-E // (NW * C * NR)) * C * NR
    PAD = EPW * NW - E
    if PAD > 0 and NP == n:
        NP += 2048
    src = edge_index[0]
    dst = edge_index[1]
    if PAD > 0:
        ppw = PAD // NW
        dump = n + (jnp.arange(PAD, dtype=jnp.int32) % (NP - n))
        if E % NW == 0 and PAD % NW == 0:
            src = jnp.concatenate(
                [src.reshape(NW, -1), jnp.zeros((NW, ppw), jnp.int32)], axis=1
            ).reshape(-1)
            dst = jnp.concatenate(
                [dst.reshape(NW, -1), dump.reshape(NW, ppw)], axis=1
            ).reshape(-1)
        else:
            src = jnp.concatenate([src, jnp.zeros((PAD,), jnp.int32)])
            dst = jnp.concatenate([dst, dump])

    DW = 128
    deg_parts = _make_deg_kernel(EPW, NP, DW)(dst)

    h1 = pl.pallas_call(
        _mm_body,
        grid=(G,),
        in_specs=[pl.BlockSpec((RB, K), lambda i: (i, 0)),
                  pl.BlockSpec((K, K), lambda i: (0, 0))],
        out_specs=pl.BlockSpec((RB, K), lambda i: (i, 0)),
        out_shape=jax.ShapeDtypeStruct((n, K), jnp.float32),
    )(x, W1)

    g1, dinv = pl.pallas_call(
        _scale_body,
        grid=(G,),
        in_specs=[pl.BlockSpec((RB, K), lambda i: (i, 0)),
                  pl.BlockSpec((NC, RB, DW), lambda i: (0, i, 0))],
        out_specs=[pl.BlockSpec((RB, K), lambda i: (i, 0)),
                   pl.BlockSpec((RB, 1), lambda i: (i, 0))],
        out_shape=[jax.ShapeDtypeStruct((n, K), jnp.float32),
                   jax.ShapeDtypeStruct((n, 1), jnp.float32)],
    )(h1, deg_parts.reshape(NC, NP, DW)[:, :n, :])

    mp = _make_mp_kernel(EPW, K, NP)
    acc1 = mp(g1, src, dst).reshape(NC, NP, K)[:, :n, :]

    g2 = pl.pallas_call(
        _mid_body,
        grid=(G,),
        in_specs=[pl.BlockSpec((NC, RB, K), lambda i: (0, i, 0)),
                  pl.BlockSpec((RB, K), lambda i: (i, 0)),
                  pl.BlockSpec((RB, 1), lambda i: (i, 0)),
                  pl.BlockSpec((1, K), lambda i: (0, 0)),
                  pl.BlockSpec((K, K), lambda i: (0, 0))],
        out_specs=pl.BlockSpec((RB, K), lambda i: (i, 0)),
        out_shape=jax.ShapeDtypeStruct((n, K), jnp.float32),
    )(acc1, g1, dinv, b1.reshape(1, K), W2)

    acc2 = mp(g2, src, dst).reshape(NC, NP, K)[:, :n, :]

    out = pl.pallas_call(
        _out_body,
        grid=(G,),
        in_specs=[pl.BlockSpec((NC, RB, K), lambda i: (0, i, 0)),
                  pl.BlockSpec((RB, K), lambda i: (i, 0)),
                  pl.BlockSpec((RB, 1), lambda i: (i, 0)),
                  pl.BlockSpec((1, K), lambda i: (0, 0))],
        out_specs=pl.BlockSpec((RB, K), lambda i: (i, 0)),
        out_shape=jax.ShapeDtypeStruct((n, K), jnp.float32),
    )(acc2, g2, dinv, b2.reshape(1, K))

    return out

# --- scband reference (transcript-rebuilt; emitter-appended) ---
"""Pipeline reference for scband-two-layer-gcn-89790586290635 (READ-ONLY COPY).

The authoritative reference and input builder live on the scoring server;
editing this copy changes nothing except your own understanding.
"""

import jax, jax.numpy as jnp
import numpy as np

N = 10000
E = 320000
IN_DIM = 128
HID_DIM = 128
OUT_DIM = 128


def gcn_conv(x, edge_index, W, b):
    n = x.shape[0]
    self_loops = jnp.arange(n, dtype=edge_index.dtype)
    src = jnp.concatenate([edge_index[0], self_loops])
    dst = jnp.concatenate([edge_index[1], self_loops])
    deg = jnp.zeros((n,), dtype=x.dtype).at[dst].add(1.0)
    dinv = jax.lax.rsqrt(deg)
    norm = dinv[src] * dinv[dst]
    h = x @ W
    msg = h[src] * norm[:, None]
    out = jax.ops.segment_sum(msg, dst, num_segments=n)
    return out + b


def setup_inputs(seed: int = 0) -> dict:
    key = jax.random.key(seed)
    k1, k2, k3, k4 = jax.random.split(key, 4)
    x = jax.random.normal(k1, (N, IN_DIM), dtype=jnp.float32)
    edge_index = jax.random.randint(k2, (2, E), 0, N, dtype=jnp.int32)
    W1 = jax.random.normal(k3, (IN_DIM, HID_DIM), dtype=jnp.float32) / np.sqrt(IN_DIM)
    b1 = jnp.zeros((HID_DIM,), dtype=jnp.float32)
    W2 = jax.random.normal(k4, (HID_DIM, OUT_DIM), dtype=jnp.float32) / np.sqrt(HID_DIM)
    b2 = jnp.zeros((OUT_DIM,), dtype=jnp.float32)
    return {"x": x, "edge_index": edge_index, "W1": W1, "b1": b1, "W2": W2, "b2": b2}


def reference(x, edge_index, W1, b1, W2, b2):
    h = jax.nn.relu(gcn_conv(x, edge_index, W1, b1))
    return gcn_conv(h, edge_index, W2, b2)

if __name__ == "__main__":
    import jax
    _d = setup_inputs()
    print(jax.jit(kernel)(*tuple(_d.values())))

</pallas_src>

<mosaic_0001>
#map = affine_map<(d0, d1) -> (0, 0)>
#map1 = affine_map<(d0, d1) -> (0)>
module attributes {stable_mosaic.version = 14 : i64} {
  func.func @mp_kernel(%arg0: i32, %arg1: i32, %arg2: memref<10000x128xf32, #tpu.memory_space<hbm>>, %arg3: memref<320000xi32, #tpu.memory_space<hbm>>, %arg4: memref<320000xi32, #tpu.memory_space<hbm>>, %arg5: memref<20480x128xf32, #tpu.memory_space<hbm>>, %arg6: memref<10000xi32, #tpu.memory_space<vmem>>, %arg7: memref<40xi32, #tpu.memory_space<vmem>>, %arg8: memref<40xi32, #tpu.memory_space<vmem>>, %arg9: memref<40xi32, #tpu.memory_space<vmem>>, %arg10: memref<40xi32, #tpu.memory_space<vmem>>, %arg11: memref<40xi32, #tpu.memory_space<vmem>>, %arg12: memref<40x128xf32, #tpu.memory_space<vmem>>, %arg13: memref<40x128xf32, #tpu.memory_space<vmem>>, %arg14: memref<40x128xf32, #tpu.memory_space<vmem>>, %arg15: memref<40x128xf32, #tpu.memory_space<vmem>>, %arg16: memref<40x128xf32, #tpu.memory_space<vmem>>, %arg17: memref<32x128xf32, #tpu.memory_space<vmem>>, %arg18: memref<10240x128xf32, #tpu.memory_space<vmem_shared>>, %arg19: memref<!tpu.dma_semaphore, #tpu.memory_space<semaphore_mem>>, %arg20: memref<!tpu.dma_semaphore, #tpu.memory_space<semaphore_mem>>, %arg21: memref<!tpu.dma_semaphore, #tpu.memory_space<semaphore_mem>>, %arg22: memref<!tpu.dma_semaphore, #tpu.memory_space<semaphore_mem>>, %arg23: memref<!tpu.dma_semaphore, #tpu.memory_space<semaphore_mem>>, %arg24: memref<!tpu.dma_semaphore, #tpu.memory_space<semaphore_mem>>, %arg25: memref<!tpu.dma_semaphore, #tpu.memory_space<semaphore_mem>>, %arg26: memref<!tpu.dma_semaphore, #tpu.memory_space<semaphore_mem>>, %arg27: memref<!tpu.dma_semaphore, #tpu.memory_space<semaphore_mem>>, %arg28: memref<!tpu.dma_semaphore, #tpu.memory_space<semaphore_mem>>, %arg29: memref<!tpu.dma_semaphore, #tpu.memory_space<semaphore_mem>>, %arg30: memref<!tpu.dma_semaphore, #tpu.memory_space<semaphore_mem>>, %arg31: memref<!tpu.dma_semaphore, #tpu.memory_space<semaphore_mem>>, %arg32: memref<!tpu.dma_semaphore, #tpu.memory_space<semaphore_mem>>, %arg33: memref<!tpu.dma_semaphore, #tpu.memory_space<semaphore_mem>>) attributes {dimension_semantics = [#tpu.dimension_semantics<core_parallel>, #tpu.dimension_semantics<subcore_parallel>], iteration_bounds = array<i64: 2, 16>, scalar_prefetch = 0 : i64, scratch_operands = 28 : i64, tpu.core_type = #tpu.core_type<sc_vector_subcore>, window_params = [{transform_indices = #map}, {transform_indices = #map1}, {transform_indices = #map1}, {transform_indices = #map}]} {
    %mul3A = arith.constant 16 : i32
    %mul3A_0 = arith.muli %arg0, %mul3A : i32
    %add3A = arith.addi %mul3A_0, %arg1 : i32
    %mul3A_1 = arith.constant 10000 : i32
    %mul3A_2 = arith.muli %add3A, %mul3A_1 : i32
    %broadcast_in_dim3A = arith.constant 0.000000e+00 : f32
    %broadcast_in_dim3A_3 = vector.broadcast %broadcast_in_dim3A : f32 to vector<16xf32>
    %add3A_4 = arith.constant 0 : i32
    %add3A_5 = arith.addi %mul3A_2, %add3A_4 : i32
    %dma_start3A = tpu.memref_slice %arg4[%add3A_5] : memref<320000xi32, #tpu.memory_space<hbm>> -> memref<40xi32, #tpu.memory_space<hbm>>
    %dma_start3A_6 = tpu.memref_slice %arg4[%add3A_5] : memref<320000xi32, #tpu.memory_space<hbm>> -> memref<40xi32, #tpu.memory_space<hbm>>
    tpu.enqueue_dma source(%dma_start3A_6 : memref<40xi32, #tpu.memory_space<hbm>>) target(%arg7 : memref<40xi32, #tpu.memory_space<vmem>>) target_semaphore(%arg24 : memref<!tpu.dma_semaphore, #tpu.memory_space<semaphore_mem>>)
    %add3A_7 = arith.constant 40 : i32
    %add3A_8 = arith.addi %mul3A_2, %add3A_7 : i32
    %dma_start3A_9 = tpu.memref_slice %arg4[%add3A_8] : memref<320000xi32, #tpu.memory_space<hbm>> -> memref<40xi32, #tpu.memory_space<hbm>>
    %dma_start3A_10 = tpu.memref_slice %arg4[%add3A_8] : memref<320000xi32, #tpu.memory_space<hbm>> -> memref<40xi32, #tpu.memory_space<hbm>>
    tpu.enqueue_dma source(%dma_start3A_10 : memref<40xi32, #tpu.memory_space<hbm>>) target(%arg8 : memref<40xi32, #tpu.memory_space<vmem>>) target_semaphore(%arg25 : memref<!tpu.dma_semaphore, #tpu.memory_space<semaphore_mem>>)
    %add3A_11 = arith.constant 80 : i32
    %add3A_12 = arith.addi %mul3A_2, %add3A_11 : i32
    %dma_start3A_13 = tpu.memref_slice %arg4[%add3A_12] : memref<320000xi32, #tpu.memory_space<hbm>> -> memref<40xi32, #tpu.memory_space<hbm>>
    %dma_start3A_14 = tpu.memref_slice %arg4[%add3A_12] : memref<320000xi32, #tpu.memory_space<hbm>> -> memref<40xi32, #tpu.memory_space<hbm>>
    tpu.enqueue_dma source(%dma_start3A_14 : memref<40xi32, #tpu.memory_space<hbm>>) target(%arg9 : memref<40xi32, #tpu.memory_space<vmem>>) target_semaphore(%arg26 : memref<!tpu.dma_semaphore, #tpu.memory_space<semaphore_mem>>)
    %add3A_15 = arith.constant 120 : i32
    %add3A_16 = arith.addi %mul3A_2, %add3A_15 : i32
    %dma_start3A_17 = tpu.memref_slice %arg4[%add3A_16] : memref<320000xi32, #tpu.memory_space<hbm>> -> memref<40xi32, #tpu.memory_space<hbm>>
    %dma_start3A_18 = tpu.memref_slice %arg4[%add3A_16] : memref<320000xi32, #tpu.memory_space<hbm>> -> memref<40xi32, #tpu.memory_space<hbm>>
    tpu.enqueue_dma source(%dma_start3A_18 : memref<40xi32, #tpu.memory_space<hbm>>) target(%arg10 : memref<40xi32, #tpu.memory_space<vmem>>) target_semaphore(%arg27 : memref<!tpu.dma_semaphore, #tpu.memory_space<semaphore_mem>>)
    "tpu.region"() ({
      %run_scoped3A = tpu.sem_alloc : memref<!tpu.dma_semaphore, #tpu.memory_space<semaphore_mem>>
      %dma_start3A_75 = tpu.memref_slice %arg3[%mul3A_2] : memref<320000xi32, #tpu.memory_space<hbm>> -> memref<10000xi32, #tpu.memory_space<hbm>>
      %dma_start3A_76 = tpu.memref_slice %arg3[%mul3A_2] : memref<320000xi32, #tpu.memory_space<hbm>> -> memref<10000xi32, #tpu.memory_space<hbm>>
      tpu.enqueue_dma source(%dma_start3A_76 : memref<10000xi32, #tpu.memory_space<hbm>>) target(%arg6 : memref<10000xi32, #tpu.memory_space<vmem>>) target_semaphore(%run_scoped3A : memref<!tpu.dma_semaphore, #tpu.memory_space<semaphore_mem>>)
      %dma_wait3A_77 = tpu.memref_slice %arg3[%mul3A_2] : memref<320000xi32, #tpu.memory_space<hbm>> -> memref<10000xi32, #tpu.memory_space<hbm>>
      %dma_wait3A_78 = tpu.memref_slice %arg3[%mul3A_2] : memref<320000xi32, #tpu.memory_space<hbm>> -> memref<10000xi32, #tpu.memory_space<hbm>>
      tpu.wait_dma2 semaphore(%run_scoped3A : memref<!tpu.dma_semaphore, #tpu.memory_space<semaphore_mem>>) src(%dma_wait3A_78 : memref<10000xi32, #tpu.memory_space<hbm>>) dst(%arg6 : memref<10000xi32, #tpu.memory_space<vmem>>)
      tpu.yield
    }) : () -> ()
    %scan3A = arith.constant 0 : i32
    %scan3A_19 = arith.constant 32 : i32
    %scan3A_20 = arith.addi %scan3A, %scan3A_19 : i32
    %scan3A_21 = arith.constant 1 : i32
    scf.for %scan3A_75 = %scan3A to %scan3A_20 step %scan3A_21  : i32 {
      %mul3A_76 = arith.constant 1 : i32
      %mul3A_77 = arith.muli %scan3A_75, %mul3A_76 : i32
      %add3A_78 = arith.constant 0 : i32
      %add3A_79 = arith.addi %add3A_78, %mul3A_77 : i32
      %scan3A_80 = arith.constant 0 : i32
      %scan3A_81 = arith.constant 8 : i32
      %scan3A_82 = arith.addi %scan3A_80, %scan3A_81 : i32
      %scan3A_83 = arith.constant 1 : i32
      scf.for %scan3A_85 = %scan3A_80 to %scan3A_82 step %scan3A_83  : i32 {
        %mul3A_86 = arith.constant 16 : i32
        %mul3A_87 = arith.muli %scan3A_85, %mul3A_86 : i32
        %add3A_88 = arith.constant 0 : i32
        %add3A_89 = arith.addi %add3A_88, %mul3A_87 : i32
        %swap3A = arith.index_cast %add3A_79 : i32 to index
        %swap3A_90 = arith.index_cast %add3A_89 : i32 to index
        %swap3A_91 = tpu.vector_load %arg17[%swap3A, %swap3A_90] {strides = array<i32>} : memref<32x128xf32, #tpu.memory_space<vmem>>, vector<1x16xf32>,
        %swap3A_92 = vector.shape_cast %swap3A_91 : vector<1x16xf32> to vector<16xf32>
        %swap3A_93 = vector.shape_cast %broadcast_in_dim3A_3 : vector<16xf32> to vector<1x16xf32>
        tpu.vector_store %arg17[%swap3A, %swap3A_90], %swap3A_93 {strides = array<i32>} : memref<32x128xf32, #tpu.memory_space<vmem>>, vector<1x16xf32>,
      }
      %scan3A_84 = arith.constant 8 : i32
    }
    %scan3A_22 = arith.constant 32 : i32
    %scan3A_23 = arith.constant 0 : i32
    %scan3A_24 = arith.constant 20 : i32
    %scan3A_25 = arith.addi %scan3A_23, %scan3A_24 : i32
    %scan3A_26 = arith.constant 1 : i32
    scf.for %scan3A_75 = %scan3A_23 to %scan3A_25 step %scan3A_26  : i32 {
      %mul3A_76 = arith.constant 32 : i32
      %mul3A_77 = arith.muli %scan3A_75, %mul3A_76 : i32
      %add3A_78 = arith.constant 0 : i32
      %add3A_79 = arith.addi %add3A_78, %mul3A_77 : i32
      %mul3A_80 = arith.constant 640 : i32
      %mul3A_81 = arith.muli %arg1, %mul3A_80 : i32
      %add3A_82 = arith.addi %mul3A_81, %add3A_79 : i32
      "tpu.region"() ({
        %run_scoped3A = tpu.sem_alloc : memref<!tpu.dma_semaphore, #tpu.memory_space<semaphore_mem>>
        %dma_start3A_83 = arith.constant 0 : i32
        %dma_start3A_84 = tpu.memref_slice %arg18[%add3A_82, %dma_start3A_83] : memref<10240x128xf32, #tpu.memory_space<vmem_shared>> -> memref<32x128xf32, #tpu.memory_space<vmem_shared>>
        %dma_start3A_85 = arith.constant 0 : i32
        %dma_start3A_86 = tpu.memref_slice %arg18[%add3A_82, %dma_start3A_85] : memref<10240x128xf32, #tpu.memory_space<vmem_shared>> -> memref<32x128xf32, #tpu.memory_space<vmem_shared>>
        tpu.enqueue_dma source(%arg17 : memref<32x128xf32, #tpu.memory_space<vmem>>) target(%dma_start3A_86 : memref<32x128xf32, #tpu.memory_space<vmem_shared>>) target_semaphore(%run_scoped3A : memref<!tpu.dma_semaphore, #tpu.memory_space<semaphore_mem>>)
        %dma_wait3A_87 = arith.constant 0 : i32
        %dma_wait3A_88 = tpu.memref_slice %arg18[%add3A_82, %dma_wait3A_87] : memref<10240x128xf32, #tpu.memory_space<vmem_shared>> -> memref<32x128xf32, #tpu.memory_space<vmem_shared>>
        %dma_wait3A_89 = arith.constant 0 : i32
        %dma_wait3A_90 = tpu.memref_slice %arg18[%add3A_82, %dma_wait3A_89] : memref<10240x128xf32, #tpu.memory_space<vmem_shared>> -> memref<32x128xf32, #tpu.memory_space<vmem_shared>>
        tpu.wait_dma2 semaphore(%run_scoped3A : memref<!tpu.dma_semaphore, #tpu.memory_space<semaphore_mem>>) src(%arg17 : memref<32x128xf32, #tpu.memory_space<vmem>>) dst(%dma_wait3A_90 : memref<32x128xf32, #tpu.memory_space<vmem_shared>>)
        tpu.yield
      }) : () -> ()
    }
    %scan3A_27 = arith.constant 20 : i32
    %barrier3A = arith.constant 0 : index
    tpu.barrier barrier_id(%barrier3A)
    %dma_start3A_28 = arith.constant 0 : i32
    %dma_start3A_29 = tpu.memref_slice %arg6[%dma_start3A_28] : memref<10000xi32, #tpu.memory_space<vmem>> -> memref<40xi32, #tpu.memory_space<vmem>>
    %dma_start3A_30 = arith.constant 0 : i32
    %dma_start3A_31 = arith.constant 0 : i32
    %dma_start3A_32 = tpu.memref_slice %arg2[%dma_start3A_30, %dma_start3A_31] : memref<10000x128xf32, #tpu.memory_space<hbm>> -> memref<10000x128xf32, #tpu.memory_space<hbm>>
    tpu.enqueue_indirect_dma source(%dma_start3A_32 : memref<10000x128xf32, #tpu.memory_space<hbm>>) target(%arg12 : memref<40x128xf32, #tpu.memory_space<vmem>>) offsets(%dma_start3A_29 : memref<40xi32, #tpu.memory_space<vmem>>) semaphore(%arg19 : memref<!tpu.dma_semaphore, #tpu.memory_space<semaphore_mem>>)
    %dma_start3A_33 = arith.constant 40 : i32
    %dma_start3A_34 = tpu.memref_slice %arg6[%dma_start3A_33] : memref<10000xi32, #tpu.memory_space<vmem>> -> memref<40xi32, #tpu.memory_space<vmem>>
    %dma_start3A_35 = arith.constant 0 : i32
    %dma_start3A_36 = arith.constant 0 : i32
    %dma_start3A_37 = tpu.memref_slice %arg2[%dma_start3A_35, %dma_start3A_36] : memref<10000x128xf32, #tpu.memory_space<hbm>> -> memref<10000x128xf32, #tpu.memory_space<hbm>>
    tpu.enqueue_indirect_dma source(%dma_start3A_37 : memref<10000x128xf32, #tpu.memory_space<hbm>>) target(%arg13 : memref<40x128xf32, #tpu.memory_space<vmem>>) offsets(%dma_start3A_34 : memref<40xi32, #tpu.memory_space<vmem>>) semaphore(%arg20 : memref<!tpu.dma_semaphore, #tpu.memory_space<semaphore_mem>>)
    %dma_start3A_38 = arith.constant 80 : i32
    %dma_start3A_39 = tpu.memref_slice %arg6[%dma_start3A_38] : memref<10000xi32, #tpu.memory_space<vmem>> -> memref<40xi32, #tpu.memory_space<vmem>>
    %dma_start3A_40 = arith.constant 0 : i32
    %dma_start3A_41 = arith.constant 0 : i32
    %dma_start3A_42 = tpu.memref_slice %arg2[%dma_start3A_40, %dma_start3A_41] : memref<10000x128xf32, #tpu.memory_space<hbm>> -> memref<10000x128xf32, #tpu.memory_space<hbm>>
    tpu.enqueue_indirect_dma source(%dma_start3A_42 : memref<10000x128xf32, #tpu.memory_space<hbm>>) target(%arg14 : memref<40x128xf32, #tpu.memory_space<vmem>>) offsets(%dma_start3A_39 : memref<40xi32, #tpu.memory_space<vmem>>) semaphore(%arg21 : memref<!tpu.dma_semaphore, #tpu.memory_space<semaphore_mem>>)
    %dma_start3A_43 = arith.constant 120 : i32
    %dma_start3A_44 = tpu.memref_slice %arg6[%dma_start3A_43] : memref<10000xi32, #tpu.memory_space<vmem>> -> memref<40xi32, #tpu.memory_space<vmem>>
    %dma_start3A_45 = arith.constant 0 : i32
    %dma_start3A_46 = arith.constant 0 : i32
    %dma_start3A_47 = tpu.memref_slice %arg2[%dma_start3A_45, %dma_start3A_46] : memref<10000x128xf32, #tpu.memory_space<hbm>> -> memref<10000x128xf32, #tpu.memory_space<hbm>>
    tpu.enqueue_indirect_dma source(%dma_start3A_47 : memref<10000x128xf32, #tpu.memory_space<hbm>>) target(%arg15 : memref<40x128xf32, #tpu.memory_space<vmem>>) offsets(%dma_start3A_44 : memref<40xi32, #tpu.memory_space<vmem>>) semaphore(%arg22 : memref<!tpu.dma_semaphore, #tpu.memory_space<semaphore_mem>>)
    %scan3A_48 = arith.constant 0 : i32
    %scan3A_49 = arith.constant 50 : i32
    %scan3A_50 = arith.addi %scan3A_48, %scan3A_49 : i32
    %scan3A_51 = arith.constant 1 : i32
    scf.for %scan3A_75 = %scan3A_48 to %scan3A_50 step %scan3A_51  : i32 {
      %mul3A_76 = arith.constant 5 : i32
      %mul3A_77 = arith.muli %scan3A_75, %mul3A_76 : i32
      %add3A_78 = arith.constant 0 : i32
      %add3A_79 = arith.addi %add3A_78, %mul3A_77 : i32
      %add3A_80 = arith.constant 0 : i32
      %add3A_81 = arith.addi %add3A_79, %add3A_80 : i32
      %mul3A_82 = arith.constant 40 : i32
      %mul3A_83 = arith.muli %add3A_81, %mul3A_82 : i32
      %dma_wait3A_84 = tpu.memref_slice %arg6[%mul3A_83] : memref<10000xi32, #tpu.memory_space<vmem>> -> memref<40xi32, #tpu.memory_space<vmem>>
      %dma_wait3A_85 = arith.constant 0 : i32
      %dma_wait3A_86 = arith.constant 0 : i32
      %dma_wait3A_87 = tpu.memref_slice %arg2[%dma_wait3A_85, %dma_wait3A_86] : memref<10000x128xf32, #tpu.memory_space<hbm>> -> memref<10000x128xf32, #tpu.memory_space<hbm>>
      tpu.wait_indirect_dma semaphore(%arg19 : memref<!tpu.dma_semaphore, #tpu.memory_space<semaphore_mem>>) src(%dma_wait3A_87 : memref<10000x128xf32, #tpu.memory_space<hbm>>) dst(%arg12 : memref<40x128xf32, #tpu.memory_space<vmem>>)
      %mul3A_88 = arith.constant 40 : i32
      %mul3A_89 = arith.muli %add3A_81, %mul3A_88 : i32
      %add3A_90 = arith.addi %mul3A_2, %mul3A_89 : i32
      %dma_wait3A_91 = tpu.memref_slice %arg4[%add3A_90] : memref<320000xi32, #tpu.memory_space<hbm>> -> memref<40xi32, #tpu.memory_space<hbm>>
      %dma_wait3A_92 = tpu.memref_slice %arg4[%add3A_90] : memref<320000xi32, #tpu.memory_space<hbm>> -> memref<40xi32, #tpu.memory_space<hbm>>
      tpu.wait_dma2 semaphore(%arg24 : memref<!tpu.dma_semaphore, #tpu.memory_space<semaphore_mem>>) src(%dma_wait3A_92 : memref<40xi32, #tpu.memory_space<hbm>>) dst(%arg7 : memref<40xi32, #tpu.memory_space<vmem>>)
      %dma_start3A_93 = arith.constant 0 : i32
      %dma_start3A_94 = arith.constant 0 : i32
      %dma_start3A_95 = tpu.memref_slice %arg18[%dma_start3A_93, %dma_start3A_94] : memref<10240x128xf32, #tpu.memory_space<vmem_shared>> -> memref<10240x128xf32, #tpu.memory_space<vmem_shared>>
      tpu.enqueue_indirect_dma source(%arg12 : memref<40x128xf32, #tpu.memory_space<vmem>>) target(%dma_start3A_95 : memref<10240x128xf32, #tpu.memory_space<vmem_shared>>) offsets(%arg7 : memref<40xi32, #tpu.memory_space<vmem>>) semaphore(%arg29 : memref<!tpu.dma_semaphore, #tpu.memory_space<semaphore_mem>>) {add = true}
      %add3A_96 = arith.constant 4 : i32
      %add3A_97 = arith.addi %add3A_81, %add3A_96 : i32
      %eq3A = arith.constant 0 : i32
      %eq3A_98 = arith.cmpi eq, %add3A_79, %eq3A : i32
      %convert_element_type3A = arith.extui %eq3A_98 : i1 to i32
      %cond3A = arith.constant 0 : i32
      %cond3A_99 = arith.cmpi ne, %convert_element_type3A, %cond3A : i32
      scf.if %cond3A_99 {
        %mul3A_197 = arith.constant 40 : i32
        %mul3A_198 = arith.muli %add3A_97, %mul3A_197 : i32
        %add3A_199 = arith.addi %mul3A_2, %mul3A_198 : i32
        %dma_start3A_200 = tpu.memref_slice %arg4[%add3A_199] : memref<320000xi32, #tpu.memory_space<hbm>> -> memref<40xi32, #tpu.memory_space<hbm>>
        %dma_start3A_201 = tpu.memref_slice %arg4[%add3A_199] : memref<320000xi32, #tpu.memory_space<hbm>> -> memref<40xi32, #tpu.memory_space<hbm>>
        tpu.enqueue_dma source(%dma_start3A_201 : memref<40xi32, #tpu.memory_space<hbm>>) target(%arg11 : memref<40xi32, #tpu.memory_space<vmem>>) target_semaphore(%arg28 : memref<!tpu.dma_semaphore, #tpu.memory_space<semaphore_mem>>)
        %mul3A_202 = arith.constant 40 : i32
        %mul3A_203 = arith.muli %add3A_97, %mul3A_202 : i32
        %dma_start3A_204 = tpu.memref_slice %arg6[%mul3A_203] : memref<10000xi32, #tpu.memory_space<vmem>> -> memref<40xi32, #tpu.memory_space<vmem>>
        %dma_start3A_205 = arith.constant 0 : i32
        %dma_start3A_206 = arith.constant 0 : i32
        %dma_start3A_207 = tpu.memref_slice %arg2[%dma_start3A_205, %dma_start3A_206] : memref<10000x128xf32, #tpu.memory_space<hbm>> -> memref<10000x128xf32, #tpu.memory_space<hbm>>
        tpu.enqueue_indirect_dma source(%dma_start3A_207 : memref<10000x128xf32, #tpu.memory_space<hbm>>) target(%arg16 : memref<40x128xf32, #tpu.memory_space<vmem>>) offsets(%dma_start3A_204 : memref<40xi32, #tpu.memory_space<vmem>>) semaphore(%arg23 : memref<!tpu.dma_semaphore, #tpu.memory_space<semaphore_mem>>)
      } else {
      }
      %gt3A = arith.constant 0 : i32
      %gt3A_100 = arith.cmpi sgt, %add3A_79, %gt3A : i32
      %lt3A = arith.constant 250 : i32
      %lt3A_101 = arith.cmpi slt, %add3A_97, %lt3A : i32
      %and3A = arith.andi %gt3A_100, %lt3A_101 : i1
      %convert_element_type3A_102 = arith.extui %and3A : i1 to i32
      %cond3A_103 = arith.constant 0 : i32
      %cond3A_104 = arith.cmpi ne, %convert_element_type3A_102, %cond3A_103 : i32
      scf.if %cond3A_104 {
        %dma_wait3A_197 = arith.constant 0 : i32
        %dma_wait3A_198 = arith.constant 0 : i32
        %dma_wait3A_199 = tpu.memref_slice %arg18[%dma_wait3A_197, %dma_wait3A_198] : memref<10240x128xf32, #tpu.memory_space<vmem_shared>> -> memref<10240x128xf32, #tpu.memory_space<vmem_shared>>
        tpu.wait_indirect_dma semaphore(%arg33 : memref<!tpu.dma_semaphore, #tpu.memory_space<semaphore_mem>>) src(%arg16 : memref<40x128xf32, #tpu.memory_space<vmem>>) dst(%dma_wait3A_199 : memref<10240x128xf32, #tpu.memory_space<vmem_shared>>)
        %mul3A_200 = arith.constant 40 : i32
        %mul3A_201 = arith.muli %add3A_97, %mul3A_200 : i32
        %add3A_202 = arith.addi %mul3A_2, %mul3A_201 : i32
        %dma_start3A_203 = tpu.memref_slice %arg4[%add3A_202] : memref<320000xi32, #tpu.memory_space<hbm>> -> memref<40xi32, #tpu.memory_space<hbm>>
        %dma_start3A_204 = tpu.memref_slice %arg4[%add3A_202] : memref<320000xi32, #tpu.memory_space<hbm>> -> memref<40xi32, #tpu.memory_space<hbm>>
        tpu.enqueue_dma source(%dma_start3A_204 : memref<40xi32, #tpu.memory_space<hbm>>) target(%arg11 : memref<40xi32, #tpu.memory_space<vmem>>) target_semaphore(%arg28 : memref<!tpu.dma_semaphore, #tpu.memory_space<semaphore_mem>>)
        %mul3A_205 = arith.constant 40 : i32
        %mul3A_206 = arith.muli %add3A_97, %mul3A_205 : i32
        %dma_start3A_207 = tpu.memref_slice %arg6[%mul3A_206] : memref<10000xi32, #tpu.memory_space<vmem>> -> memref<40xi32, #tpu.memory_space<vmem>>
        %dma_start3A_208 = arith.constant 0 : i32
        %dma_start3A_209 = arith.constant 0 : i32
        %dma_start3A_210 = tpu.memref_slice %arg2[%dma_start3A_208, %dma_start3A_209] : memref<10000x128xf32, #tpu.memory_space<hbm>> -> memref<10000x128xf32, #tpu.memory_space<hbm>>
        tpu.enqueue_indirect_dma source(%dma_start3A_210 : memref<10000x128xf32, #tpu.memory_space<hbm>>) target(%arg16 : memref<40x128xf32, #tpu.memory_space<vmem>>) offsets(%dma_start3A_207 : memref<40xi32, #tpu.memory_space<vmem>>) semaphore(%arg23 : memref<!tpu.dma_semaphore, #tpu.memory_space<semaphore_mem>>)
      } else {
      }
      %add3A_105 = arith.constant 1 : i32
      %add3A_106 = arith.addi %add3A_79, %add3A_105 : i32
      %mul3A_107 = arith.constant 40 : i32
      %mul3A_108 = arith.muli %add3A_106, %mul3A_107 : i32
      %dma_wait3A_109 = tpu.memref_slice %arg6[%mul3A_108] : memref<10000xi32, #tpu.memory_space<vmem>> -> memref<40xi32, #tpu.memory_space<vmem>>
      %dma_wait3A_110 = arith.constant 0 : i32
      %dma_wait3A_111 = arith.constant 0 : i32
      %dma_wait3A_112 = tpu.memref_slice %arg2[%dma_wait3A_110, %dma_wait3A_111] : memref<10000x128xf32, #tpu.memory_space<hbm>> -> memref<10000x128xf32, #tpu.memory_space<hbm>>
      tpu.wait_indirect_dma semaphore(%arg20 : memref<!tpu.dma_semaphore, #tpu.memory_space<semaphore_mem>>) src(%dma_wait3A_112 : memref<10000x128xf32, #tpu.memory_space<hbm>>) dst(%arg13 : memref<40x128xf32, #tpu.memory_space<vmem>>)
      %mul3A_113 = arith.constant 40 : i32
      %mul3A_114 = arith.muli %add3A_106, %mul3A_113 : i32
      %add3A_115 = arith.addi %mul3A_2, %mul3A_114 : i32
      %dma_wait3A_116 = tpu.memref_slice %arg4[%add3A_115] : memref<320000xi32, #tpu.memory_space<hbm>> -> memref<40xi32, #tpu.memory_space<hbm>>
      %dma_wait3A_117 = tpu.memref_slice %arg4[%add3A_115] : memref<320000xi32, #tpu.memory_space<hbm>> -> memref<40xi32, #tpu.memory_space<hbm>>
      tpu.wait_dma2 semaphore(%arg25 : memref<!tpu.dma_semaphore, #tpu.memory_space<semaphore_mem>>) src(%dma_wait3A_117 : memref<40xi32, #tpu.memory_space<hbm>>) dst(%arg8 : memref<40xi32, #tpu.memory_space<vmem>>)
      %dma_start3A_118 = arith.constant 0 : i32
      %dma_start3A_119 = arith.constant 0 : i32
      %dma_start3A_120 = tpu.memref_slice %arg18[%dma_start3A_118, %dma_start3A_119] : memref<10240x128xf32, #tpu.memory_space<vmem_shared>> -> memref<10240x128xf32, #tpu.memory_space<vmem_shared>>
      tpu.enqueue_indirect_dma source(%arg13 : memref<40x128xf32, #tpu.memory_space<vmem>>) target(%dma_start3A_120 : memref<10240x128xf32, #tpu.memory_space<vmem_shared>>) offsets(%arg8 : memref<40xi32, #tpu.memory_space<vmem>>) semaphore(%arg30 : memref<!tpu.dma_semaphore, #tpu.memory_space<semaphore_mem>>) {add = true}
      %add3A_121 = arith.constant 4 : i32
      %add3A_122 = arith.addi %add3A_106, %add3A_121 : i32
      %lt3A_123 = arith.constant 250 : i32
      %lt3A_124 = arith.cmpi slt, %add3A_122, %lt3A_123 : i32
      %convert_element_type3A_125 = arith.extui %lt3A_124 : i1 to i32
      %cond3A_126 = arith.constant 0 : i32
      %cond3A_127 = arith.cmpi ne, %convert_element_type3A_125, %cond3A_126 : i32
      scf.if %cond3A_127 {
        %dma_wait3A_197 = arith.constant 0 : i32
        %dma_wait3A_198 = arith.constant 0 : i32
        %dma_wait3A_199 = tpu.memref_slice %arg18[%dma_wait3A_197, %dma_wait3A_198] : memref<10240x128xf32, #tpu.memory_space<vmem_shared>> -> memref<10240x128xf32, #tpu.memory_space<vmem_shared>>
        tpu.wait_indirect_dma semaphore(%arg29 : memref<!tpu.dma_semaphore, #tpu.memory_space<semaphore_mem>>) src(%arg12 : memref<40x128xf32, #tpu.memory_space<vmem>>) dst(%dma_wait3A_199 : memref<10240x128xf32, #tpu.memory_space<vmem_shared>>)
        %mul3A_200 = arith.constant 40 : i32
        %mul3A_201 = arith.muli %add3A_122, %mul3A_200 : i32
        %add3A_202 = arith.addi %mul3A_2, %mul3A_201 : i32
        %dma_start3A_203 = tpu.memref_slice %arg4[%add3A_202] : memref<320000xi32, #tpu.memory_space<hbm>> -> memref<40xi32, #tpu.memory_space<hbm>>
        %dma_start3A_204 = tpu.memref_slice %arg4[%add3A_202] : memref<320000xi32, #tpu.memory_space<hbm>> -> memref<40xi32, #tpu.memory_space<hbm>>
        tpu.enqueue_dma source(%dma_start3A_204 : memref<40xi32, #tpu.memory_space<hbm>>) target(%arg7 : memref<40xi32, #tpu.memory_space<vmem>>) target_semaphore(%arg24 : memref<!tpu.dma_semaphore, #tpu.memory_space<semaphore_mem>>)
        %mul3A_205 = arith.constant 40 : i32
        %mul3A_206 = arith.muli %add3A_122, %mul3A_205 : i32
        %dma_start3A_207 = tpu.memref_slice %arg6[%mul3A_206] : memref<10000xi32, #tpu.memory_space<vmem>> -> memref<40xi32, #tpu.memory_space<vmem>>
        %dma_start3A_208 = arith.constant 0 : i32
        %dma_start3A_209 = arith.constant 0 : i32
        %dma_start3A_210 = tpu.memref_slice %arg2[%dma_start3A_208, %dma_start3A_209] : memref<10000x128xf32, #tpu.memory_space<hbm>> -> memref<10000x128xf32, #tpu.memory_space<hbm>>
        tpu.enqueue_indirect_dma source(%dma_start3A_210 : memref<10000x128xf32, #tpu.memory_space<hbm>>) target(%arg12 : memref<40x128xf32, #tpu.memory_space<vmem>>) offsets(%dma_start3A_207 : memref<40xi32, #tpu.memory_space<vmem>>) semaphore(%arg19 : memref<!tpu.dma_semaphore, #tpu.memory_space<semaphore_mem>>)
      } else {
      }
      %add3A_128 = arith.constant 2 : i32
      %add3A_129 = arith.addi %add3A_79, %add3A_128 : i32
      %mul3A_130 = arith.constant 40 : i32
      %mul3A_131 = arith.muli %add3A_129, %mul3A_130 : i32
      %dma_wait3A_132 = tpu.memref_slice %arg6[%mul3A_131] : memref<10000xi32, #tpu.memory_space<vmem>> -> memref<40xi32, #tpu.memory_space<vmem>>
      %dma_wait3A_133 = arith.constant 0 : i32
      %dma_wait3A_134 = arith.constant 0 : i32
      %dma_wait3A_135 = tpu.memref_slice %arg2[%dma_wait3A_133, %dma_wait3A_134] : memref<10000x128xf32, #tpu.memory_space<hbm>> -> memref<10000x128xf32, #tpu.memory_space<hbm>>
      tpu.wait_indirect_dma semaphore(%arg21 : memref<!tpu.dma_semaphore, #tpu.memory_space<semaphore_mem>>) src(%dma_wait3A_135 : memref<10000x128xf32, #tpu.memory_space<hbm>>) dst(%arg14 : memref<40x128xf32, #tpu.memory_space<vmem>>)
      %mul3A_136 = arith.constant 40 : i32
      %mul3A_137 = arith.muli %add3A_129, %mul3A_136 : i32
      %add3A_138 = arith.addi %mul3A_2, %mul3A_137 : i32
      %dma_wait3A_139 = tpu.memref_slice %arg4[%add3A_138] : memref<320000xi32, #tpu.memory_space<hbm>> -> memref<40xi32, #tpu.memory_space<hbm>>
      %dma_wait3A_140 = tpu.memref_slice %arg4[%add3A_138] : memref<320000xi32, #tpu.memory_space<hbm>> -> memref<40xi32, #tpu.memory_space<hbm>>
      tpu.wait_dma2 semaphore(%arg26 : memref<!tpu.dma_semaphore, #tpu.memory_space<semaphore_mem>>) src(%dma_wait3A_140 : memref<40xi32, #tpu.memory_space<hbm>>) dst(%arg9 : memref<40xi32, #tpu.memory_space<vmem>>)
      %dma_start3A_141 = arith.constant 0 : i32
      %dma_start3A_142 = arith.constant 0 : i32
      %dma_start3A_143 = tpu.memref_slice %arg18[%dma_start3A_141, %dma_start3A_142] : memref<10240x128xf32, #tpu.memory_space<vmem_shared>> -> memref<10240x128xf32, #tpu.memory_space<vmem_shared>>
      tpu.enqueue_indirect_dma source(%arg14 : memref<40x128xf32, #tpu.memory_space<vmem>>) target(%dma_start3A_143 : memref<10240x128xf32, #tpu.memory_space<vmem_shared>>) offsets(%arg9 : memref<40xi32, #tpu.memory_space<vmem>>) semaphore(%arg31 : memref<!tpu.dma_semaphore, #tpu.memory_space<semaphore_mem>>) {add = true}
      %add3A_144 = arith.constant 4 : i32
      %add3A_145 = arith.addi %add3A_129, %add3A_144 : i32
      %lt3A_146 = arith.constant 250 : i32
      %lt3A_147 = arith.cmpi slt, %add3A_145, %lt3A_146 : i32
      %convert_element_type3A_148 = arith.extui %lt3A_147 : i1 to i32
      %cond3A_149 = arith.constant 0 : i32
      %cond3A_150 = arith.cmpi ne, %convert_element_type3A_148, %cond3A_149 : i32
      scf.if %cond3A_150 {
        %dma_wait3A_197 = arith.constant 0 : i32
        %dma_wait3A_198 = arith.constant 0 : i32
        %dma_wait3A_199 = tpu.memref_slice %arg18[%dma_wait3A_197, %dma_wait3A_198] : memref<10240x128xf32, #tpu.memory_space<vmem_shared>> -> memref<10240x128xf32, #tpu.memory_space<vmem_shared>>
        tpu.wait_indirect_dma semaphore(%arg30 : memref<!tpu.dma_semaphore, #tpu.memory_space<semaphore_mem>>) src(%arg13 : memref<40x128xf32, #tpu.memory_space<vmem>>) dst(%dma_wait3A_199 : memref<10240x128xf32, #tpu.memory_space<vmem_shared>>)
        %mul3A_200 = arith.constant 40 : i32
        %mul3A_201 = arith.muli %add3A_145, %mul3A_200 : i32
        %add3A_202 = arith.addi %mul3A_2, %mul3A_201 : i32
        %dma_start3A_203 = tpu.memref_slice %arg4[%add3A_202] : memref<320000xi32, #tpu.memory_space<hbm>> -> memref<40xi32, #tpu.memory_space<hbm>>
        %dma_start3A_204 = tpu.memref_slice %arg4[%add3A_202] : memref<320000xi32, #tpu.memory_space<hbm>> -> memref<40xi32, #tpu.memory_space<hbm>>
        tpu.enqueue_dma source(%dma_start3A_204 : memref<40xi32, #tpu.memory_space<hbm>>) target(%arg8 : memref<40xi32, #tpu.memory_space<vmem>>) target_semaphore(%arg25 : memref<!tpu.dma_semaphore, #tpu.memory_space<semaphore_mem>>)
        %mul3A_205 = arith.constant 40 : i32
        %mul3A_206 = arith.muli %add3A_145, %mul3A_205 : i32
        %dma_start3A_207 = tpu.memref_slice %arg6[%mul3A_206] : memref<10000xi32, #tpu.memory_space<vmem>> -> memref<40xi32, #tpu.memory_space<vmem>>
        %dma_start3A_208 = arith.constant 0 : i32
        %dma_start3A_209 = arith.constant 0 : i32
        %dma_start3A_210 = tpu.memref_slice %arg2[%dma_start3A_208, %dma_start3A_209] : memref<10000x128xf32, #tpu.memory_space<hbm>> -> memref<10000x128xf32, #tpu.memory_space<hbm>>
        tpu.enqueue_indirect_dma source(%dma_start3A_210 : memref<10000x128xf32, #tpu.memory_space<hbm>>) target(%arg13 : memref<40x128xf32, #tpu.memory_space<vmem>>) offsets(%dma_start3A_207 : memref<40xi32, #tpu.memory_space<vmem>>) semaphore(%arg20 : memref<!tpu.dma_semaphore, #tpu.memory_space<semaphore_mem>>)
      } else {
      }
      %add3A_151 = arith.constant 3 : i32
      %add3A_152 = arith.addi %add3A_79, %add3A_151 : i32
      %mul3A_153 = arith.constant 40 : i32
      %mul3A_154 = arith.muli %add3A_152, %mul3A_153 : i32
      %dma_wait3A_155 = tpu.memref_slice %arg6[%mul3A_154] : memref<10000xi32, #tpu.memory_space<vmem>> -> memref<40xi32, #tpu.memory_space<vmem>>
      %dma_wait3A_156 = arith.constant 0 : i32
      %dma_wait3A_157 = arith.constant 0 : i32
      %dma_wait3A_158 = tpu.memref_slice %arg2[%dma_wait3A_156, %dma_wait3A_157] : memref<10000x128xf32, #tpu.memory_space<hbm>> -> memref<10000x128xf32, #tpu.memory_space<hbm>>
      tpu.wait_indirect_dma semaphore(%arg22 : memref<!tpu.dma_semaphore, #tpu.memory_space<semaphore_mem>>) src(%dma_wait3A_158 : memref<10000x128xf32, #tpu.memory_space<hbm>>) dst(%arg15 : memref<40x128xf32, #tpu.memory_space<vmem>>)
      %mul3A_159 = arith.constant 40 : i32
      %mul3A_160 = arith.muli %add3A_152, %mul3A_159 : i32
      %add3A_161 = arith.addi %mul3A_2, %mul3A_160 : i32
      %dma_wait3A_162 = tpu.memref_slice %arg4[%add3A_161] : memref<320000xi32, #tpu.memory_space<hbm>> -> memref<40xi32, #tpu.memory_space<hbm>>
      %dma_wait3A_163 = tpu.memref_slice %arg4[%add3A_161] : memref<320000xi32, #tpu.memory_space<hbm>> -> memref<40xi32, #tpu.memory_space<hbm>>
      tpu.wait_dma2 semaphore(%arg27 : memref<!tpu.dma_semaphore, #tpu.memory_space<semaphore_mem>>) src(%dma_wait3A_163 : memref<40xi32, #tpu.memory_space<hbm>>) dst(%arg10 : memref<40xi32, #tpu.memory_space<vmem>>)
      %dma_start3A_164 = arith.constant 0 : i32
      %dma_start3A_165 = arith.constant 0 : i32
      %dma_start3A_166 = tpu.memref_slice %arg18[%dma_start3A_164, %dma_start3A_165] : memref<10240x128xf32, #tpu.memory_space<vmem_shared>> -> memref<10240x128xf32, #tpu.memory_space<vmem_shared>>
      tpu.enqueue_indirect_dma source(%arg15 : memref<40x128xf32, #tpu.memory_space<vmem>>) target(%dma_start3A_166 : memref<10240x128xf32, #tpu.memory_space<vmem_shared>>) offsets(%arg10 : memref<40xi32, #tpu.memory_space<vmem>>) semaphore(%arg32 : memref<!tpu.dma_semaphore, #tpu.memory_space<semaphore_mem>>) {add = true}
      %add3A_167 = arith.constant 4 : i32
      %add3A_168 = arith.addi %add3A_152, %add3A_167 : i32
      %lt3A_169 = arith.constant 250 : i32
      %lt3A_170 = arith.cmpi slt, %add3A_168, %lt3A_169 : i32
      %convert_element_type3A_171 = arith.extui %lt3A_170 : i1 to i32
      %cond3A_172 = arith.constant 0 : i32
      %cond3A_173 = arith.cmpi ne, %convert_element_type3A_171, %cond3A_172 : i32
      scf.if %cond3A_173 {
        %dma_wait3A_197 = arith.constant 0 : i32
        %dma_wait3A_198 = arith.constant 0 : i32
        %dma_wait3A_199 = tpu.memref_slice %arg18[%dma_wait3A_197, %dma_wait3A_198] : memref<10240x128xf32, #tpu.memory_space<vmem_shared>> -> memref<10240x128xf32, #tpu.memory_space<vmem_shared>>
        tpu.wait_indirect_dma semaphore(%arg31 : memref<!tpu.dma_semaphore, #tpu.memory_space<semaphore_mem>>) src(%arg14 : memref<40x128xf32, #tpu.memory_space<vmem>>) dst(%dma_wait3A_199 : memref<10240x128xf32, #tpu.memory_space<vmem_shared>>)
        %mul3A_200 = arith.constant 40 : i32
        %mul3A_201 = arith.muli %add3A_168, %mul3A_200 : i32
        %add3A_202 = arith.addi %mul3A_2, %mul3A_201 : i32
        %dma_start3A_203 = tpu.memref_slice %arg4[%add3A_202] : memref<320000xi32, #tpu.memory_space<hbm>> -> memref<40xi32, #tpu.memory_space<hbm>>
        %dma_start3A_204 = tpu.memref_slice %arg4[%add3A_202] : memref<320000xi32, #tpu.memory_space<hbm>> -> memref<40xi32, #tpu.memory_space<hbm>>
        tpu.enqueue_dma source(%dma_start3A_204 : memref<40xi32, #tpu.memory_space<hbm>>) target(%arg9 : memref<40xi32, #tpu.memory_space<vmem>>) target_semaphore(%arg26 : memref<!tpu.dma_semaphore, #tpu.memory_space<semaphore_mem>>)
        %mul3A_205 = arith.constant 40 : i32
        %mul3A_206 = arith.muli %add3A_168, %mul3A_205 : i32
        %dma_start3A_207 = tpu.memref_slice %arg6[%mul3A_206] : memref<10000xi32, #tpu.memory_space<vmem>> -> memref<40xi32, #tpu.memory_space<vmem>>
        %dma_start3A_208 = arith.constant 0 : i32
        %dma_start3A_209 = arith.constant 0 : i32
        %dma_start3A_210 = tpu.memref_slice %arg2[%dma_start3A_208, %dma_start3A_209] : memref<10000x128xf32, #tpu.memory_space<hbm>> -> memref<10000x128xf32, #tpu.memory_space<hbm>>
        tpu.enqueue_indirect_dma source(%dma_start3A_210 : memref<10000x128xf32, #tpu.memory_space<hbm>>) target(%arg14 : memref<40x128xf32, #tpu.memory_space<vmem>>) offsets(%dma_start3A_207 : memref<40xi32, #tpu.memory_space<vmem>>) semaphore(%arg21 : memref<!tpu.dma_semaphore, #tpu.memory_space<semaphore_mem>>)
      } else {
      }
      %add3A_174 = arith.constant 4 : i32
      %add3A_175 = arith.addi %add3A_79, %add3A_174 : i32
      %mul3A_176 = arith.constant 40 : i32
      %mul3A_177 = arith.muli %add3A_175, %mul3A_176 : i32
      %dma_wait3A_178 = tpu.memref_slice %arg6[%mul3A_177] : memref<10000xi32, #tpu.memory_space<vmem>> -> memref<40xi32, #tpu.memory_space<vmem>>
      %dma_wait3A_179 = arith.constant 0 : i32
      %dma_wait3A_180 = arith.constant 0 : i32
      %dma_wait3A_181 = tpu.memref_slice %arg2[%dma_wait3A_179, %dma_wait3A_180] : memref<10000x128xf32, #tpu.memory_space<hbm>> -> memref<10000x128xf32, #tpu.memory_space<hbm>>
      tpu.wait_indirect_dma semaphore(%arg23 : memref<!tpu.dma_semaphore, #tpu.memory_space<semaphore_mem>>) src(%dma_wait3A_181 : memref<10000x128xf32, #tpu.memory_space<hbm>>) dst(%arg16 : memref<40x128xf32, #tpu.memory_space<vmem>>)
      %mul3A_182 = arith.constant 40 : i32
      %mul3A_183 = arith.muli %add3A_175, %mul3A_182 : i32
      %add3A_184 = arith.addi %mul3A_2, %mul3A_183 : i32
      %dma_wait3A_185 = tpu.memref_slice %arg4[%add3A_184] : memref<320000xi32, #tpu.memory_space<hbm>> -> memref<40xi32, #tpu.memory_space<hbm>>
      %dma_wait3A_186 = tpu.memref_slice %arg4[%add3A_184] : memref<320000xi32, #tpu.memory_space<hbm>> -> memref<40xi32, #tpu.memory_space<hbm>>
      tpu.wait_dma2 semaphore(%arg28 : memref<!tpu.dma_semaphore, #tpu.memory_space<semaphore_mem>>) src(%dma_wait3A_186 : memref<40xi32, #tpu.memory_space<hbm>>) dst(%arg11 : memref<40xi32, #tpu.memory_space<vmem>>)
      %dma_start3A_187 = arith.constant 0 : i32
      %dma_start3A_188 = arith.constant 0 : i32
      %dma_start3A_189 = tpu.memref_slice %arg18[%dma_start3A_187, %dma_start3A_188] : memref<10240x128xf32, #tpu.memory_space<vmem_shared>> -> memref<10240x128xf32, #tpu.memory_space<vmem_shared>>
      tpu.enqueue_indirect_dma source(%arg16 : memref<40x128xf32, #tpu.memory_space<vmem>>) target(%dma_start3A_189 : memref<10240x128xf32, #tpu.memory_space<vmem_shared>>) offsets(%arg11 : memref<40xi32, #tpu.memory_space<vmem>>) semaphore(%arg33 : memref<!tpu.dma_semaphore, #tpu.memory_space<semaphore_mem>>) {add = true}
      %add3A_190 = arith.constant 4 : i32
      %add3A_191 = arith.addi %add3A_175, %add3A_190 : i32
      %lt3A_192 = arith.constant 250 : i32
      %lt3A_193 = arith.cmpi slt, %add3A_191, %lt3A_192 : i32
      %convert_element_type3A_194 = arith.extui %lt3A_193 : i1 to i32
      %cond3A_195 = arith.constant 0 : i32
      %cond3A_196 = arith.cmpi ne, %convert_element_type3A_194, %cond3A_195 : i32
      scf.if %cond3A_196 {
        %dma_wait3A_197 = arith.constant 0 : i32
        %dma_wait3A_198 = arith.constant 0 : i32
        %dma_wait3A_199 = tpu.memref_slice %arg18[%dma_wait3A_197, %dma_wait3A_198] : memref<10240x128xf32, #tpu.memory_space<vmem_shared>> -> memref<10240x128xf32, #tpu.memory_space<vmem_shared>>
        tpu.wait_indirect_dma semaphore(%arg32 : memref<!tpu.dma_semaphore, #tpu.memory_space<semaphore_mem>>) src(%arg15 : memref<40x128xf32, #tpu.memory_space<vmem>>) dst(%dma_wait3A_199 : memref<10240x128xf32, #tpu.memory_space<vmem_shared>>)
        %mul3A_200 = arith.constant 40 : i32
        %mul3A_201 = arith.muli %add3A_191, %mul3A_200 : i32
        %add3A_202 = arith.addi %mul3A_2, %mul3A_201 : i32
        %dma_start3A_203 = tpu.memref_slice %arg4[%add3A_202] : memref<320000xi32, #tpu.memory_space<hbm>> -> memref<40xi32, #tpu.memory_space<hbm>>
        %dma_start3A_204 = tpu.memref_slice %arg4[%add3A_202] : memref<320000xi32, #tpu.memory_space<hbm>> -> memref<40xi32, #tpu.memory_space<hbm>>
        tpu.enqueue_dma source(%dma_start3A_204 : memref<40xi32, #tpu.memory_space<hbm>>) target(%arg10 : memref<40xi32, #tpu.memory_space<vmem>>) target_semaphore(%arg27 : memref<!tpu.dma_semaphore, #tpu.memory_space<semaphore_mem>>)
        %mul3A_205 = arith.constant 40 : i32
        %mul3A_206 = arith.muli %add3A_191, %mul3A_205 : i32
        %dma_start3A_207 = tpu.memref_slice %arg6[%mul3A_206] : memref<10000xi32, #tpu.memory_space<vmem>> -> memref<40xi32, #tpu.memory_space<vmem>>
        %dma_start3A_208 = arith.constant 0 : i32
        %dma_start3A_209 = arith.constant 0 : i32
        %dma_start3A_210 = tpu.memref_slice %arg2[%dma_start3A_208, %dma_start3A_209] : memref<10000x128xf32, #tpu.memory_space<hbm>> -> memref<10000x128xf32, #tpu.memory_space<hbm>>
        tpu.enqueue_indirect_dma source(%dma_start3A_210 : memref<10000x128xf32, #tpu.memory_space<hbm>>) target(%arg15 : memref<40x128xf32, #tpu.memory_space<vmem>>) offsets(%dma_start3A_207 : memref<40xi32, #tpu.memory_space<vmem>>) semaphore(%arg22 : memref<!tpu.dma_semaphore, #tpu.memory_space<semaphore_mem>>)
      } else {
      }
    }
    %scan3A_52 = arith.constant 50 : i32
    %dma_wait3A = arith.constant 0 : i32
    %dma_wait3A_53 = arith.constant 0 : i32
    %dma_wait3A_54 = tpu.memref_slice %arg18[%dma_wait3A, %dma_wait3A_53] : memref<10240x128xf32, #tpu.memory_space<vmem_shared>> -> memref<10240x128xf32, #tpu.memory_space<vmem_shared>>
    tpu.wait_indirect_dma semaphore(%arg29 : memref<!tpu.dma_semaphore, #tpu.memory_space<semaphore_mem>>) src(%arg12 : memref<40x128xf32, #tpu.memory_space<vmem>>) dst(%dma_wait3A_54 : memref<10240x128xf32, #tpu.memory_space<vmem_shared>>)
    %dma_wait3A_55 = arith.constant 0 : i32
    %dma_wait3A_56 = arith.constant 0 : i32
    %dma_wait3A_57 = tpu.memref_slice %arg18[%dma_wait3A_55, %dma_wait3A_56] : memref<10240x128xf32, #tpu.memory_space<vmem_shared>> -> memref<10240x128xf32, #tpu.memory_space<vmem_shared>>
    tpu.wait_indirect_dma semaphore(%arg30 : memref<!tpu.dma_semaphore, #tpu.memory_space<semaphore_mem>>) src(%arg13 : memref<40x128xf32, #tpu.memory_space<vmem>>) dst(%dma_wait3A_57 : memref<10240x128xf32, #tpu.memory_space<vmem_shared>>)
    %dma_wait3A_58 = arith.constant 0 : i32
    %dma_wait3A_59 = arith.constant 0 : i32
    %dma_wait3A_60 = tpu.memref_slice %arg18[%dma_wait3A_58, %dma_wait3A_59] : memref<10240x128xf32, #tpu.memory_space<vmem_shared>> -> memref<10240x128xf32, #tpu.memory_space<vmem_shared>>
    tpu.wait_indirect_dma semaphore(%arg31 : memref<!tpu.dma_semaphore, #tpu.memory_space<semaphore_mem>>) src(%arg14 : memref<40x128xf32, #tpu.memory_space<vmem>>) dst(%dma_wait3A_60 : memref<10240x128xf32, #tpu.memory_space<vmem_shared>>)
    %dma_wait3A_61 = arith.constant 0 : i32
    %dma_wait3A_62 = arith.constant 0 : i32
    %dma_wait3A_63 = tpu.memref_slice %arg18[%dma_wait3A_61, %dma_wait3A_62] : memref<10240x128xf32, #tpu.memory_space<vmem_shared>> -> memref<10240x128xf32, #tpu.memory_space<vmem_shared>>
    tpu.wait_indirect_dma semaphore(%arg32 : memref<!tpu.dma_semaphore, #tpu.memory_space<semaphore_mem>>) src(%arg15 : memref<40x128xf32, #tpu.memory_space<vmem>>) dst(%dma_wait3A_63 : memref<10240x128xf32, #tpu.memory_space<vmem_shared>>)
    %dma_wait3A_64 = arith.constant 0 : i32
    %dma_wait3A_65 = arith.constant 0 : i32
    %dma_wait3A_66 = tpu.memref_slice %arg18[%dma_wait3A_64, %dma_wait3A_65] : memref<10240x128xf32, #tpu.memory_space<vmem_shared>> -> memref<10240x128xf32, #tpu.memory_space<vmem_shared>>
    tpu.wait_indirect_dma semaphore(%arg33 : memref<!tpu.dma_semaphore, #tpu.memory_space<semaphore_mem>>) src(%arg16 : memref<40x128xf32, #tpu.memory_space<vmem>>) dst(%dma_wait3A_66 : memref<10240x128xf32, #tpu.memory_space<vmem_shared>>)
    %barrier3A_67 = arith.constant 0 : index
    tpu.barrier barrier_id(%barrier3A_67)
    %mul3A_68 = arith.constant 640 : i32
    %mul3A_69 = arith.muli %arg1, %mul3A_68 : i32
    %mul3A_70 = arith.constant 10240 : i32
    %mul3A_71 = arith.muli %arg0, %mul3A_70 : i32
    %mul3A_72 = arith.constant 640 : i32
    %mul3A_73 = arith.muli %arg1, %mul3A_72 : i32
    %add3A_74 = arith.addi %mul3A_71, %mul3A_73 : i32
    "tpu.region"() ({
      %run_scoped3A = tpu.sem_alloc : memref<!tpu.dma_semaphore, #tpu.memory_space<semaphore_mem>>
      %dma_start3A_75 = arith.constant 0 : i32
      %dma_start3A_76 = tpu.memref_slice %arg5[%add3A_74, %dma_start3A_75] : memref<20480x128xf32, #tpu.memory_space<hbm>> -> memref<640x128xf32, #tpu.memory_space<hbm>>
      %dma_start3A_77 = arith.constant 0 : i32
      %dma_start3A_78 = tpu.memref_slice %arg18[%mul3A_69, %dma_start3A_77] : memref<10240x128xf32, #tpu.memory_space<vmem_shared>> -> memref<640x128xf32, #tpu.memory_space<vmem_shared>>
      tpu.enqueue_dma source(%dma_start3A_78 : memref<640x128xf32, #tpu.memory_space<vmem_shared>>) target(%dma_start3A_76 : memref<640x128xf32, #tpu.memory_space<hbm>>) target_semaphore(%run_scoped3A : memref<!tpu.dma_semaphore, #tpu.memory_space<semaphore_mem>>)
      %dma_wait3A_79 = arith.constant 0 : i32
      %dma_wait3A_80 = tpu.memref_slice %arg5[%add3A_74, %dma_wait3A_79] : memref<20480x128xf32, #tpu.memory_space<hbm>> -> memref<640x128xf32, #tpu.memory_space<hbm>>
      %dma_wait3A_81 = arith.constant 0 : i32
      %dma_wait3A_82 = tpu.memref_slice %arg18[%mul3A_69, %dma_wait3A_81] : memref<10240x128xf32, #tpu.memory_space<vmem_shared>> -> memref<640x128xf32, #tpu.memory_space<vmem_shared>>
      tpu.wait_dma2 semaphore(%run_scoped3A : memref<!tpu.dma_semaphore, #tpu.memory_space<semaphore_mem>>) src(%dma_wait3A_82 : memref<640x128xf32, #tpu.memory_space<vmem_shared>>) dst(%dma_wait3A_80 : memref<640x128xf32, #tpu.memory_space<hbm>>)
      tpu.yield
    }) : () -> ()
    return
  }
}

#map = affine_map<(d0, d1) -> (0)>
#map1 = affine_map<(d0, d1) -> (0, 0)>
module attributes {stable_mosaic.version = 14 : i64} {
  func.func @deg_kernel(%arg0: i32, %arg1: i32, %arg2: memref<320000xi32, #tpu.memory_space<hbm>>, %arg3: memref<20480x128xf32, #tpu.memory_space<hbm>>, %arg4: memref<40xi32, #tpu.memory_space<vmem>>, %arg5: memref<40xi32, #tpu.memory_space<vmem>>, %arg6: memref<40xi32, #tpu.memory_space<vmem>>, %arg7: memref<40xi32, #tpu.memory_space<vmem>>, %arg8: memref<40xi32, #tpu.memory_space<vmem>>, %arg9: memref<40x128xf32, #tpu.memory_space<vmem>>, %arg10: memref<32x128xf32, #tpu.memory_space<vmem>>, %arg11: memref<10240x128xf32, #tpu.memory_space<vmem_shared>>, %arg12: memref<!tpu.dma_semaphore, #tpu.memory_space<semaphore_mem>>, %arg13: memref<!tpu.dma_semaphore, #tpu.memory_space<semaphore_mem>>, %arg14: memref<!tpu.dma_semaphore, #tpu.memory_space<semaphore_mem>>, %arg15: memref<!tpu.dma_semaphore, #tpu.memory_space<semaphore_mem>>, %arg16: memref<!tpu.dma_semaphore, #tpu.memory_space<semaphore_mem>>, %arg17: memref<!tpu.dma_semaphore, #tpu.memory_space<semaphore_mem>>, %arg18: memref<!tpu.dma_semaphore, #tpu.memory_space<semaphore_mem>>, %arg19: memref<!tpu.dma_semaphore, #tpu.memory_space<semaphore_mem>>, %arg20: memref<!tpu.dma_semaphore, #tpu.memory_space<semaphore_mem>>, %arg21: memref<!tpu.dma_semaphore, #tpu.memory_space<semaphore_mem>>) attributes {dimension_semantics = [#tpu.dimension_semantics<core_parallel>, #tpu.dimension_semantics<subcore_parallel>], iteration_bounds = array<i64: 2, 16>, scalar_prefetch = 0 : i64, scratch_operands = 18 : i64, tpu.core_type = #tpu.core_type<sc_vector_subcore>, window_params = [{transform_indices = #map}, {transform_indices = #map1}]} {
    %mul3A = arith.constant 16 : i32
    %mul3A_0 = arith.muli %arg0, %mul3A : i32
    %add3A = arith.addi %mul3A_0, %arg1 : i32
    %mul3A_1 = arith.constant 10000 : i32
    %mul3A_2 = arith.muli %add3A, %mul3A_1 : i32
    %iota3A = tpu.iota {dimensions = array<i32: 0>} : vector<16xi32>
    %eq3A = arith.constant 0 : i32
    %eq3A_3 = vector.broadcast %eq3A : i32 to vector<16xi32>
    %eq3A_4 = arith.cmpi eq, %iota3A, %eq3A_3 : vector<16xi32>
    %jit3A = arith.constant 1.000000e+00 : f32
    %jit3A_5 = arith.constant 0.000000e+00 : f32
    %broadcast_in_dim3A = vector.broadcast %jit3A : f32 to vector<16xf32>
    %broadcast_in_dim3A_6 = vector.broadcast %jit3A_5 : f32 to vector<16xf32>
    %select_n3A = arith.select %eq3A_4, %broadcast_in_dim3A, %broadcast_in_dim3A_6 : vector<16xi1>, vector<16xf32>
    %broadcast_in_dim3A_7 = arith.constant 0.000000e+00 : f32
    %broadcast_in_dim3A_8 = vector.broadcast %broadcast_in_dim3A_7 : f32 to vector<16xf32>
    %add3A_9 = arith.constant 0 : i32
    %add3A_10 = arith.addi %mul3A_2, %add3A_9 : i32
    %dma_start3A = tpu.memref_slice %arg2[%add3A_10] : memref<320000xi32, #tpu.memory_space<hbm>> -> memref<40xi32, #tpu.memory_space<hbm>>
    %dma_start3A_11 = tpu.memref_slice %arg2[%add3A_10] : memref<320000xi32, #tpu.memory_space<hbm>> -> memref<40xi32, #tpu.memory_space<hbm>>
    tpu.enqueue_dma source(%dma_start3A_11 : memref<40xi32, #tpu.memory_space<hbm>>) target(%arg4 : memref<40xi32, #tpu.memory_space<vmem>>) target_semaphore(%arg12 : memref<!tpu.dma_semaphore, #tpu.memory_space<semaphore_mem>>)
    %add3A_12 = arith.constant 40 : i32
    %add3A_13 = arith.addi %mul3A_2, %add3A_12 : i32
    %dma_start3A_14 = tpu.memref_slice %arg2[%add3A_13] : memref<320000xi32, #tpu.memory_space<hbm>> -> memref<40xi32, #tpu.memory_space<hbm>>
    %dma_start3A_15 = tpu.memref_slice %arg2[%add3A_13] : memref<320000xi32, #tpu.memory_space<hbm>> -> memref<40xi32, #tpu.memory_space<hbm>>
    tpu.enqueue_dma source(%dma_start3A_15 : memref<40xi32, #tpu.memory_space<hbm>>) target(%arg5 : memref<40xi32, #tpu.memory_space<vmem>>) target_semaphore(%arg13 : memref<!tpu.dma_semaphore, #tpu.memory_space<semaphore_mem>>)
    %add3A_16 = arith.constant 80 : i32
    %add3A_17 = arith.addi %mul3A_2, %add3A_16 : i32
    %dma_start3A_18 = tpu.memref_slice %arg2[%add3A_17] : memref<320000xi32, #tpu.memory_space<hbm>> -> memref<40xi32, #tpu.memory_space<hbm>>
    %dma_start3A_19 = tpu.memref_slice %arg2[%add3A_17] : memref<320000xi32, #tpu.memory_space<hbm>> -> memref<40xi32, #tpu.memory_space<hbm>>
    tpu.enqueue_dma source(%dma_start3A_19 : memref<40xi32, #tpu.memory_space<hbm>>) target(%arg6 : memref<40xi32, #tpu.memory_space<vmem>>) target_semaphore(%arg14 : memref<!tpu.dma_semaphore, #tpu.memory_space<semaphore_mem>>)
    %add3A_20 = arith.constant 120 : i32
    %add3A_21 = arith.addi %mul3A_2, %add3A_20 : i32
    %dma_start3A_22 = tpu.memref_slice %arg2[%add3A_21] : memref<320000xi32, #tpu.memory_space<hbm>> -> memref<40xi32, #tpu.memory_space<hbm>>
    %dma_start3A_23 = tpu.memref_slice %arg2[%add3A_21] : memref<320000xi32, #tpu.memory_space<hbm>> -> memref<40xi32, #tpu.memory_space<hbm>>
    tpu.enqueue_dma source(%dma_start3A_23 : memref<40xi32, #tpu.memory_space<hbm>>) target(%arg7 : memref<40xi32, #tpu.memory_space<vmem>>) target_semaphore(%arg15 : memref<!tpu.dma_semaphore, #tpu.memory_space<semaphore_mem>>)
    %scan3A = arith.constant 0 : i32
    %scan3A_24 = arith.constant 40 : i32
    %scan3A_25 = arith.addi %scan3A, %scan3A_24 : i32
    %scan3A_26 = arith.constant 1 : i32
    scf.for %scan3A_65 = %scan3A to %scan3A_25 step %scan3A_26  : i32 {
      %mul3A_66 = arith.constant 1 : i32
      %mul3A_67 = arith.muli %scan3A_65, %mul3A_66 : i32
      %add3A_68 = arith.constant 0 : i32
      %add3A_69 = arith.addi %add3A_68, %mul3A_67 : i32
      %swap3A = arith.index_cast %add3A_69 : i32 to index
      %swap3A_70 = arith.constant 0 : index
      %swap3A_71 = tpu.vector_load %arg9[%swap3A, %swap3A_70] {strides = array<i32>} : memref<40x128xf32, #tpu.memory_space<vmem>>, vector<1x16xf32>,
      %swap3A_72 = vector.shape_cast %swap3A_71 : vector<1x16xf32> to vector<16xf32>
      %swap3A_73 = vector.shape_cast %select_n3A : vector<16xf32> to vector<1x16xf32>
      tpu.vector_store %arg9[%swap3A, %swap3A_70], %swap3A_73 {strides = array<i32>} : memref<40x128xf32, #tpu.memory_space<vmem>>, vector<1x16xf32>,
      %scan3A_74 = arith.constant 0 : i32
      %scan3A_75 = arith.constant 7 : i32
      %scan3A_76 = arith.addi %scan3A_74, %scan3A_75 : i32
      %scan3A_77 = arith.constant 1 : i32
      scf.for %scan3A_79 = %scan3A_74 to %scan3A_76 step %scan3A_77  : i32 {
        %mul3A_80 = arith.constant 16 : i32
        %mul3A_81 = arith.muli %scan3A_79, %mul3A_80 : i32
        %add3A_82 = arith.constant 16 : i32
        %add3A_83 = arith.addi %add3A_82, %mul3A_81 : i32
        %swap3A_84 = arith.index_cast %add3A_69 : i32 to index
        %swap3A_85 = arith.index_cast %add3A_83 : i32 to index
        %swap3A_86 = tpu.vector_load %arg9[%swap3A_84, %swap3A_85] {strides = array<i32>} : memref<40x128xf32, #tpu.memory_space<vmem>>, vector<1x16xf32>,
        %swap3A_87 = vector.shape_cast %swap3A_86 : vector<1x16xf32> to vector<16xf32>
        %swap3A_88 = vector.shape_cast %broadcast_in_dim3A_8 : vector<16xf32> to vector<1x16xf32>
        tpu.vector_store %arg9[%swap3A_84, %swap3A_85], %swap3A_88 {strides = array<i32>} : memref<40x128xf32, #tpu.memory_space<vmem>>, vector<1x16xf32>,
      }
      %scan3A_78 = arith.constant 7 : i32
    }
    %scan3A_27 = arith.constant 40 : i32
    %scan3A_28 = arith.constant 0 : i32
    %scan3A_29 = arith.constant 32 : i32
    %scan3A_30 = arith.addi %scan3A_28, %scan3A_29 : i32
    %scan3A_31 = arith.constant 1 : i32
    scf.for %scan3A_65 = %scan3A_28 to %scan3A_30 step %scan3A_31  : i32 {
      %mul3A_66 = arith.constant 1 : i32
      %mul3A_67 = arith.muli %scan3A_65, %mul3A_66 : i32
      %add3A_68 = arith.constant 0 : i32
      %add3A_69 = arith.addi %add3A_68, %mul3A_67 : i32
      %scan3A_70 = arith.constant 0 : i32
      %scan3A_71 = arith.constant 8 : i32
      %scan3A_72 = arith.addi %scan3A_70, %scan3A_71 : i32
      %scan3A_73 = arith.constant 1 : i32
      scf.for %scan3A_75 = %scan3A_70 to %scan3A_72 step %scan3A_73  : i32 {
        %mul3A_76 = arith.constant 16 : i32
        %mul3A_77 = arith.muli %scan3A_75, %mul3A_76 : i32
        %add3A_78 = arith.constant 0 : i32
        %add3A_79 = arith.addi %add3A_78, %mul3A_77 : i32
        %swap3A = arith.index_cast %add3A_69 : i32 to index
        %swap3A_80 = arith.index_cast %add3A_79 : i32 to index
        %swap3A_81 = tpu.vector_load %arg10[%swap3A, %swap3A_80] {strides = array<i32>} : memref<32x128xf32, #tpu.memory_space<vmem>>, vector<1x16xf32>,
        %swap3A_82 = vector.shape_cast %swap3A_81 : vector<1x16xf32> to vector<16xf32>
        %swap3A_83 = vector.shape_cast %broadcast_in_dim3A_8 : vector<16xf32> to vector<1x16xf32>
        tpu.vector_store %arg10[%swap3A, %swap3A_80], %swap3A_83 {strides = array<i32>} : memref<32x128xf32, #tpu.memory_space<vmem>>, vector<1x16xf32>,
      }
      %scan3A_74 = arith.constant 8 : i32
    }
    %scan3A_32 = arith.constant 32 : i32
    %scan3A_33 = arith.constant 0 : i32
    %scan3A_34 = arith.constant 20 : i32
    %scan3A_35 = arith.addi %scan3A_33, %scan3A_34 : i32
    %scan3A_36 = arith.constant 1 : i32
    scf.for %scan3A_65 = %scan3A_33 to %scan3A_35 step %scan3A_36  : i32 {
      %mul3A_66 = arith.constant 32 : i32
      %mul3A_67 = arith.muli %scan3A_65, %mul3A_66 : i32
      %add3A_68 = arith.constant 0 : i32
      %add3A_69 = arith.addi %add3A_68, %mul3A_67 : i32
      %mul3A_70 = arith.constant 640 : i32
      %mul3A_71 = arith.muli %arg1, %mul3A_70 : i32
      %add3A_72 = arith.addi %mul3A_71, %add3A_69 : i32
      "tpu.region"() ({
        %run_scoped3A = tpu.sem_alloc : memref<!tpu.dma_semaphore, #tpu.memory_space<semaphore_mem>>
        %dma_start3A_73 = arith.constant 0 : i32
        %dma_start3A_74 = tpu.memref_slice %arg11[%add3A_72, %dma_start3A_73] : memref<10240x128xf32, #tpu.memory_space<vmem_shared>> -> memref<32x128xf32, #tpu.memory_space<vmem_shared>>
        %dma_start3A_75 = arith.constant 0 : i32
        %dma_start3A_76 = tpu.memref_slice %arg11[%add3A_72, %dma_start3A_75] : memref<10240x128xf32, #tpu.memory_space<vmem_shared>> -> memref<32x128xf32, #tpu.memory_space<vmem_shared>>
        tpu.enqueue_dma source(%arg10 : memref<32x128xf32, #tpu.memory_space<vmem>>) target(%dma_start3A_76 : memref<32x128xf32, #tpu.memory_space<vmem_shared>>) target_semaphore(%run_scoped3A : memref<!tpu.dma_semaphore, #tpu.memory_space<semaphore_mem>>)
        %dma_wait3A_77 = arith.constant 0 : i32
        %dma_wait3A_78 = tpu.memref_slice %arg11[%add3A_72, %dma_wait3A_77] : memref<10240x128xf32, #tpu.memory_space<vmem_shared>> -> memref<32x128xf32, #tpu.memory_space<vmem_shared>>
        %dma_wait3A_79 = arith.constant 0 : i32
        %dma_wait3A_80 = tpu.memref_slice %arg11[%add3A_72, %dma_wait3A_79] : memref<10240x128xf32, #tpu.memory_space<vmem_shared>> -> memref<32x128xf32, #tpu.memory_space<vmem_shared>>
        tpu.wait_dma2 semaphore(%run_scoped3A : memref<!tpu.dma_semaphore, #tpu.memory_space<semaphore_mem>>) src(%arg10 : memref<32x128xf32, #tpu.memory_space<vmem>>) dst(%dma_wait3A_80 : memref<32x128xf32, #tpu.memory_space<vmem_shared>>)
        tpu.yield
      }) : () -> ()
    }
    %scan3A_37 = arith.constant 20 : i32
    %barrier3A = arith.constant 0 : index
    tpu.barrier barrier_id(%barrier3A)
    %scan3A_38 = arith.constant 0 : i32
    %scan3A_39 = arith.constant 50 : i32
    %scan3A_40 = arith.addi %scan3A_38, %scan3A_39 : i32
    %scan3A_41 = arith.constant 1 : i32
    scf.for %scan3A_65 = %scan3A_38 to %scan3A_40 step %scan3A_41  : i32 {
      %mul3A_66 = arith.constant 5 : i32
      %mul3A_67 = arith.muli %scan3A_65, %mul3A_66 : i32
      %add3A_68 = arith.constant 0 : i32
      %add3A_69 = arith.addi %add3A_68, %mul3A_67 : i32
      %add3A_70 = arith.constant 0 : i32
      %add3A_71 = arith.addi %add3A_69, %add3A_70 : i32
      %mul3A_72 = arith.constant 40 : i32
      %mul3A_73 = arith.muli %add3A_71, %mul3A_72 : i32
      %add3A_74 = arith.addi %mul3A_2, %mul3A_73 : i32
      %dma_wait3A_75 = tpu.memref_slice %arg2[%add3A_74] : memref<320000xi32, #tpu.memory_space<hbm>> -> memref<40xi32, #tpu.memory_space<hbm>>
      %dma_wait3A_76 = tpu.memref_slice %arg2[%add3A_74] : memref<320000xi32, #tpu.memory_space<hbm>> -> memref<40xi32, #tpu.memory_space<hbm>>
      tpu.wait_dma2 semaphore(%arg12 : memref<!tpu.dma_semaphore, #tpu.memory_space<semaphore_mem>>) src(%dma_wait3A_76 : memref<40xi32, #tpu.memory_space<hbm>>) dst(%arg4 : memref<40xi32, #tpu.memory_space<vmem>>)
      %dma_start3A_77 = arith.constant 0 : i32
      %dma_start3A_78 = arith.constant 0 : i32
      %dma_start3A_79 = tpu.memref_slice %arg11[%dma_start3A_77, %dma_start3A_78] : memref<10240x128xf32, #tpu.memory_space<vmem_shared>> -> memref<10240x128xf32, #tpu.memory_space<vmem_shared>>
      tpu.enqueue_indirect_dma source(%arg9 : memref<40x128xf32, #tpu.memory_space<vmem>>) target(%dma_start3A_79 : memref<10240x128xf32, #tpu.memory_space<vmem_shared>>) offsets(%arg4 : memref<40xi32, #tpu.memory_space<vmem>>) semaphore(%arg17 : memref<!tpu.dma_semaphore, #tpu.memory_space<semaphore_mem>>) {add = true}
      %add3A_80 = arith.constant 4 : i32
      %add3A_81 = arith.addi %add3A_71, %add3A_80 : i32
      %eq3A_82 = arith.constant 0 : i32
      %eq3A_83 = arith.cmpi eq, %add3A_69, %eq3A_82 : i32
      %convert_element_type3A = arith.extui %eq3A_83 : i1 to i32
      %cond3A = arith.constant 0 : i32
      %cond3A_84 = arith.cmpi ne, %convert_element_type3A, %cond3A : i32
      scf.if %cond3A_84 {
        %mul3A_158 = arith.constant 40 : i32
        %mul3A_159 = arith.muli %add3A_81, %mul3A_158 : i32
        %add3A_160 = arith.addi %mul3A_2, %mul3A_159 : i32
        %dma_start3A_161 = tpu.memref_slice %arg2[%add3A_160] : memref<320000xi32, #tpu.memory_space<hbm>> -> memref<40xi32, #tpu.memory_space<hbm>>
        %dma_start3A_162 = tpu.memref_slice %arg2[%add3A_160] : memref<320000xi32, #tpu.memory_space<hbm>> -> memref<40xi32, #tpu.memory_space<hbm>>
        tpu.enqueue_dma source(%dma_start3A_162 : memref<40xi32, #tpu.memory_space<hbm>>) target(%arg8 : memref<40xi32, #tpu.memory_space<vmem>>) target_semaphore(%arg16 : memref<!tpu.dma_semaphore, #tpu.memory_space<semaphore_mem>>)
      } else {
      }
      %gt3A = arith.constant 0 : i32
      %gt3A_85 = arith.cmpi sgt, %add3A_69, %gt3A : i32
      %lt3A = arith.constant 250 : i32
      %lt3A_86 = arith.cmpi slt, %add3A_81, %lt3A : i32
      %and3A = arith.andi %gt3A_85, %lt3A_86 : i1
      %convert_element_type3A_87 = arith.extui %and3A : i1 to i32
      %cond3A_88 = arith.constant 0 : i32
      %cond3A_89 = arith.cmpi ne, %convert_element_type3A_87, %cond3A_88 : i32
      scf.if %cond3A_89 {
        %dma_wait3A_158 = arith.constant 0 : i32
        %dma_wait3A_159 = arith.constant 0 : i32
        %dma_wait3A_160 = tpu.memref_slice %arg11[%dma_wait3A_158, %dma_wait3A_159] : memref<10240x128xf32, #tpu.memory_space<vmem_shared>> -> memref<10240x128xf32, #tpu.memory_space<vmem_shared>>
        tpu.wait_indirect_dma semaphore(%arg21 : memref<!tpu.dma_semaphore, #tpu.memory_space<semaphore_mem>>) src(%arg9 : memref<40x128xf32, #tpu.memory_space<vmem>>) dst(%dma_wait3A_160 : memref<10240x128xf32, #tpu.memory_space<vmem_shared>>)
        %mul3A_161 = arith.constant 40 : i32
        %mul3A_162 = arith.muli %add3A_81, %mul3A_161 : i32
        %add3A_163 = arith.addi %mul3A_2, %mul3A_162 : i32
        %dma_start3A_164 = tpu.memref_slice %arg2[%add3A_163] : memref<320000xi32, #tpu.memory_space<hbm>> -> memref<40xi32, #tpu.memory_space<hbm>>
        %dma_start3A_165 = tpu.memref_slice %arg2[%add3A_163] : memref<320000xi32, #tpu.memory_space<hbm>> -> memref<40xi32, #tpu.memory_space<hbm>>
        tpu.enqueue_dma source(%dma_start3A_165 : memref<40xi32, #tpu.memory_space<hbm>>) target(%arg8 : memref<40xi32, #tpu.memory_space<vmem>>) target_semaphore(%arg16 : memref<!tpu.dma_semaphore, #tpu.memory_space<semaphore_mem>>)
      } else {
      }
      %add3A_90 = arith.constant 1 : i32
      %add3A_91 = arith.addi %add3A_69, %add3A_90 : i32
      %mul3A_92 = arith.constant 40 : i32
      %mul3A_93 = arith.muli %add3A_91, %mul3A_92 : i32
      %add3A_94 = arith.addi %mul3A_2, %mul3A_93 : i32
      %dma_wait3A_95 = tpu.memref_slice %arg2[%add3A_94] : memref<320000xi32, #tpu.memory_space<hbm>> -> memref<40xi32, #tpu.memory_space<hbm>>
      %dma_wait3A_96 = tpu.memref_slice %arg2[%add3A_94] : memref<320000xi32, #tpu.memory_space<hbm>> -> memref<40xi32, #tpu.memory_space<hbm>>
      tpu.wait_dma2 semaphore(%arg13 : memref<!tpu.dma_semaphore, #tpu.memory_space<semaphore_mem>>) src(%dma_wait3A_96 : memref<40xi32, #tpu.memory_space<hbm>>) dst(%arg5 : memref<40xi32, #tpu.memory_space<vmem>>)
      %dma_start3A_97 = arith.constant 0 : i32
      %dma_start3A_98 = arith.constant 0 : i32
      %dma_start3A_99 = tpu.memref_slice %arg11[%dma_start3A_97, %dma_start3A_98] : memref<10240x128xf32, #tpu.memory_space<vmem_shared>> -> memref<10240x128xf32, #tpu.memory_space<vmem_shared>>
      tpu.enqueue_indirect_dma source(%arg9 : memref<40x128xf32, #tpu.memory_space<vmem>>) target(%dma_start3A_99 : memref<10240x128xf32, #tpu.memory_space<vmem_shared>>) offsets(%arg5 : memref<40xi32, #tpu.memory_space<vmem>>) semaphore(%arg18 : memref<!tpu.dma_semaphore, #tpu.memory_space<semaphore_mem>>) {add = true}
      %add3A_100 = arith.constant 4 : i32
      %add3A_101 = arith.addi %add3A_91, %add3A_100 : i32
      %lt3A_102 = arith.constant 250 : i32
      %lt3A_103 = arith.cmpi slt, %add3A_101, %lt3A_102 : i32
      %convert_element_type3A_104 = arith.extui %lt3A_103 : i1 to i32
      %cond3A_105 = arith.constant 0 : i32
      %cond3A_106 = arith.cmpi ne, %convert_element_type3A_104, %cond3A_105 : i32
      scf.if %cond3A_106 {
        %dma_wait3A_158 = arith.constant 0 : i32
        %dma_wait3A_159 = arith.constant 0 : i32
        %dma_wait3A_160 = tpu.memref_slice %arg11[%dma_wait3A_158, %dma_wait3A_159] : memref<10240x128xf32, #tpu.memory_space<vmem_shared>> -> memref<10240x128xf32, #tpu.memory_space<vmem_shared>>
        tpu.wait_indirect_dma semaphore(%arg17 : memref<!tpu.dma_semaphore, #tpu.memory_space<semaphore_mem>>) src(%arg9 : memref<40x128xf32, #tpu.memory_space<vmem>>) dst(%dma_wait3A_160 : memref<10240x128xf32, #tpu.memory_space<vmem_shared>>)
        %mul3A_161 = arith.constant 40 : i32
        %mul3A_162 = arith.muli %add3A_101, %mul3A_161 : i32
        %add3A_163 = arith.addi %mul3A_2, %mul3A_162 : i32
        %dma_start3A_164 = tpu.memref_slice %arg2[%add3A_163] : memref<320000xi32, #tpu.memory_space<hbm>> -> memref<40xi32, #tpu.memory_space<hbm>>
        %dma_start3A_165 = tpu.memref_slice %arg2[%add3A_163] : memref<320000xi32, #tpu.memory_space<hbm>> -> memref<40xi32, #tpu.memory_space<hbm>>
        tpu.enqueue_dma source(%dma_start3A_165 : memref<40xi32, #tpu.memory_space<hbm>>) target(%arg4 : memref<40xi32, #tpu.memory_space<vmem>>) target_semaphore(%arg12 : memref<!tpu.dma_semaphore, #tpu.memory_space<semaphore_mem>>)
      } else {
      }
      %add3A_107 = arith.constant 2 : i32
      %add3A_108 = arith.addi %add3A_69, %add3A_107 : i32
      %mul3A_109 = arith.constant 40 : i32
      %mul3A_110 = arith.muli %add3A_108, %mul3A_109 : i32
      %add3A_111 = arith.addi %mul3A_2, %mul3A_110 : i32
      %dma_wait3A_112 = tpu.memref_slice %arg2[%add3A_111] : memref<320000xi32, #tpu.memory_space<hbm>> -> memref<40xi32, #tpu.memory_space<hbm>>
      %dma_wait3A_113 = tpu.memref_slice %arg2[%add3A_111] : memref<320000xi32, #tpu.memory_space<hbm>> -> memref<40xi32, #tpu.memory_space<hbm>>
      tpu.wait_dma2 semaphore(%arg14 : memref<!tpu.dma_semaphore, #tpu.memory_space<semaphore_mem>>) src(%dma_wait3A_113 : memref<40xi32, #tpu.memory_space<hbm>>) dst(%arg6 : memref<40xi32, #tpu.memory_space<vmem>>)
      %dma_start3A_114 = arith.constant 0 : i32
      %dma_start3A_115 = arith.constant 0 : i32
      %dma_start3A_116 = tpu.memref_slice %arg11[%dma_start3A_114, %dma_start3A_115] : memref<10240x128xf32, #tpu.memory_space<vmem_shared>> -> memref<10240x128xf32, #tpu.memory_space<vmem_shared>>
      tpu.enqueue_indirect_dma source(%arg9 : memref<40x128xf32, #tpu.memory_space<vmem>>) target(%dma_start3A_116 : memref<10240x128xf32, #tpu.memory_space<vmem_shared>>) offsets(%arg6 : memref<40xi32, #tpu.memory_space<vmem>>) semaphore(%arg19 : memref<!tpu.dma_semaphore, #tpu.memory_space<semaphore_mem>>) {add = true}
      %add3A_117 = arith.constant 4 : i32
      %add3A_118 = arith.addi %add3A_108, %add3A_117 : i32
      %lt3A_119 = arith.constant 250 : i32
      %lt3A_120 = arith.cmpi slt, %add3A_118, %lt3A_119 : i32
      %convert_element_type3A_121 = arith.extui %lt3A_120 : i1 to i32
      %cond3A_122 = arith.constant 0 : i32
      %cond3A_123 = arith.cmpi ne, %convert_element_type3A_121, %cond3A_122 : i32
      scf.if %cond3A_123 {
        %dma_wait3A_158 = arith.constant 0 : i32
        %dma_wait3A_159 = arith.constant 0 : i32
        %dma_wait3A_160 = tpu.memref_slice %arg11[%dma_wait3A_158, %dma_wait3A_159] : memref<10240x128xf32, #tpu.memory_space<vmem_shared>> -> memref<10240x128xf32, #tpu.memory_space<vmem_shared>>
        tpu.wait_indirect_dma semaphore(%arg18 : memref<!tpu.dma_semaphore, #tpu.memory_space<semaphore_mem>>) src(%arg9 : memref<40x128xf32, #tpu.memory_space<vmem>>) dst(%dma_wait3A_160 : memref<10240x128xf32, #tpu.memory_space<vmem_shared>>)
        %mul3A_161 = arith.constant 40 : i32
        %mul3A_162 = arith.muli %add3A_118, %mul3A_161 : i32
        %add3A_163 = arith.addi %mul3A_2, %mul3A_162 : i32
        %dma_start3A_164 = tpu.memref_slice %arg2[%add3A_163] : memref<320000xi32, #tpu.memory_space<hbm>> -> memref<40xi32, #tpu.memory_space<hbm>>
        %dma_start3A_165 = tpu.memref_slice %arg2[%add3A_163] : memref<320000xi32, #tpu.memory_space<hbm>> -> memref<40xi32, #tpu.memory_space<hbm>>
        tpu.enqueue_dma source(%dma_start3A_165 : memref<40xi32, #tpu.memory_space<hbm>>) target(%arg5 : memref<40xi32, #tpu.memory_space<vmem>>) target_semaphore(%arg13 : memref<!tpu.dma_semaphore, #tpu.memory_space<semaphore_mem>>)
      } else {
      }
      %add3A_124 = arith.constant 3 : i32
      %add3A_125 = arith.addi %add3A_69, %add3A_124 : i32
      %mul3A_126 = arith.constant 40 : i32
      %mul3A_127 = arith.muli %add3A_125, %mul3A_126 : i32
      %add3A_128 = arith.addi %mul3A_2, %mul3A_127 : i32
      %dma_wait3A_129 = tpu.memref_slice %arg2[%add3A_128] : memref<320000xi32, #tpu.memory_space<hbm>> -> memref<40xi32, #tpu.memory_space<hbm>>
      %dma_wait3A_130 = tpu.memref_slice %arg2[%add3A_128] : memref<320000xi32, #tpu.memory_space<hbm>> -> memref<40xi32, #tpu.memory_space<hbm>>
      tpu.wait_dma2 semaphore(%arg15 : memref<!tpu.dma_semaphore, #tpu.memory_space<semaphore_mem>>) src(%dma_wait3A_130 : memref<40xi32, #tpu.memory_space<hbm>>) dst(%arg7 : memref<40xi32, #tpu.memory_space<vmem>>)
      %dma_start3A_131 = arith.constant 0 : i32
      %dma_start3A_132 = arith.constant 0 : i32
      %dma_start3A_133 = tpu.memref_slice %arg11[%dma_start3A_131, %dma_start3A_132] : memref<10240x128xf32, #tpu.memory_space<vmem_shared>> -> memref<10240x128xf32, #tpu.memory_space<vmem_shared>>
      tpu.enqueue_indirect_dma source(%arg9 : memref<40x128xf32, #tpu.memory_space<vmem>>) target(%dma_start3A_133 : memref<10240x128xf32, #tpu.memory_space<vmem_shared>>) offsets(%arg7 : memref<40xi32, #tpu.memory_space<vmem>>) semaphore(%arg20 : memref<!tpu.dma_semaphore, #tpu.memory_space<semaphore_mem>>) {add = true}
      %add3A_134 = arith.constant 4 : i32
      %add3A_135 = arith.addi %add3A_125, %add3A_134 : i32
      %lt3A_136 = arith.constant 250 : i32
      %lt3A_137 = arith.cmpi slt, %add3A_135, %lt3A_136 : i32
      %convert_element_type3A_138 = arith.extui %lt3A_137 : i1 to i32
      %cond3A_139 = arith.constant 0 : i32
      %cond3A_140 = arith.cmpi ne, %convert_element_type3A_138, %cond3A_139 : i32
      scf.if %cond3A_140 {
        %dma_wait3A_158 = arith.constant 0 : i32
        %dma_wait3A_159 = arith.constant 0 : i32
        %dma_wait3A_160 = tpu.memref_slice %arg11[%dma_wait3A_158, %dma_wait3A_159] : memref<10240x128xf32, #tpu.memory_space<vmem_shared>> -> memref<10240x128xf32, #tpu.memory_space<vmem_shared>>
        tpu.wait_indirect_dma semaphore(%arg19 : memref<!tpu.dma_semaphore, #tpu.memory_space<semaphore_mem>>) src(%arg9 : memref<40x128xf32, #tpu.memory_space<vmem>>) dst(%dma_wait3A_160 : memref<10240x128xf32, #tpu.memory_space<vmem_shared>>)
        %mul3A_161 = arith.constant 40 : i32
        %mul3A_162 = arith.muli %add3A_135, %mul3A_161 : i32
        %add3A_163 = arith.addi %mul3A_2, %mul3A_162 : i32
        %dma_start3A_164 = tpu.memref_slice %arg2[%add3A_163] : memref<320000xi32, #tpu.memory_space<hbm>> -> memref<40xi32, #tpu.memory_space<hbm>>
        %dma_start3A_165 = tpu.memref_slice %arg2[%add3A_163] : memref<320000xi32, #tpu.memory_space<hbm>> -> memref<40xi32, #tpu.memory_space<hbm>>
        tpu.enqueue_dma source(%dma_start3A_165 : memref<40xi32, #tpu.memory_space<hbm>>) target(%arg6 : memref<40xi32, #tpu.memory_space<vmem>>) target_semaphore(%arg14 : memref<!tpu.dma_semaphore, #tpu.memory_space<semaphore_mem>>)
      } else {
      }
      %add3A_141 = arith.constant 4 : i32
      %add3A_142 = arith.addi %add3A_69, %add3A_141 : i32
      %mul3A_143 = arith.constant 40 : i32
      %mul3A_144 = arith.muli %add3A_142, %mul3A_143 : i32
      %add3A_145 = arith.addi %mul3A_2, %mul3A_144 : i32
      %dma_wait3A_146 = tpu.memref_slice %arg2[%add3A_145] : memref<320000xi32, #tpu.memory_space<hbm>> -> memref<40xi32, #tpu.memory_space<hbm>>
      %dma_wait3A_147 = tpu.memref_slice %arg2[%add3A_145] : memref<320000xi32, #tpu.memory_space<hbm>> -> memref<40xi32, #tpu.memory_space<hbm>>
      tpu.wait_dma2 semaphore(%arg16 : memref<!tpu.dma_semaphore, #tpu.memory_space<semaphore_mem>>) src(%dma_wait3A_147 : memref<40xi32, #tpu.memory_space<hbm>>) dst(%arg8 : memref<40xi32, #tpu.memory_space<vmem>>)
      %dma_start3A_148 = arith.constant 0 : i32
      %dma_start3A_149 = arith.constant 0 : i32
      %dma_start3A_150 = tpu.memref_slice %arg11[%dma_start3A_148, %dma_start3A_149] : memref<10240x128xf32, #tpu.memory_space<vmem_shared>> -> memref<10240x128xf32, #tpu.memory_space<vmem_shared>>
      tpu.enqueue_indirect_dma source(%arg9 : memref<40x128xf32, #tpu.memory_space<vmem>>) target(%dma_start3A_150 : memref<10240x128xf32, #tpu.memory_space<vmem_shared>>) offsets(%arg8 : memref<40xi32, #tpu.memory_space<vmem>>) semaphore(%arg21 : memref<!tpu.dma_semaphore, #tpu.memory_space<semaphore_mem>>) {add = true}
      %add3A_151 = arith.constant 4 : i32
      %add3A_152 = arith.addi %add3A_142, %add3A_151 : i32
      %lt3A_153 = arith.constant 250 : i32
      %lt3A_154 = arith.cmpi slt, %add3A_152, %lt3A_153 : i32
      %convert_element_type3A_155 = arith.extui %lt3A_154 : i1 to i32
      %cond3A_156 = arith.constant 0 : i32
      %cond3A_157 = arith.cmpi ne, %convert_element_type3A_155, %cond3A_156 : i32
      scf.if %cond3A_157 {
        %dma_wait3A_158 = arith.constant 0 : i32
        %dma_wait3A_159 = arith.constant 0 : i32
        %dma_wait3A_160 = tpu.memref_slice %arg11[%dma_wait3A_158, %dma_wait3A_159] : memref<10240x128xf32, #tpu.memory_space<vmem_shared>> -> memref<10240x128xf32, #tpu.memory_space<vmem_shared>>
        tpu.wait_indirect_dma semaphore(%arg20 : memref<!tpu.dma_semaphore, #tpu.memory_space<semaphore_mem>>) src(%arg9 : memref<40x128xf32, #tpu.memory_space<vmem>>) dst(%dma_wait3A_160 : memref<10240x128xf32, #tpu.memory_space<vmem_shared>>)
        %mul3A_161 = arith.constant 40 : i32
        %mul3A_162 = arith.muli %add3A_152, %mul3A_161 : i32
        %add3A_163 = arith.addi %mul3A_2, %mul3A_162 : i32
        %dma_start3A_164 = tpu.memref_slice %arg2[%add3A_163] : memref<320000xi32, #tpu.memory_space<hbm>> -> memref<40xi32, #tpu.memory_space<hbm>>
        %dma_start3A_165 = tpu.memref_slice %arg2[%add3A_163] : memref<320000xi32, #tpu.memory_space<hbm>> -> memref<40xi32, #tpu.memory_space<hbm>>
        tpu.enqueue_dma source(%dma_start3A_165 : memref<40xi32, #tpu.memory_space<hbm>>) target(%arg7 : memref<40xi32, #tpu.memory_space<vmem>>) target_semaphore(%arg15 : memref<!tpu.dma_semaphore, #tpu.memory_space<semaphore_mem>>)
      } else {
      }
    }
    %scan3A_42 = arith.constant 50 : i32
    %dma_wait3A = arith.constant 0 : i32
    %dma_wait3A_43 = arith.constant 0 : i32
    %dma_wait3A_44 = tpu.memref_slice %arg11[%dma_wait3A, %dma_wait3A_43] : memref<10240x128xf32, #tpu.memory_space<vmem_shared>> -> memref<10240x128xf32, #tpu.memory_space<vmem_shared>>
    tpu.wait_indirect_dma semaphore(%arg17 : memref<!tpu.dma_semaphore, #tpu.memory_space<semaphore_mem>>) src(%arg9 : memref<40x128xf32, #tpu.memory_space<vmem>>) dst(%dma_wait3A_44 : memref<10240x128xf32, #tpu.memory_space<vmem_shared>>)
    %dma_wait3A_45 = arith.constant 0 : i32
    %dma_wait3A_46 = arith.constant 0 : i32
    %dma_wait3A_47 = tpu.memref_slice %arg11[%dma_wait3A_45, %dma_wait3A_46] : memref<10240x128xf32, #tpu.memory_space<vmem_shared>> -> memref<10240x128xf32, #tpu.memory_space<vmem_shared>>
    tpu.wait_indirect_dma semaphore(%arg18 : memref<!tpu.dma_semaphore, #tpu.memory_space<semaphore_mem>>) src(%arg9 : memref<40x128xf32, #tpu.memory_space<vmem>>) dst(%dma_wait3A_47 : memref<10240x128xf32, #tpu.memory_space<vmem_shared>>)
    %dma_wait3A_48 = arith.constant 0 : i32
    %dma_wait3A_49 = arith.constant 0 : i32
    %dma_wait3A_50 = tpu.memref_slice %arg11[%dma_wait3A_48, %dma_wait3A_49] : memref<10240x128xf32, #tpu.memory_space<vmem_shared>> -> memref<10240x128xf32, #tpu.memory_space<vmem_shared>>
    tpu.wait_indirect_dma semaphore(%arg19 : memref<!tpu.dma_semaphore, #tpu.memory_space<semaphore_mem>>) src(%arg9 : memref<40x128xf32, #tpu.memory_space<vmem>>) dst(%dma_wait3A_50 : memref<10240x128xf32, #tpu.memory_space<vmem_shared>>)
    %dma_wait3A_51 = arith.constant 0 : i32
    %dma_wait3A_52 = arith.constant 0 : i32
    %dma_wait3A_53 = tpu.memref_slice %arg11[%dma_wait3A_51, %dma_wait3A_52] : memref<10240x128xf32, #tpu.memory_space<vmem_shared>> -> memref<10240x128xf32, #tpu.memory_space<vmem_shared>>
    tpu.wait_indirect_dma semaphore(%arg20 : memref<!tpu.dma_semaphore, #tpu.memory_space<semaphore_mem>>) src(%arg9 : memref<40x128xf32, #tpu.memory_space<vmem>>) dst(%dma_wait3A_53 : memref<10240x128xf32, #tpu.memory_space<vmem_shared>>)
    %dma_wait3A_54 = arith.constant 0 : i32
    %dma_wait3A_55 = arith.constant 0 : i32
    %dma_wait3A_56 = tpu.memref_slice %arg11[%dma_wait3A_54, %dma_wait3A_55] : memref<10240x128xf32, #tpu.memory_space<vmem_shared>> -> memref<10240x128xf32, #tpu.memory_space<vmem_shared>>
    tpu.wait_indirect_dma semaphore(%arg21 : memref<!tpu.dma_semaphore, #tpu.memory_space<semaphore_mem>>) src(%arg9 : memref<40x128xf32, #tpu.memory_space<vmem>>) dst(%dma_wait3A_56 : memref<10240x128xf32, #tpu.memory_space<vmem_shared>>)
    %barrier3A_57 = arith.constant 0 : index
    tpu.barrier barrier_id(%barrier3A_57)
    %mul3A_58 = arith.constant 640 : i32
    %mul3A_59 = arith.muli %arg1, %mul3A_58 : i32
    %mul3A_60 = arith.constant 10240 : i32
    %mul3A_61 = arith.muli %arg0, %mul3A_60 : i32
    %mul3A_62 = arith.constant 640 : i32
    %mul3A_63 = arith.muli %arg1, %mul3A_62 : i32
    %add3A_64 = arith.addi %mul3A_61, %mul3A_63 : i32
    "tpu.region"() ({
      %run_scoped3A = tpu.sem_alloc : memref<!tpu.dma_semaphore, #tpu.memory_space<semaphore_mem>>
      %dma_start3A_65 = arith.constant 0 : i32
      %dma_start3A_66 = tpu.memref_slice %arg3[%add3A_64, %dma_start3A_65] : memref<20480x128xf32, #tpu.memory_space<hbm>> -> memref<640x128xf32, #tpu.memory_space<hbm>>
      %dma_start3A_67 = arith.constant 0 : i32
      %dma_start3A_68 = tpu.memref_slice %arg11[%mul3A_59, %dma_start3A_67] : memref<10240x128xf32, #tpu.memory_space<vmem_shared>> -> memref<640x128xf32, #tpu.memory_space<vmem_shared>>
      tpu.enqueue_dma source(%dma_start3A_68 : memref<640x128xf32, #tpu.memory_space<vmem_shared>>) target(%dma_start3A_66 : memref<640x128xf32, #tpu.memory_space<hbm>>) target_semaphore(%run_scoped3A : memref<!tpu.dma_semaphore, #tpu.memory_space<semaphore_mem>>)
      %dma_wait3A_69 = arith.constant 0 : i32
      %dma_wait3A_70 = tpu.memref_slice %arg3[%add3A_64, %dma_wait3A_69] : memref<20480x128xf32, #tpu.memory_space<hbm>> -> memref<640x128xf32, #tpu.memory_space<hbm>>
      %dma_wait3A_71 = arith.constant 0 : i32
      %dma_wait3A_72 = tpu.memref_slice %arg11[%mul3A_59, %dma_wait3A_71] : memref<10240x128xf32, #tpu.memory_space<vmem_shared>> -> memref<640x128xf32, #tpu.memory_space<vmem_shared>>
      tpu.wait_dma2 semaphore(%run_scoped3A : memref<!tpu.dma_semaphore, #tpu.memory_space<semaphore_mem>>) src(%dma_wait3A_72 : memref<640x128xf32, #tpu.memory_space<vmem_shared>>) dst(%dma_wait3A_70 : memref<640x128xf32, #tpu.memory_space<hbm>>)
      tpu.yield
    }) : () -> ()
    return
  }
}

#map = affine_map<(d0, d1) -> (0, 0)>
#map1 = affine_map<(d0, d1) -> (0)>
module attributes {stable_mosaic.version = 14 : i64} {
  func.func @mp_kernel(%arg0: i32, %arg1: i32, %arg2: memref<10000x128xf32, #tpu.memory_space<hbm>>, %arg3: memref<320000xi32, #tpu.memory_space<hbm>>, %arg4: memref<320000xi32, #tpu.memory_space<hbm>>, %arg5: memref<20480x128xf32, #tpu.memory_space<hbm>>, %arg6: memref<10000xi32, #tpu.memory_space<vmem>>, %arg7: memref<40xi32, #tpu.memory_space<vmem>>, %arg8: memref<40xi32, #tpu.memory_space<vmem>>, %arg9: memref<40xi32, #tpu.memory_space<vmem>>, %arg10: memref<40xi32, #tpu.memory_space<vmem>>, %arg11: memref<40xi32, #tpu.memory_space<vmem>>, %arg12: memref<40x128xf32, #tpu.memory_space<vmem>>, %arg13: memref<40x128xf32, #tpu.memory_space<vmem>>, %arg14: memref<40x128xf32, #tpu.memory_space<vmem>>, %arg15: memref<40x128xf32, #tpu.memory_space<vmem>>, %arg16: memref<40x128xf32, #tpu.memory_space<vmem>>, %arg17: memref<32x128xf32, #tpu.memory_space<vmem>>, %arg18: memref<10240x128xf32, #tpu.memory_space<vmem_shared>>, %arg19: memref<!tpu.dma_semaphore, #tpu.memory_space<semaphore_mem>>, %arg20: memref<!tpu.dma_semaphore, #tpu.memory_space<semaphore_mem>>, %arg21: memref<!tpu.dma_semaphore, #tpu.memory_space<semaphore_mem>>, %arg22: memref<!tpu.dma_semaphore, #tpu.memory_space<semaphore_mem>>, %arg23: memref<!tpu.dma_semaphore, #tpu.memory_space<semaphore_mem>>, %arg24: memref<!tpu.dma_semaphore, #tpu.memory_space<semaphore_mem>>, %arg25: memref<!tpu.dma_semaphore, #tpu.memory_space<semaphore_mem>>, %arg26: memref<!tpu.dma_semaphore, #tpu.memory_space<semaphore_mem>>, %arg27: memref<!tpu.dma_semaphore, #tpu.memory_space<semaphore_mem>>, %arg28: memref<!tpu.dma_semaphore, #tpu.memory_space<semaphore_mem>>, %arg29: memref<!tpu.dma_semaphore, #tpu.memory_space<semaphore_mem>>, %arg30: memref<!tpu.dma_semaphore, #tpu.memory_space<semaphore_mem>>, %arg31: memref<!tpu.dma_semaphore, #tpu.memory_space<semaphore_mem>>, %arg32: memref<!tpu.dma_semaphore, #tpu.memory_space<semaphore_mem>>, %arg33: memref<!tpu.dma_semaphore, #tpu.memory_space<semaphore_mem>>) attributes {dimension_semantics = [#tpu.dimension_semantics<core_parallel>, #tpu.dimension_semantics<subcore_parallel>], iteration_bounds = array<i64: 2, 16>, scalar_prefetch = 0 : i64, scratch_operands = 28 : i64, tpu.core_type = #tpu.core_type<sc_vector_subcore>, window_params = [{transform_indices = #map}, {transform_indices = #map1}, {transform_indices = #map1}, {transform_indices = #map}]} {
    %mul3A = arith.constant 16 : i32
    %mul3A_0 = arith.muli %arg0, %mul3A : i32
    %add3A = arith.addi %mul3A_0, %arg1 : i32
    %mul3A_1 = arith.constant 10000 : i32
    %mul3A_2 = arith.muli %add3A, %mul3A_1 : i32
    %broadcast_in_dim3A = arith.constant 0.000000e+00 : f32
    %broadcast_in_dim3A_3 = vector.broadcast %broadcast_in_dim3A : f32 to vector<16xf32>
    %add3A_4 = arith.constant 0 : i32
    %add3A_5 = arith.addi %mul3A_2, %add3A_4 : i32
    %dma_start3A = tpu.memref_slice %arg4[%add3A_5] : memref<320000xi32, #tpu.memory_space<hbm>> -> memref<40xi32, #tpu.memory_space<hbm>>
    %dma_start3A_6 = tpu.memref_slice %arg4[%add3A_5] : memref<320000xi32, #tpu.memory_space<hbm>> -> memref<40xi32, #tpu.memory_space<hbm>>
    tpu.enqueue_dma source(%dma_start3A_6 : memref<40xi32, #tpu.memory_space<hbm>>) target(%arg7 : memref<40xi32, #tpu.memory_space<vmem>>) target_semaphore(%arg24 : memref<!tpu.dma_semaphore, #tpu.memory_space<semaphore_mem>>)
    %add3A_7 = arith.constant 40 : i32
    %add3A_8 = arith.addi %mul3A_2, %add3A_7 : i32
    %dma_start3A_9 = tpu.memref_slice %arg4[%add3A_8] : memref<320000xi32, #tpu.memory_space<hbm>> -> memref<40xi32, #tpu.memory_space<hbm>>
    %dma_start3A_10 = tpu.memref_slice %arg4[%add3A_8] : memref<320000xi32, #tpu.memory_space<hbm>> -> memref<40xi32, #tpu.memory_space<hbm>>
    tpu.enqueue_dma source(%dma_start3A_10 : memref<40xi32, #tpu.memory_space<hbm>>) target(%arg8 : memref<40xi32, #tpu.memory_space<vmem>>) target_semaphore(%arg25 : memref<!tpu.dma_semaphore, #tpu.memory_space<semaphore_mem>>)
    %add3A_11 = arith.constant 80 : i32
    %add3A_12 = arith.addi %mul3A_2, %add3A_11 : i32
    %dma_start3A_13 = tpu.memref_slice %arg4[%add3A_12] : memref<320000xi32, #tpu.memory_space<hbm>> -> memref<40xi32, #tpu.memory_space<hbm>>
    %dma_start3A_14 = tpu.memref_slice %arg4[%add3A_12] : memref<320000xi32, #tpu.memory_space<hbm>> -> memref<40xi32, #tpu.memory_space<hbm>>
    tpu.enqueue_dma source(%dma_start3A_14 : memref<40xi32, #tpu.memory_space<hbm>>) target(%arg9 : memref<40xi32, #tpu.memory_space<vmem>>) target_semaphore(%arg26 : memref<!tpu.dma_semaphore, #tpu.memory_space<semaphore_mem>>)
    %add3A_15 = arith.constant 120 : i32
    %add3A_16 = arith.addi %mul3A_2, %add3A_15 : i32
    %dma_start3A_17 = tpu.memref_slice %arg4[%add3A_16] : memref<320000xi32, #tpu.memory_space<hbm>> -> memref<40xi32, #tpu.memory_space<hbm>>
    %dma_start3A_18 = tpu.memref_slice %arg4[%add3A_16] : memref<320000xi32, #tpu.memory_space<hbm>> -> memref<40xi32, #tpu.memory_space<hbm>>
    tpu.enqueue_dma source(%dma_start3A_18 : memref<40xi32, #tpu.memory_space<hbm>>) target(%arg10 : memref<40xi32, #tpu.memory_space<vmem>>) target_semaphore(%arg27 : memref<!tpu.dma_semaphore, #tpu.memory_space<semaphore_mem>>)
    "tpu.region"() ({
      %run_scoped3A = tpu.sem_alloc : memref<!tpu.dma_semaphore, #tpu.memory_space<semaphore_mem>>
      %dma_start3A_75 = tpu.memref_slice %arg3[%mul3A_2] : memref<320000xi32, #tpu.memory_space<hbm>> -> memref<10000xi32, #tpu.memory_space<hbm>>
      %dma_start3A_76 = tpu.memref_slice %arg3[%mul3A_2] : memref<320000xi32, #tpu.memory_space<hbm>> -> memref<10000xi32, #tpu.memory_space<hbm>>
      tpu.enqueue_dma source(%dma_start3A_76 : memref<10000xi32, #tpu.memory_space<hbm>>) target(%arg6 : memref<10000xi32, #tpu.memory_space<vmem>>) target_semaphore(%run_scoped3A : memref<!tpu.dma_semaphore, #tpu.memory_space<semaphore_mem>>)
      %dma_wait3A_77 = tpu.memref_slice %arg3[%mul3A_2] : memref<320000xi32, #tpu.memory_space<hbm>> -> memref<10000xi32, #tpu.memory_space<hbm>>
      %dma_wait3A_78 = tpu.memref_slice %arg3[%mul3A_2] : memref<320000xi32, #tpu.memory_space<hbm>> -> memref<10000xi32, #tpu.memory_space<hbm>>
      tpu.wait_dma2 semaphore(%run_scoped3A : memref<!tpu.dma_semaphore, #tpu.memory_space<semaphore_mem>>) src(%dma_wait3A_78 : memref<10000xi32, #tpu.memory_space<hbm>>) dst(%arg6 : memref<10000xi32, #tpu.memory_space<vmem>>)
      tpu.yield
    }) : () -> ()
    %scan3A = arith.constant 0 : i32
    %scan3A_19 = arith.constant 32 : i32
    %scan3A_20 = arith.addi %scan3A, %scan3A_19 : i32
    %scan3A_21 = arith.constant 1 : i32
    scf.for %scan3A_75 = %scan3A to %scan3A_20 step %scan3A_21  : i32 {
      %mul3A_76 = arith.constant 1 : i32
      %mul3A_77 = arith.muli %scan3A_75, %mul3A_76 : i32
      %add3A_78 = arith.constant 0 : i32
      %add3A_79 = arith.addi %add3A_78, %mul3A_77 : i32
      %scan3A_80 = arith.constant 0 : i32
      %scan3A_81 = arith.constant 8 : i32
      %scan3A_82 = arith.addi %scan3A_80, %scan3A_81 : i32
      %scan3A_83 = arith.constant 1 : i32
      scf.for %scan3A_85 = %scan3A_80 to %scan3A_82 step %scan3A_83  : i32 {
        %mul3A_86 = arith.constant 16 : i32
        %mul3A_87 = arith.muli %scan3A_85, %mul3A_86 : i32
        %add3A_88 = arith.constant 0 : i32
        %add3A_89 = arith.addi %add3A_88, %mul3A_87 : i32
        %swap3A = arith.index_cast %add3A_79 : i32 to index
        %swap3A_90 = arith.index_cast %add3A_89 : i32 to index
        %swap3A_91 = tpu.vector_load %arg17[%swap3A, %swap3A_90] {strides = array<i32>} : memref<32x128xf32, #tpu.memory_space<vmem>>, vector<1x16xf32>,
        %swap3A_92 = vector.shape_cast %swap3A_91 : vector<1x16xf32> to vector<16xf32>
        %swap3A_93 = vector.shape_cast %broadcast_in_dim3A_3 : vector<16xf32> to vector<1x16xf32>
        tpu.vector_store %arg17[%swap3A, %swap3A_90], %swap3A_93 {strides = array<i32>} : memref<32x128xf32, #tpu.memory_space<vmem>>, vector<1x16xf32>,
      }
      %scan3A_84 = arith.constant 8 : i32
    }
    %scan3A_22 = arith.constant 32 : i32
    %scan3A_23 = arith.constant 0 : i32
    %scan3A_24 = arith.constant 20 : i32
    %scan3A_25 = arith.addi %scan3A_23, %scan3A_24 : i32
    %scan3A_26 = arith.constant 1 : i32
    scf.for %scan3A_75 = %scan3A_23 to %scan3A_25 step %scan3A_26  : i32 {
      %mul3A_76 = arith.constant 32 : i32
      %mul3A_77 = arith.muli %scan3A_75, %mul3A_76 : i32
      %add3A_78 = arith.constant 0 : i32
      %add3A_79 = arith.addi %add3A_78, %mul3A_77 : i32
      %mul3A_80 = arith.constant 640 : i32
      %mul3A_81 = arith.muli %arg1, %mul3A_80 : i32
      %add3A_82 = arith.addi %mul3A_81, %add3A_79 : i32
      "tpu.region"() ({
        %run_scoped3A = tpu.sem_alloc : memref<!tpu.dma_semaphore, #tpu.memory_space<semaphore_mem>>
        %dma_start3A_83 = arith.constant 0 : i32
        %dma_start3A_84 = tpu.memref_slice %arg18[%add3A_82, %dma_start3A_83] : memref<10240x128xf32, #tpu.memory_space<vmem_shared>> -> memref<32x128xf32, #tpu.memory_space<vmem_shared>>
        %dma_start3A_85 = arith.constant 0 : i32
        %dma_start3A_86 = tpu.memref_slice %arg18[%add3A_82, %dma_start3A_85] : memref<10240x128xf32, #tpu.memory_space<vmem_shared>> -> memref<32x128xf32, #tpu.memory_space<vmem_shared>>
        tpu.enqueue_dma source(%arg17 : memref<32x128xf32, #tpu.memory_space<vmem>>) target(%dma_start3A_86 : memref<32x128xf32, #tpu.memory_space<vmem_shared>>) target_semaphore(%run_scoped3A : memref<!tpu.dma_semaphore, #tpu.memory_space<semaphore_mem>>)
        %dma_wait3A_87 = arith.constant 0 : i32
        %dma_wait3A_88 = tpu.memref_slice %arg18[%add3A_82, %dma_wait3A_87] : memref<10240x128xf32, #tpu.memory_space<vmem_shared>> -> memref<32x128xf32, #tpu.memory_space<vmem_shared>>
        %dma_wait3A_89 = arith.constant 0 : i32
        %dma_wait3A_90 = tpu.memref_slice %arg18[%add3A_82, %dma_wait3A_89] : memref<10240x128xf32, #tpu.memory_space<vmem_shared>> -> memref<32x128xf32, #tpu.memory_space<vmem_shared>>
        tpu.wait_dma2 semaphore(%run_scoped3A : memref<!tpu.dma_semaphore, #tpu.memory_space<semaphore_mem>>) src(%arg17 : memref<32x128xf32, #tpu.memory_space<vmem>>) dst(%dma_wait3A_90 : memref<32x128xf32, #tpu.memory_space<vmem_shared>>)
        tpu.yield
      }) : () -> ()
    }
    %scan3A_27 = arith.constant 20 : i32
    %barrier3A = arith.constant 0 : index
    tpu.barrier barrier_id(%barrier3A)
    %dma_start3A_28 = arith.constant 0 : i32
    %dma_start3A_29 = tpu.memref_slice %arg6[%dma_start3A_28] : memref<10000xi32, #tpu.memory_space<vmem>> -> memref<40xi32, #tpu.memory_space<vmem>>
    %dma_start3A_30 = arith.constant 0 : i32
    %dma_start3A_31 = arith.constant 0 : i32
    %dma_start3A_32 = tpu.memref_slice %arg2[%dma_start3A_30, %dma_start3A_31] : memref<10000x128xf32, #tpu.memory_space<hbm>> -> memref<10000x128xf32, #tpu.memory_space<hbm>>
    tpu.enqueue_indirect_dma source(%dma_start3A_32 : memref<10000x128xf32, #tpu.memory_space<hbm>>) target(%arg12 : memref<40x128xf32, #tpu.memory_space<vmem>>) offsets(%dma_start3A_29 : memref<40xi32, #tpu.memory_space<vmem>>) semaphore(%arg19 : memref<!tpu.dma_semaphore, #tpu.memory_space<semaphore_mem>>)
    %dma_start3A_33 = arith.constant 40 : i32
    %dma_start3A_34 = tpu.memref_slice %arg6[%dma_start3A_33] : memref<10000xi32, #tpu.memory_space<vmem>> -> memref<40xi32, #tpu.memory_space<vmem>>
    %dma_start3A_35 = arith.constant 0 : i32
    %dma_start3A_36 = arith.constant 0 : i32
    %dma_start3A_37 = tpu.memref_slice %arg2[%dma_start3A_35, %dma_start3A_36] : memref<10000x128xf32, #tpu.memory_space<hbm>> -> memref<10000x128xf32, #tpu.memory_space<hbm>>
    tpu.enqueue_indirect_dma source(%dma_start3A_37 : memref<10000x128xf32, #tpu.memory_space<hbm>>) target(%arg13 : memref<40x128xf32, #tpu.memory_space<vmem>>) offsets(%dma_start3A_34 : memref<40xi32, #tpu.memory_space<vmem>>) semaphore(%arg20 : memref<!tpu.dma_semaphore, #tpu.memory_space<semaphore_mem>>)
    %dma_start3A_38 = arith.constant 80 : i32
    %dma_start3A_39 = tpu.memref_slice %arg6[%dma_start3A_38] : memref<10000xi32, #tpu.memory_space<vmem>> -> memref<40xi32, #tpu.memory_space<vmem>>
    %dma_start3A_40 = arith.constant 0 : i32
    %dma_start3A_41 = arith.constant 0 : i32
    %dma_start3A_42 = tpu.memref_slice %arg2[%dma_start3A_40, %dma_start3A_41] : memref<10000x128xf32, #tpu.memory_space<hbm>> -> memref<10000x128xf32, #tpu.memory_space<hbm>>
    tpu.enqueue_indirect_dma source(%dma_start3A_42 : memref<10000x128xf32, #tpu.memory_space<hbm>>) target(%arg14 : memref<40x128xf32, #tpu.memory_space<vmem>>) offsets(%dma_start3A_39 : memref<40xi32, #tpu.memory_space<vmem>>) semaphore(%arg21 : memref<!tpu.dma_semaphore, #tpu.memory_space<semaphore_mem>>)
    %dma_start3A_43 = arith.constant 120 : i32
    %dma_start3A_44 = tpu.memref_slice %arg6[%dma_start3A_43] : memref<10000xi32, #tpu.memory_space<vmem>> -> memref<40xi32, #tpu.memory_space<vmem>>
    %dma_start3A_45 = arith.constant 0 : i32
    %dma_start3A_46 = arith.constant 0 : i32
    %dma_start3A_47 = tpu.memref_slice %arg2[%dma_start3A_45, %dma_start3A_46] : memref<10000x128xf32, #tpu.memory_space<hbm>> -> memref<10000x128xf32, #tpu.memory_space<hbm>>
    tpu.enqueue_indirect_dma source(%dma_start3A_47 : memref<10000x128xf32, #tpu.memory_space<hbm>>) target(%arg15 : memref<40x128xf32, #tpu.memory_space<vmem>>) offsets(%dma_start3A_44 : memref<40xi32, #tpu.memory_space<vmem>>) semaphore(%arg22 : memref<!tpu.dma_semaphore, #tpu.memory_space<semaphore_mem>>)
    %scan3A_48 = arith.constant 0 : i32
    %scan3A_49 = arith.constant 50 : i32
    %scan3A_50 = arith.addi %scan3A_48, %scan3A_49 : i32
    %scan3A_51 = arith.constant 1 : i32
    scf.for %scan3A_75 = %scan3A_48 to %scan3A_50 step %scan3A_51  : i32 {
      %mul3A_76 = arith.constant 5 : i32
      %mul3A_77 = arith.muli %scan3A_75, %mul3A_76 : i32
      %add3A_78 = arith.constant 0 : i32
      %add3A_79 = arith.addi %add3A_78, %mul3A_77 : i32
      %add3A_80 = arith.constant 0 : i32
      %add3A_81 = arith.addi %add3A_79, %add3A_80 : i32
      %mul3A_82 = arith.constant 40 : i32
      %mul3A_83 = arith.muli %add3A_81, %mul3A_82 : i32
      %dma_wait3A_84 = tpu.memref_slice %arg6[%mul3A_83] : memref<10000xi32, #tpu.memory_space<vmem>> -> memref<40xi32, #tpu.memory_space<vmem>>
      %dma_wait3A_85 = arith.constant 0 : i32
      %dma_wait3A_86 = arith.constant 0 : i32
      %dma_wait3A_87 = tpu.memref_slice %arg2[%dma_wait3A_85, %dma_wait3A_86] : memref<10000x128xf32, #tpu.memory_space<hbm>> -> memref<10000x128xf32, #tpu.memory_space<hbm>>
      tpu.wait_indirect_dma semaphore(%arg19 : memref<!tpu.dma_semaphore, #tpu.memory_space<semaphore_mem>>) src(%dma_wait3A_87 : memref<10000x128xf32, #tpu.memory_space<hbm>>) dst(%arg12 : memref<40x128xf32, #tpu.memory_space<vmem>>)
      %mul3A_88 = arith.constant 40 : i32
      %mul3A_89 = arith.muli %add3A_81, %mul3A_88 : i32
      %add3A_90 = arith.addi %mul3A_2, %mul3A_89 : i32
      %dma_wait3A_91 = tpu.memref_slice %arg4[%add3A_90] : memref<320000xi32, #tpu.memory_space<hbm>> -> memref<40xi32, #tpu.memory_space<hbm>>
      %dma_wait3A_92 = tpu.memref_slice %arg4[%add3A_90] : memref<320000xi32, #tpu.memory_space<hbm>> -> memref<40xi32, #tpu.memory_space<hbm>>
      tpu.wait_dma2 semaphore(%arg24 : memref<!tpu.dma_semaphore, #tpu.memory_space<semaphore_mem>>) src(%dma_wait3A_92 : memref<40xi32, #tpu.memory_space<hbm>>) dst(%arg7 : memref<40xi32, #tpu.memory_space<vmem>>)
      %dma_start3A_93 = arith.constant 0 : i32
      %dma_start3A_94 = arith.constant 0 : i32
      %dma_start3A_95 = tpu.memref_slice %arg18[%dma_start3A_93, %dma_start3A_94] : memref<10240x128xf32, #tpu.memory_space<vmem_shared>> -> memref<10240x128xf32, #tpu.memory_space<vmem_shared>>
      tpu.enqueue_indirect_dma source(%arg12 : memref<40x128xf32, #tpu.memory_space<vmem>>) target(%dma_start3A_95 : memref<10240x128xf32, #tpu.memory_space<vmem_shared>>) offsets(%arg7 : memref<40xi32, #tpu.memory_space<vmem>>) semaphore(%arg29 : memref<!tpu.dma_semaphore, #tpu.memory_space<semaphore_mem>>) {add = true}
      %add3A_96 = arith.constant 4 : i32
      %add3A_97 = arith.addi %add3A_81, %add3A_96 : i32
      %eq3A = arith.constant 0 : i32
      %eq3A_98 = arith.cmpi eq, %add3A_79, %eq3A : i32
      %convert_element_type3A = arith.extui %eq3A_98 : i1 to i32
      %cond3A = arith.constant 0 : i32
      %cond3A_99 = arith.cmpi ne, %convert_element_type3A, %cond3A : i32
      scf.if %cond3A_99 {
        %mul3A_197 = arith.constant 40 : i32
        %mul3A_198 = arith.muli %add3A_97, %mul3A_197 : i32
        %add3A_199 = arith.addi %mul3A_2, %mul3A_198 : i32
        %dma_start3A_200 = tpu.memref_slice %arg4[%add3A_199] : memref<320000xi32, #tpu.memory_space<hbm>> -> memref<40xi32, #tpu.memory_space<hbm>>
        %dma_start3A_201 = tpu.memref_slice %arg4[%add3A_199] : memref<320000xi32, #tpu.memory_space<hbm>> -> memref<40xi32, #tpu.memory_space<hbm>>
        tpu.enqueue_dma source(%dma_start3A_201 : memref<40xi32, #tpu.memory_space<hbm>>) target(%arg11 : memref<40xi32, #tpu.memory_space<vmem>>) target_semaphore(%arg28 : memref<!tpu.dma_semaphore, #tpu.memory_space<semaphore_mem>>)
        %mul3A_202 = arith.constant 40 : i32
        %mul3A_203 = arith.muli %add3A_97, %mul3A_202 : i32
        %dma_start3A_204 = tpu.memref_slice %arg6[%mul3A_203] : memref<10000xi32, #tpu.memory_space<vmem>> -> memref<40xi32, #tpu.memory_space<vmem>>
        %dma_start3A_205 = arith.constant 0 : i32
        %dma_start3A_206 = arith.constant 0 : i32
        %dma_start3A_207 = tpu.memref_slice %arg2[%dma_start3A_205, %dma_start3A_206] : memref<10000x128xf32, #tpu.memory_space<hbm>> -> memref<10000x128xf32, #tpu.memory_space<hbm>>
        tpu.enqueue_indirect_dma source(%dma_start3A_207 : memref<10000x128xf32, #tpu.memory_space<hbm>>) target(%arg16 : memref<40x128xf32, #tpu.memory_space<vmem>>) offsets(%dma_start3A_204 : memref<40xi32, #tpu.memory_space<vmem>>) semaphore(%arg23 : memref<!tpu.dma_semaphore, #tpu.memory_space<semaphore_mem>>)
      } else {
      }
      %gt3A = arith.constant 0 : i32
      %gt3A_100 = arith.cmpi sgt, %add3A_79, %gt3A : i32
      %lt3A = arith.constant 250 : i32
      %lt3A_101 = arith.cmpi slt, %add3A_97, %lt3A : i32
      %and3A = arith.andi %gt3A_100, %lt3A_101 : i1
      %convert_element_type3A_102 = arith.extui %and3A : i1 to i32
      %cond3A_103 = arith.constant 0 : i32
      %cond3A_104 = arith.cmpi ne, %convert_element_type3A_102, %cond3A_103 : i32
      scf.if %cond3A_104 {
        %dma_wait3A_197 = arith.constant 0 : i32
        %dma_wait3A_198 = arith.constant 0 : i32
        %dma_wait3A_199 = tpu.memref_slice %arg18[%dma_wait3A_197, %dma_wait3A_198] : memref<10240x128xf32, #tpu.memory_space<vmem_shared>> -> memref<10240x128xf32, #tpu.memory_space<vmem_shared>>
        tpu.wait_indirect_dma semaphore(%arg33 : memref<!tpu.dma_semaphore, #tpu.memory_space<semaphore_mem>>) src(%arg16 : memref<40x128xf32, #tpu.memory_space<vmem>>) dst(%dma_wait3A_199 : memref<10240x128xf32, #tpu.memory_space<vmem_shared>>)
        %mul3A_200 = arith.constant 40 : i32
        %mul3A_201 = arith.muli %add3A_97, %mul3A_200 : i32
        %add3A_202 = arith.addi %mul3A_2, %mul3A_201 : i32
        %dma_start3A_203 = tpu.memref_slice %arg4[%add3A_202] : memref<320000xi32, #tpu.memory_space<hbm>> -> memref<40xi32, #tpu.memory_space<hbm>>
        %dma_start3A_204 = tpu.memref_slice %arg4[%add3A_202] : memref<320000xi32, #tpu.memory_space<hbm>> -> memref<40xi32, #tpu.memory_space<hbm>>
        tpu.enqueue_dma source(%dma_start3A_204 : memref<40xi32, #tpu.memory_space<hbm>>) target(%arg11 : memref<40xi32, #tpu.memory_space<vmem>>) target_semaphore(%arg28 : memref<!tpu.dma_semaphore, #tpu.memory_space<semaphore_mem>>)
        %mul3A_205 = arith.constant 40 : i32
        %mul3A_206 = arith.muli %add3A_97, %mul3A_205 : i32
        %dma_start3A_207 = tpu.memref_slice %arg6[%mul3A_206] : memref<10000xi32, #tpu.memory_space<vmem>> -> memref<40xi32, #tpu.memory_space<vmem>>
        %dma_start3A_208 = arith.constant 0 : i32
        %dma_start3A_209 = arith.constant 0 : i32
        %dma_start3A_210 = tpu.memref_slice %arg2[%dma_start3A_208, %dma_start3A_209] : memref<10000x128xf32, #tpu.memory_space<hbm>> -> memref<10000x128xf32, #tpu.memory_space<hbm>>
        tpu.enqueue_indirect_dma source(%dma_start3A_210 : memref<10000x128xf32, #tpu.memory_space<hbm>>) target(%arg16 : memref<40x128xf32, #tpu.memory_space<vmem>>) offsets(%dma_start3A_207 : memref<40xi32, #tpu.memory_space<vmem>>) semaphore(%arg23 : memref<!tpu.dma_semaphore, #tpu.memory_space<semaphore_mem>>)
      } else {
      }
      %add3A_105 = arith.constant 1 : i32
      %add3A_106 = arith.addi %add3A_79, %add3A_105 : i32
      %mul3A_107 = arith.constant 40 : i32
      %mul3A_108 = arith.muli %add3A_106, %mul3A_107 : i32
      %dma_wait3A_109 = tpu.memref_slice %arg6[%mul3A_108] : memref<10000xi32, #tpu.memory_space<vmem>> -> memref<40xi32, #tpu.memory_space<vmem>>
      %dma_wait3A_110 = arith.constant 0 : i32
      %dma_wait3A_111 = arith.constant 0 : i32
      %dma_wait3A_112 = tpu.memref_slice %arg2[%dma_wait3A_110, %dma_wait3A_111] : memref<10000x128xf32, #tpu.memory_space<hbm>> -> memref<10000x128xf32, #tpu.memory_space<hbm>>
      tpu.wait_indirect_dma semaphore(%arg20 : memref<!tpu.dma_semaphore, #tpu.memory_space<semaphore_mem>>) src(%dma_wait3A_112 : memref<10000x128xf32, #tpu.memory_space<hbm>>) dst(%arg13 : memref<40x128xf32, #tpu.memory_space<vmem>>)
      %mul3A_113 = arith.constant 40 : i32
      %mul3A_114 = arith.muli %add3A_106, %mul3A_113 : i32
      %add3A_115 = arith.addi %mul3A_2, %mul3A_114 : i32
      %dma_wait3A_116 = tpu.memref_slice %arg4[%add3A_115] : memref<320000xi32, #tpu.memory_space<hbm>> -> memref<40xi32, #tpu.memory_space<hbm>>
      %dma_wait3A_117 = tpu.memref_slice %arg4[%add3A_115] : memref<320000xi32, #tpu.memory_space<hbm>> -> memref<40xi32, #tpu.memory_space<hbm>>
      tpu.wait_dma2 semaphore(%arg25 : memref<!tpu.dma_semaphore, #tpu.memory_space<semaphore_mem>>) src(%dma_wait3A_117 : memref<40xi32, #tpu.memory_space<hbm>>) dst(%arg8 : memref<40xi32, #tpu.memory_space<vmem>>)
      %dma_start3A_118 = arith.constant 0 : i32
      %dma_start3A_119 = arith.constant 0 : i32
      %dma_start3A_120 = tpu.memref_slice %arg18[%dma_start3A_118, %dma_start3A_119] : memref<10240x128xf32, #tpu.memory_space<vmem_shared>> -> memref<10240x128xf32, #tpu.memory_space<vmem_shared>>
      tpu.enqueue_indirect_dma source(%arg13 : memref<40x128xf32, #tpu.memory_space<vmem>>) target(%dma_start3A_120 : memref<10240x128xf32, #tpu.memory_space<vmem_shared>>) offsets(%arg8 : memref<40xi32, #tpu.memory_space<vmem>>) semaphore(%arg30 : memref<!tpu.dma_semaphore, #tpu.memory_space<semaphore_mem>>) {add = true}
      %add3A_121 = arith.constant 4 : i32
      %add3A_122 = arith.addi %add3A_106, %add3A_121 : i32
      %lt3A_123 = arith.constant 250 : i32
      %lt3A_124 = arith.cmpi slt, %add3A_122, %lt3A_123 : i32
      %convert_element_type3A_125 = arith.extui %lt3A_124 : i1 to i32
      %cond3A_126 = arith.constant 0 : i32
      %cond3A_127 = arith.cmpi ne, %convert_element_type3A_125, %cond3A_126 : i32
      scf.if %cond3A_127 {
        %dma_wait3A_197 = arith.constant 0 : i32
        %dma_wait3A_198 = arith.constant 0 : i32
        %dma_wait3A_199 = tpu.memref_slice %arg18[%dma_wait3A_197, %dma_wait3A_198] : memref<10240x128xf32, #tpu.memory_space<vmem_shared>> -> memref<10240x128xf32, #tpu.memory_space<vmem_shared>>
        tpu.wait_indirect_dma semaphore(%arg29 : memref<!tpu.dma_semaphore, #tpu.memory_space<semaphore_mem>>) src(%arg12 : memref<40x128xf32, #tpu.memory_space<vmem>>) dst(%dma_wait3A_199 : memref<10240x128xf32, #tpu.memory_space<vmem_shared>>)
        %mul3A_200 = arith.constant 40 : i32
        %mul3A_201 = arith.muli %add3A_122, %mul3A_200 : i32
        %add3A_202 = arith.addi %mul3A_2, %mul3A_201 : i32
        %dma_start3A_203 = tpu.memref_slice %arg4[%add3A_202] : memref<320000xi32, #tpu.memory_space<hbm>> -> memref<40xi32, #tpu.memory_space<hbm>>
        %dma_start3A_204 = tpu.memref_slice %arg4[%add3A_202] : memref<320000xi32, #tpu.memory_space<hbm>> -> memref<40xi32, #tpu.memory_space<hbm>>
        tpu.enqueue_dma source(%dma_start3A_204 : memref<40xi32, #tpu.memory_space<hbm>>) target(%arg7 : memref<40xi32, #tpu.memory_space<vmem>>) target_semaphore(%arg24 : memref<!tpu.dma_semaphore, #tpu.memory_space<semaphore_mem>>)
        %mul3A_205 = arith.constant 40 : i32
        %mul3A_206 = arith.muli %add3A_122, %mul3A_205 : i32
        %dma_start3A_207 = tpu.memref_slice %arg6[%mul3A_206] : memref<10000xi32, #tpu.memory_space<vmem>> -> memref<40xi32, #tpu.memory_space<vmem>>
        %dma_start3A_208 = arith.constant 0 : i32
        %dma_start3A_209 = arith.constant 0 : i32
        %dma_start3A_210 = tpu.memref_slice %arg2[%dma_start3A_208, %dma_start3A_209] : memref<10000x128xf32, #tpu.memory_space<hbm>> -> memref<10000x128xf32, #tpu.memory_space<hbm>>
        tpu.enqueue_indirect_dma source(%dma_start3A_210 : memref<10000x128xf32, #tpu.memory_space<hbm>>) target(%arg12 : memref<40x128xf32, #tpu.memory_space<vmem>>) offsets(%dma_start3A_207 : memref<40xi32, #tpu.memory_space<vmem>>) semaphore(%arg19 : memref<!tpu.dma_semaphore, #tpu.memory_space<semaphore_mem>>)
      } else {
      }
      %add3A_128 = arith.constant 2 : i32
      %add3A_129 = arith.addi %add3A_79, %add3A_128 : i32
      %mul3A_130 = arith.constant 40 : i32
      %mul3A_131 = arith.muli %add3A_129, %mul3A_130 : i32
      %dma_wait3A_132 = tpu.memref_slice %arg6[%mul3A_131] : memref<10000xi32, #tpu.memory_space<vmem>> -> memref<40xi32, #tpu.memory_space<vmem>>
      %dma_wait3A_133 = arith.constant 0 : i32
      %dma_wait3A_134 = arith.constant 0 : i32
      %dma_wait3A_135 = tpu.memref_slice %arg2[%dma_wait3A_133, %dma_wait3A_134] : memref<10000x128xf32, #tpu.memory_space<hbm>> -> memref<10000x128xf32, #tpu.memory_space<hbm>>
      tpu.wait_indirect_dma semaphore(%arg21 : memref<!tpu.dma_semaphore, #tpu.memory_space<semaphore_mem>>) src(%dma_wait3A_135 : memref<10000x128xf32, #tpu.memory_space<hbm>>) dst(%arg14 : memref<40x128xf32, #tpu.memory_space<vmem>>)
      %mul3A_136 = arith.constant 40 : i32
      %mul3A_137 = arith.muli %add3A_129, %mul3A_136 : i32
      %add3A_138 = arith.addi %mul3A_2, %mul3A_137 : i32
      %dma_wait3A_139 = tpu.memref_slice %arg4[%add3A_138] : memref<320000xi32, #tpu.memory_space<hbm>> -> memref<40xi32, #tpu.memory_space<hbm>>
      %dma_wait3A_140 = tpu.memref_slice %arg4[%add3A_138] : memref<320000xi32, #tpu.memory_space<hbm>> -> memref<40xi32, #tpu.memory_space<hbm>>
      tpu.wait_dma2 semaphore(%arg26 : memref<!tpu.dma_semaphore, #tpu.memory_space<semaphore_mem>>) src(%dma_wait3A_140 : memref<40xi32, #tpu.memory_space<hbm>>) dst(%arg9 : memref<40xi32, #tpu.memory_space<vmem>>)
      %dma_start3A_141 = arith.constant 0 : i32
      %dma_start3A_142 = arith.constant 0 : i32
      %dma_start3A_143 = tpu.memref_slice %arg18[%dma_start3A_141, %dma_start3A_142] : memref<10240x128xf32, #tpu.memory_space<vmem_shared>> -> memref<10240x128xf32, #tpu.memory_space<vmem_shared>>
      tpu.enqueue_indirect_dma source(%arg14 : memref<40x128xf32, #tpu.memory_space<vmem>>) target(%dma_start3A_143 : memref<10240x128xf32, #tpu.memory_space<vmem_shared>>) offsets(%arg9 : memref<40xi32, #tpu.memory_space<vmem>>) semaphore(%arg31 : memref<!tpu.dma_semaphore, #tpu.memory_space<semaphore_mem>>) {add = true}
      %add3A_144 = arith.constant 4 : i32
      %add3A_145 = arith.addi %add3A_129, %add3A_144 : i32
      %lt3A_146 = arith.constant 250 : i32
      %lt3A_147 = arith.cmpi slt, %add3A_145, %lt3A_146 : i32
      %convert_element_type3A_148 = arith.extui %lt3A_147 : i1 to i32
      %cond3A_149 = arith.constant 0 : i32
      %cond3A_150 = arith.cmpi ne, %convert_element_type3A_148, %cond3A_149 : i32
      scf.if %cond3A_150 {
        %dma_wait3A_197 = arith.constant 0 : i32
        %dma_wait3A_198 = arith.constant 0 : i32
        %dma_wait3A_199 = tpu.memref_slice %arg18[%dma_wait3A_197, %dma_wait3A_198] : memref<10240x128xf32, #tpu.memory_space<vmem_shared>> -> memref<10240x128xf32, #tpu.memory_space<vmem_shared>>
        tpu.wait_indirect_dma semaphore(%arg30 : memref<!tpu.dma_semaphore, #tpu.memory_space<semaphore_mem>>) src(%arg13 : memref<40x128xf32, #tpu.memory_space<vmem>>) dst(%dma_wait3A_199 : memref<10240x128xf32, #tpu.memory_space<vmem_shared>>)
        %mul3A_200 = arith.constant 40 : i32
        %mul3A_201 = arith.muli %add3A_145, %mul3A_200 : i32
        %add3A_202 = arith.addi %mul3A_2, %mul3A_201 : i32
        %dma_start3A_203 = tpu.memref_slice %arg4[%add3A_202] : memref<320000xi32, #tpu.memory_space<hbm>> -> memref<40xi32, #tpu.memory_space<hbm>>
        %dma_start3A_204 = tpu.memref_slice %arg4[%add3A_202] : memref<320000xi32, #tpu.memory_space<hbm>> -> memref<40xi32, #tpu.memory_space<hbm>>
        tpu.enqueue_dma source(%dma_start3A_204 : memref<40xi32, #tpu.memory_space<hbm>>) target(%arg8 : memref<40xi32, #tpu.memory_space<vmem>>) target_semaphore(%arg25 : memref<!tpu.dma_semaphore, #tpu.memory_space<semaphore_mem>>)
        %mul3A_205 = arith.constant 40 : i32
        %mul3A_206 = arith.muli %add3A_145, %mul3A_205 : i32
        %dma_start3A_207 = tpu.memref_slice %arg6[%mul3A_206] : memref<10000xi32, #tpu.memory_space<vmem>> -> memref<40xi32, #tpu.memory_space<vmem>>
        %dma_start3A_208 = arith.constant 0 : i32
        %dma_start3A_209 = arith.constant 0 : i32
        %dma_start3A_210 = tpu.memref_slice %arg2[%dma_start3A_208, %dma_start3A_209] : memref<10000x128xf32, #tpu.memory_space<hbm>> -> memref<10000x128xf32, #tpu.memory_space<hbm>>
        tpu.enqueue_indirect_dma source(%dma_start3A_210 : memref<10000x128xf32, #tpu.memory_space<hbm>>) target(%arg13 : memref<40x128xf32, #tpu.memory_space<vmem>>) offsets(%dma_start3A_207 : memref<40xi32, #tpu.memory_space<vmem>>) semaphore(%arg20 : memref<!tpu.dma_semaphore, #tpu.memory_space<semaphore_mem>>)
      } else {
      }
      %add3A_151 = arith.constant 3 : i32
      %add3A_152 = arith.addi %add3A_79, %add3A_151 : i32
      %mul3A_153 = arith.constant 40 : i32
      %mul3A_154 = arith.muli %add3A_152, %mul3A_153 : i32
      %dma_wait3A_155 = tpu.memref_slice %arg6[%mul3A_154] : memref<10000xi32, #tpu.memory_space<vmem>> -> memref<40xi32, #tpu.memory_space<vmem>>
      %dma_wait3A_156 = arith.constant 0 : i32
      %dma_wait3A_157 = arith.constant 0 : i32
      %dma_wait3A_158 = tpu.memref_slice %arg2[%dma_wait3A_156, %dma_wait3A_157] : memref<10000x128xf32, #tpu.memory_space<hbm>> -> memref<10000x128xf32, #tpu.memory_space<hbm>>
      tpu.wait_indirect_dma semaphore(%arg22 : memref<!tpu.dma_semaphore, #tpu.memory_space<semaphore_mem>>) src(%dma_wait3A_158 : memref<10000x128xf32, #tpu.memory_space<hbm>>) dst(%arg15 : memref<40x128xf32, #tpu.memory_space<vmem>>)
      %mul3A_159 = arith.constant 40 : i32
      %mul3A_160 = arith.muli %add3A_152, %mul3A_159 : i32
      %add3A_161 = arith.addi %mul3A_2, %mul3A_160 : i32
      %dma_wait3A_162 = tpu.memref_slice %arg4[%add3A_161] : memref<320000xi32, #tpu.memory_space<hbm>> -> memref<40xi32, #tpu.memory_space<hbm>>
      %dma_wait3A_163 = tpu.memref_slice %arg4[%add3A_161] : memref<320000xi32, #tpu.memory_space<hbm>> -> memref<40xi32, #tpu.memory_space<hbm>>
      tpu.wait_dma2 semaphore(%arg27 : memref<!tpu.dma_semaphore, #tpu.memory_space<semaphore_mem>>) src(%dma_wait3A_163 : memref<40xi32, #tpu.memory_space<hbm>>) dst(%arg10 : memref<40xi32, #tpu.memory_space<vmem>>)
      %dma_start3A_164 = arith.constant 0 : i32
      %dma_start3A_165 = arith.constant 0 : i32
      %dma_start3A_166 = tpu.memref_slice %arg18[%dma_start3A_164, %dma_start3A_165] : memref<10240x128xf32, #tpu.memory_space<vmem_shared>> -> memref<10240x128xf32, #tpu.memory_space<vmem_shared>>
      tpu.enqueue_indirect_dma source(%arg15 : memref<40x128xf32, #tpu.memory_space<vmem>>) target(%dma_start3A_166 : memref<10240x128xf32, #tpu.memory_space<vmem_shared>>) offsets(%arg10 : memref<40xi32, #tpu.memory_space<vmem>>) semaphore(%arg32 : memref<!tpu.dma_semaphore, #tpu.memory_space<semaphore_mem>>) {add = true}
      %add3A_167 = arith.constant 4 : i32
      %add3A_168 = arith.addi %add3A_152, %add3A_167 : i32
      %lt3A_169 = arith.constant 250 : i32
      %lt3A_170 = arith.cmpi slt, %add3A_168, %lt3A_169 : i32
      %convert_element_type3A_171 = arith.extui %lt3A_170 : i1 to i32
      %cond3A_172 = arith.constant 0 : i32
      %cond3A_173 = arith.cmpi ne, %convert_element_type3A_171, %cond3A_172 : i32
      scf.if %cond3A_173 {
        %dma_wait3A_197 = arith.constant 0 : i32
        %dma_wait3A_198 = arith.constant 0 : i32
        %dma_wait3A_199 = tpu.memref_slice %arg18[%dma_wait3A_197, %dma_wait3A_198] : memref<10240x128xf32, #tpu.memory_space<vmem_shared>> -> memref<10240x128xf32, #tpu.memory_space<vmem_shared>>
        tpu.wait_indirect_dma semaphore(%arg31 : memref<!tpu.dma_semaphore, #tpu.memory_space<semaphore_mem>>) src(%arg14 : memref<40x128xf32, #tpu.memory_space<vmem>>) dst(%dma_wait3A_199 : memref<10240x128xf32, #tpu.memory_space<vmem_shared>>)
        %mul3A_200 = arith.constant 40 : i32
        %mul3A_201 = arith.muli %add3A_168, %mul3A_200 : i32
        %add3A_202 = arith.addi %mul3A_2, %mul3A_201 : i32
        %dma_start3A_203 = tpu.memref_slice %arg4[%add3A_202] : memref<320000xi32, #tpu.memory_space<hbm>> -> memref<40xi32, #tpu.memory_space<hbm>>
        %dma_start3A_204 = tpu.memref_slice %arg4[%add3A_202] : memref<320000xi32, #tpu.memory_space<hbm>> -> memref<40xi32, #tpu.memory_space<hbm>>
        tpu.enqueue_dma source(%dma_start3A_204 : memref<40xi32, #tpu.memory_space<hbm>>) target(%arg9 : memref<40xi32, #tpu.memory_space<vmem>>) target_semaphore(%arg26 : memref<!tpu.dma_semaphore, #tpu.memory_space<semaphore_mem>>)
        %mul3A_205 = arith.constant 40 : i32
        %mul3A_206 = arith.muli %add3A_168, %mul3A_205 : i32
        %dma_start3A_207 = tpu.memref_slice %arg6[%mul3A_206] : memref<10000xi32, #tpu.memory_space<vmem>> -> memref<40xi32, #tpu.memory_space<vmem>>
        %dma_start3A_208 = arith.constant 0 : i32
        %dma_start3A_209 = arith.constant 0 : i32
        %dma_start3A_210 = tpu.memref_slice %arg2[%dma_start3A_208, %dma_start3A_209] : memref<10000x128xf32, #tpu.memory_space<hbm>> -> memref<10000x128xf32, #tpu.memory_space<hbm>>
        tpu.enqueue_indirect_dma source(%dma_start3A_210 : memref<10000x128xf32, #tpu.memory_space<hbm>>) target(%arg14 : memref<40x128xf32, #tpu.memory_space<vmem>>) offsets(%dma_start3A_207 : memref<40xi32, #tpu.memory_space<vmem>>) semaphore(%arg21 : memref<!tpu.dma_semaphore, #tpu.memory_space<semaphore_mem>>)
      } else {
      }
      %add3A_174 = arith.constant 4 : i32
      %add3A_175 = arith.addi %add3A_79, %add3A_174 : i32
      %mul3A_176 = arith.constant 40 : i32
      %mul3A_177 = arith.muli %add3A_175, %mul3A_176 : i32
      %dma_wait3A_178 = tpu.memref_slice %arg6[%mul3A_177] : memref<10000xi32, #tpu.memory_space<vmem>> -> memref<40xi32, #tpu.memory_space<vmem>>
      %dma_wait3A_179 = arith.constant 0 : i32
      %dma_wait3A_180 = arith.constant 0 : i32
      %dma_wait3A_181 = tpu.memref_slice %arg2[%dma_wait3A_179, %dma_wait3A_180] : memref<10000x128xf32, #tpu.memory_space<hbm>> -> memref<10000x128xf32, #tpu.memory_space<hbm>>
      tpu.wait_indirect_dma semaphore(%arg23 : memref<!tpu.dma_semaphore, #tpu.memory_space<semaphore_mem>>) src(%dma_wait3A_181 : memref<10000x128xf32, #tpu.memory_space<hbm>>) dst(%arg16 : memref<40x128xf32, #tpu.memory_space<vmem>>)
      %mul3A_182 = arith.constant 40 : i32
      %mul3A_183 = arith.muli %add3A_175, %mul3A_182 : i32
      %add3A_184 = arith.addi %mul3A_2, %mul3A_183 : i32
      %dma_wait3A_185 = tpu.memref_slice %arg4[%add3A_184] : memref<320000xi32, #tpu.memory_space<hbm>> -> memref<40xi32, #tpu.memory_space<hbm>>
      %dma_wait3A_186 = tpu.memref_slice %arg4[%add3A_184] : memref<320000xi32, #tpu.memory_space<hbm>> -> memref<40xi32, #tpu.memory_space<hbm>>
      tpu.wait_dma2 semaphore(%arg28 : memref<!tpu.dma_semaphore, #tpu.memory_space<semaphore_mem>>) src(%dma_wait3A_186 : memref<40xi32, #tpu.memory_space<hbm>>) dst(%arg11 : memref<40xi32, #tpu.memory_space<vmem>>)
      %dma_start3A_187 = arith.constant 0 : i32
      %dma_start3A_188 = arith.constant 0 : i32
      %dma_start3A_189 = tpu.memref_slice %arg18[%dma_start3A_187, %dma_start3A_188] : memref<10240x128xf32, #tpu.memory_space<vmem_shared>> -> memref<10240x128xf32, #tpu.memory_space<vmem_shared>>
      tpu.enqueue_indirect_dma source(%arg16 : memref<40x128xf32, #tpu.memory_space<vmem>>) target(%dma_start3A_189 : memref<10240x128xf32, #tpu.memory_space<vmem_shared>>) offsets(%arg11 : memref<40xi32, #tpu.memory_space<vmem>>) semaphore(%arg33 : memref<!tpu.dma_semaphore, #tpu.memory_space<semaphore_mem>>) {add = true}
      %add3A_190 = arith.constant 4 : i32
      %add3A_191 = arith.addi %add3A_175, %add3A_190 : i32
      %lt3A_192 = arith.constant 250 : i32
      %lt3A_193 = arith.cmpi slt, %add3A_191, %lt3A_192 : i32
      %convert_element_type3A_194 = arith.extui %lt3A_193 : i1 to i32
      %cond3A_195 = arith.constant 0 : i32
      %cond3A_196 = arith.cmpi ne, %convert_element_type3A_194, %cond3A_195 : i32
      scf.if %cond3A_196 {
        %dma_wait3A_197 = arith.constant 0 : i32
        %dma_wait3A_198 = arith.constant 0 : i32
        %dma_wait3A_199 = tpu.memref_slice %arg18[%dma_wait3A_197, %dma_wait3A_198] : memref<10240x128xf32, #tpu.memory_space<vmem_shared>> -> memref<10240x128xf32, #tpu.memory_space<vmem_shared>>
        tpu.wait_indirect_dma semaphore(%arg32 : memref<!tpu.dma_semaphore, #tpu.memory_space<semaphore_mem>>) src(%arg15 : memref<40x128xf32, #tpu.memory_space<vmem>>) dst(%dma_wait3A_199 : memref<10240x128xf32, #tpu.memory_space<vmem_shared>>)
        %mul3A_200 = arith.constant 40 : i32
        %mul3A_201 = arith.muli %add3A_191, %mul3A_200 : i32
        %add3A_202 = arith.addi %mul3A_2, %mul3A_201 : i32
        %dma_start3A_203 = tpu.memref_slice %arg4[%add3A_202] : memref<320000xi32, #tpu.memory_space<hbm>> -> memref<40xi32, #tpu.memory_space<hbm>>
        %dma_start3A_204 = tpu.memref_slice %arg4[%add3A_202] : memref<320000xi32, #tpu.memory_space<hbm>> -> memref<40xi32, #tpu.memory_space<hbm>>
        tpu.enqueue_dma source(%dma_start3A_204 : memref<40xi32, #tpu.memory_space<hbm>>) target(%arg10 : memref<40xi32, #tpu.memory_space<vmem>>) target_semaphore(%arg27 : memref<!tpu.dma_semaphore, #tpu.memory_space<semaphore_mem>>)
        %mul3A_205 = arith.constant 40 : i32
        %mul3A_206 = arith.muli %add3A_191, %mul3A_205 : i32
        %dma_start3A_207 = tpu.memref_slice %arg6[%mul3A_206] : memref<10000xi32, #tpu.memory_space<vmem>> -> memref<40xi32, #tpu.memory_space<vmem>>
        %dma_start3A_208 = arith.constant 0 : i32
        %dma_start3A_209 = arith.constant 0 : i32
        %dma_start3A_210 = tpu.memref_slice %arg2[%dma_start3A_208, %dma_start3A_209] : memref<10000x128xf32, #tpu.memory_space<hbm>> -> memref<10000x128xf32, #tpu.memory_space<hbm>>
        tpu.enqueue_indirect_dma source(%dma_start3A_210 : memref<10000x128xf32, #tpu.memory_space<hbm>>) target(%arg15 : memref<40x128xf32, #tpu.memory_space<vmem>>) offsets(%dma_start3A_207 : memref<40xi32, #tpu.memory_space<vmem>>) semaphore(%arg22 : memref<!tpu.dma_semaphore, #tpu.memory_space<semaphore_mem>>)
      } else {
      }
    }
    %scan3A_52 = arith.constant 50 : i32
    %dma_wait3A = arith.constant 0 : i32
    %dma_wait3A_53 = arith.constant 0 : i32
    %dma_wait3A_54 = tpu.memref_slice %arg18[%dma_wait3A, %dma_wait3A_53] : memref<10240x128xf32, #tpu.memory_space<vmem_shared>> -> memref<10240x128xf32, #tpu.memory_space<vmem_shared>>
    tpu.wait_indirect_dma semaphore(%arg29 : memref<!tpu.dma_semaphore, #tpu.memory_space<semaphore_mem>>) src(%arg12 : memref<40x128xf32, #tpu.memory_space<vmem>>) dst(%dma_wait3A_54 : memref<10240x128xf32, #tpu.memory_space<vmem_shared>>)
    %dma_wait3A_55 = arith.constant 0 : i32
    %dma_wait3A_56 = arith.constant 0 : i32
    %dma_wait3A_57 = tpu.memref_slice %arg18[%dma_wait3A_55, %dma_wait3A_56] : memref<10240x128xf32, #tpu.memory_space<vmem_shared>> -> memref<10240x128xf32, #tpu.memory_space<vmem_shared>>
    tpu.wait_indirect_dma semaphore(%arg30 : memref<!tpu.dma_semaphore, #tpu.memory_space<semaphore_mem>>) src(%arg13 : memref<40x128xf32, #tpu.memory_space<vmem>>) dst(%dma_wait3A_57 : memref<10240x128xf32, #tpu.memory_space<vmem_shared>>)
    %dma_wait3A_58 = arith.constant 0 : i32
    %dma_wait3A_59 = arith.constant 0 : i32
    %dma_wait3A_60 = tpu.memref_slice %arg18[%dma_wait3A_58, %dma_wait3A_59] : memref<10240x128xf32, #tpu.memory_space<vmem_shared>> -> memref<10240x128xf32, #tpu.memory_space<vmem_shared>>
    tpu.wait_indirect_dma semaphore(%arg31 : memref<!tpu.dma_semaphore, #tpu.memory_space<semaphore_mem>>) src(%arg14 : memref<40x128xf32, #tpu.memory_space<vmem>>) dst(%dma_wait3A_60 : memref<10240x128xf32, #tpu.memory_space<vmem_shared>>)
    %dma_wait3A_61 = arith.constant 0 : i32
    %dma_wait3A_62 = arith.constant 0 : i32
    %dma_wait3A_63 = tpu.memref_slice %arg18[%dma_wait3A_61, %dma_wait3A_62] : memref<10240x128xf32, #tpu.memory_space<vmem_shared>> -> memref<10240x128xf32, #tpu.memory_space<vmem_shared>>
    tpu.wait_indirect_dma semaphore(%arg32 : memref<!tpu.dma_semaphore, #tpu.memory_space<semaphore_mem>>) src(%arg15 : memref<40x128xf32, #tpu.memory_space<vmem>>) dst(%dma_wait3A_63 : memref<10240x128xf32, #tpu.memory_space<vmem_shared>>)
    %dma_wait3A_64 = arith.constant 0 : i32
    %dma_wait3A_65 = arith.constant 0 : i32
    %dma_wait3A_66 = tpu.memref_slice %arg18[%dma_wait3A_64, %dma_wait3A_65] : memref<10240x128xf32, #tpu.memory_space<vmem_shared>> -> memref<10240x128xf32, #tpu.memory_space<vmem_shared>>
    tpu.wait_indirect_dma semaphore(%arg33 : memref<!tpu.dma_semaphore, #tpu.memory_space<semaphore_mem>>) src(%arg16 : memref<40x128xf32, #tpu.memory_space<vmem>>) dst(%dma_wait3A_66 : memref<10240x128xf32, #tpu.memory_space<vmem_shared>>)
    %barrier3A_67 = arith.constant 0 : index
    tpu.barrier barrier_id(%barrier3A_67)
    %mul3A_68 = arith.constant 640 : i32
    %mul3A_69 = arith.muli %arg1, %mul3A_68 : i32
    %mul3A_70 = arith.constant 10240 : i32
    %mul3A_71 = arith.muli %arg0, %mul3A_70 : i32
    %mul3A_72 = arith.constant 640 : i32
    %mul3A_73 = arith.muli %arg1, %mul3A_72 : i32
    %add3A_74 = arith.addi %mul3A_71, %mul3A_73 : i32
    "tpu.region"() ({
      %run_scoped3A = tpu.sem_alloc : memref<!tpu.dma_semaphore, #tpu.memory_space<semaphore_mem>>
      %dma_start3A_75 = arith.constant 0 : i32
      %dma_start3A_76 = tpu.memref_slice %arg5[%add3A_74, %dma_start3A_75] : memref<20480x128xf32, #tpu.memory_space<hbm>> -> memref<640x128xf32, #tpu.memory_space<hbm>>
      %dma_start3A_77 = arith.constant 0 : i32
      %dma_start3A_78 = tpu.memref_slice %arg18[%mul3A_69, %dma_start3A_77] : memref<10240x128xf32, #tpu.memory_space<vmem_shared>> -> memref<640x128xf32, #tpu.memory_space<vmem_shared>>
      tpu.enqueue_dma source(%dma_start3A_78 : memref<640x128xf32, #tpu.memory_space<vmem_shared>>) target(%dma_start3A_76 : memref<640x128xf32, #tpu.memory_space<hbm>>) target_semaphore(%run_scoped3A : memref<!tpu.dma_semaphore, #tpu.memory_space<semaphore_mem>>)
      %dma_wait3A_79 = arith.constant 0 : i32
      %dma_wait3A_80 = tpu.memref_slice %arg5[%add3A_74, %dma_wait3A_79] : memref<20480x128xf32, #tpu.memory_space<hbm>> -> memref<640x128xf32, #tpu.memory_space<hbm>>
      %dma_wait3A_81 = arith.constant 0 : i32
      %dma_wait3A_82 = tpu.memref_slice %arg18[%mul3A_69, %dma_wait3A_81] : memref<10240x128xf32, #tpu.memory_space<vmem_shared>> -> memref<640x128xf32, #tpu.memory_space<vmem_shared>>
      tpu.wait_dma2 semaphore(%run_scoped3A : memref<!tpu.dma_semaphore, #tpu.memory_space<semaphore_mem>>) src(%dma_wait3A_82 : memref<640x128xf32, #tpu.memory_space<vmem_shared>>) dst(%dma_wait3A_80 : memref<640x128xf32, #tpu.memory_space<hbm>>)
      tpu.yield
    }) : () -> ()
    return
  }
}

module attributes {stable_mosaic.version = 14 : i64} {
  func.func @_mm_body(%arg0: i32, %arg1: memref<1000x128xf32, #tpu.memory_space<vmem>>, %arg2: memref<128x128xf32, #tpu.memory_space<vmem>>, %arg3: memref<1000x128xf32, #tpu.memory_space<vmem>>) attributes {dimension_semantics = [#tpu.dimension_semantics<arbitrary>], iteration_bounds = array<i64: 10>, scalar_prefetch = 0 : i64, scratch_operands = 0 : i64, tpu.core_type = #tpu.core_type<tc>, window_params = [{transform_indices = @transform_0, window_bounds = array<i64: 1000, 128>}, {pipeline_mode = #tpu.pipeline_mode<synchronous>, transform_indices = @transform_1, window_bounds = array<i64: 128, 128>}, {transform_indices = @transform_2, window_bounds = array<i64: 1000, 128>}]} {
    %get3A = arith.constant 0 : index
    %get3A_0 = arith.constant 0 : index
    %get3A_1 = vector.load %arg1[%get3A, %get3A_0] : memref<1000x128xf32, #tpu.memory_space<vmem>>, vector<1000x128xf32>
    %get3A_2 = arith.constant 0 : index
    %get3A_3 = arith.constant 0 : index
    %get3A_4 = vector.load %arg2[%get3A_2, %get3A_3] : memref<128x128xf32, #tpu.memory_space<vmem>>, vector<128x128xf32>
    %dot_general3A = arith.constant dense<0.000000e+00> : vector<1000x128xf32>
    %dot_general3A_5 = tpu.matmul %get3A_1, %get3A_4, %dot_general3A {dimension_numbers = #tpu.dot_dimension_numbers<[1], [0], [0], [1], [0, 0, 1, 1], [], []>, transpose_lhs_hint = false} : vector<1000x128xf32>, vector<128x128xf32>, vector<1000x128xf32> -> vector<1000x128xf32>
    %swap3A = arith.constant 0 : index
    %swap3A_6 = arith.constant 0 : index
    %swap3A_7 = vector.load %arg3[%swap3A, %swap3A_6] : memref<1000x128xf32, #tpu.memory_space<vmem>>, vector<1000x128xf32>
    tpu.vector_store %arg3[%swap3A, %swap3A_6], %dot_general3A_5 {strides = array<i32>} : memref<1000x128xf32, #tpu.memory_space<vmem>>, vector<1000x128xf32>,
    return
  }
  func.func @transform_0(%arg0: i32) -> (i32, i32) {
    %c0_i32 = arith.constant 0 : i32
    %c0_i32_0 = arith.constant 0 : i32
    return %arg0, %c0_i32 : i32, i32
  }
  func.func @transform_1(%arg0: i32) -> (i32, i32) {
    %c0_i32 = arith.constant 0 : i32
    %c0_i32_0 = arith.constant 0 : i32
    %c0_i32_1 = arith.constant 0 : i32
    return %c0_i32, %c0_i32_0 : i32, i32
  }
  func.func @transform_2(%arg0: i32) -> (i32, i32) {
    %c0_i32 = arith.constant 0 : i32
    %c0_i32_0 = arith.constant 0 : i32
    return %arg0, %c0_i32 : i32, i32
  }
}

module attributes {stable_mosaic.version = 14 : i64} {
  func.func @_scale_body(%arg0: i32, %arg1: memref<1000x128xf32, #tpu.memory_space<vmem>>, %arg2: memref<2x1000x128xf32, #tpu.memory_space<vmem>>, %arg3: memref<1000x128xf32, #tpu.memory_space<vmem>>, %arg4: memref<1000x1xf32, #tpu.memory_space<vmem>>) attributes {dimension_semantics = [#tpu.dimension_semantics<arbitrary>], iteration_bounds = array<i64: 10>, scalar_prefetch = 0 : i64, scratch_operands = 0 : i64, tpu.core_type = #tpu.core_type<tc>, window_params = [{transform_indices = @transform_0, window_bounds = array<i64: 1000, 128>}, {transform_indices = @transform_1, window_bounds = array<i64: 2, 1000, 128>}, {transform_indices = @transform_2, window_bounds = array<i64: 1000, 128>}, {transform_indices = @transform_3, window_bounds = array<i64: 1000, 1>}]} {
    %get3A = arith.constant 0 : index
    %get3A_0 = arith.constant 0 : index
    %get3A_1 = arith.constant 0 : index
    %get3A_2 = vector.load %arg2[%get3A, %get3A_0, %get3A_1] : memref<2x1000x128xf32, #tpu.memory_space<vmem>>, vector<2x1000x128xf32>
    %slice3A = vector.extract_strided_slice %get3A_2 {offsets = [0, 0, 0], sizes = [1, 1000, 128], strides = [1, 1, 1]} : vector<2x1000x128xf32> to vector<1x1000x128xf32>
    %squeeze3A = vector.shape_cast %slice3A : vector<1x1000x128xf32> to vector<1000x128xf32>
    %slice3A_3 = vector.extract_strided_slice %get3A_2 {offsets = [1, 0, 0], sizes = [1, 1000, 128], strides = [1, 1, 1]} : vector<2x1000x128xf32> to vector<1x1000x128xf32>
    %squeeze3A_4 = vector.shape_cast %slice3A_3 : vector<1x1000x128xf32> to vector<1000x128xf32>
    %add3A = arith.addf %squeeze3A, %squeeze3A_4 : vector<1000x128xf32>
    %reduce_sum3A = arith.constant dense<0.000000e+00> : vector<1000xf32>
    %reduce_sum3A_5 = vector.multi_reduction <add>, %add3A, %reduce_sum3A [1] : vector<1000x128xf32> to vector<1000xf32>
    %broadcast_in_dim3A = vector.shape_cast %reduce_sum3A_5 : vector<1000xf32> to vector<1000x1xf32>
    %add3A_6 = arith.constant 1.000000e+00 : f32
    %add3A_7 = vector.broadcast %add3A_6 : f32 to vector<1000x1xf32>
    %add3A_8 = arith.addf %broadcast_in_dim3A, %add3A_7 : vector<1000x1xf32>
    %rsqrt3A = math.rsqrt %add3A_8 : vector<1000x1xf32>
    %swap3A = arith.constant 0 : index
    %swap3A_9 = arith.constant 0 : index
    %swap3A_10 = vector.load %arg4[%swap3A, %swap3A_9] : memref<1000x1xf32, #tpu.memory_space<vmem>>, vector<1000x1xf32>
    tpu.vector_store %arg4[%swap3A, %swap3A_9], %rsqrt3A {strides = array<i32>} : memref<1000x1xf32, #tpu.memory_space<vmem>>, vector<1000x1xf32>,
    %get3A_11 = arith.constant 0 : index
    %get3A_12 = arith.constant 0 : index
    %get3A_13 = vector.load %arg1[%get3A_11, %get3A_12] : memref<1000x128xf32, #tpu.memory_space<vmem>>, vector<1000x128xf32>
    %mul3A = vector.broadcast %rsqrt3A : vector<1000x1xf32> to vector<1000x128xf32>
    %mul3A_14 = arith.mulf %mul3A, %get3A_13 : vector<1000x128xf32>
    %swap3A_15 = arith.constant 0 : index
    %swap3A_16 = arith.constant 0 : index
    %swap3A_17 = vector.load %arg3[%swap3A_15, %swap3A_16] : memref<1000x128xf32, #tpu.memory_space<vmem>>, vector<1000x128xf32>
    tpu.vector_store %arg3[%swap3A_15, %swap3A_16], %mul3A_14 {strides = array<i32>} : memref<1000x128xf32, #tpu.memory_space<vmem>>, vector<1000x128xf32>,
    return
  }
  func.func @transform_0(%arg0: i32) -> (i32, i32) {
    %c0_i32 = arith.constant 0 : i32
    %c0_i32_0 = arith.constant 0 : i32
    return %arg0, %c0_i32 : i32, i32
  }
  func.func @transform_1(%arg0: i32) -> (i32, i32, i32) {
    %c0_i32 = arith.constant 0 : i32
    %c0_i32_0 = arith.constant 0 : i32
    %c0_i32_1 = arith.constant 0 : i32
    return %c0_i32, %arg0, %c0_i32_0 : i32, i32, i32
  }
  func.func @transform_2(%arg0: i32) -> (i32, i32) {
    %c0_i32 = arith.constant 0 : i32
    %c0_i32_0 = arith.constant 0 : i32
    return %arg0, %c0_i32 : i32, i32
  }
  func.func @transform_3(%arg0: i32) -> (i32, i32) {
    %c0_i32 = arith.constant 0 : i32
    %c0_i32_0 = arith.constant 0 : i32
    return %arg0, %c0_i32 : i32, i32
  }
}

module attributes {stable_mosaic.version = 14 : i64} {
  func.func @_mid_body(%arg0: i32, %arg1: memref<2x1000x128xf32, #tpu.memory_space<vmem>>, %arg2: memref<1000x128xf32, #tpu.memory_space<vmem>>, %arg3: memref<1000x1xf32, #tpu.memory_space<vmem>>, %arg4: memref<1x128xf32, #tpu.memory_space<vmem>>, %arg5: memref<128x128xf32, #tpu.memory_space<vmem>>, %arg6: memref<1000x128xf32, #tpu.memory_space<vmem>>) attributes {dimension_semantics = [#tpu.dimension_semantics<arbitrary>], iteration_bounds = array<i64: 10>, scalar_prefetch = 0 : i64, scratch_operands = 0 : i64, tpu.core_type = #tpu.core_type<tc>, window_params = [{transform_indices = @transform_0, window_bounds = array<i64: 2, 1000, 128>}, {transform_indices = @transform_1, window_bounds = array<i64: 1000, 128>}, {transform_indices = @transform_2, window_bounds = array<i64: 1000, 1>}, {pipeline_mode = #tpu.pipeline_mode<synchronous>, transform_indices = @transform_3, window_bounds = array<i64: 1, 128>}, {pipeline_mode = #tpu.pipeline_mode<synchronous>, transform_indices = @transform_4, window_bounds = array<i64: 128, 128>}, {transform_indices = @transform_5, window_bounds = array<i64: 1000, 128>}]} {
    %get3A = arith.constant 0 : index
    %get3A_0 = arith.constant 0 : index
    %get3A_1 = vector.load %arg3[%get3A, %get3A_0] : memref<1000x1xf32, #tpu.memory_space<vmem>>, vector<1000x1xf32>
    %get3A_2 = arith.constant 0 : index
    %get3A_3 = arith.constant 0 : index
    %get3A_4 = arith.constant 0 : index
    %get3A_5 = vector.load %arg1[%get3A_2, %get3A_3, %get3A_4] : memref<2x1000x128xf32, #tpu.memory_space<vmem>>, vector<1x1000x128xf32>
    %get3A_6 = vector.shape_cast %get3A_5 : vector<1x1000x128xf32> to vector<1000x128xf32>
    %get3A_7 = arith.constant 1 : index
    %get3A_8 = arith.constant 0 : index
    %get3A_9 = arith.constant 0 : index
    %get3A_10 = vector.load %arg1[%get3A_7, %get3A_8, %get3A_9] : memref<2x1000x128xf32, #tpu.memory_space<vmem>>, vector<1x1000x128xf32>
    %get3A_11 = vector.shape_cast %get3A_10 : vector<1x1000x128xf32> to vector<1000x128xf32>
    %add3A = arith.addf %get3A_6, %get3A_11 : vector<1000x128xf32>
    %get3A_12 = arith.constant 0 : index
    %get3A_13 = arith.constant 0 : index
    %get3A_14 = vector.load %arg2[%get3A_12, %get3A_13] : memref<1000x128xf32, #tpu.memory_space<vmem>>, vector<1000x128xf32>
    %add3A_15 = arith.addf %add3A, %get3A_14 : vector<1000x128xf32>
    %mul3A = vector.broadcast %get3A_1 : vector<1000x1xf32> to vector<1000x128xf32>
    %mul3A_16 = arith.mulf %mul3A, %add3A_15 : vector<1000x128xf32>
    %get3A_17 = arith.constant 0 : index
    %get3A_18 = arith.constant 0 : index
    %get3A_19 = vector.load %arg4[%get3A_17, %get3A_18] : memref<1x128xf32, #tpu.memory_space<vmem>>, vector<1x128xf32>
    %add3A_20 = vector.broadcast %get3A_19 : vector<1x128xf32> to vector<1000x128xf32>
    %add3A_21 = arith.addf %mul3A_16, %add3A_20 : vector<1000x128xf32>
    %max3A = arith.constant 0.000000e+00 : f32
    %max3A_22 = vector.broadcast %max3A : f32 to vector<1000x128xf32>
    %max3A_23 = arith.maximumf %add3A_21, %max3A_22 : vector<1000x128xf32>
    %get3A_24 = arith.constant 0 : index
    %get3A_25 = arith.constant 0 : index
    %get3A_26 = vector.load %arg5[%get3A_24, %get3A_25] : memref<128x128xf32, #tpu.memory_space<vmem>>, vector<128x128xf32>
    %dot_general3A = arith.constant dense<0.000000e+00> : vector<1000x128xf32>
    %dot_general3A_27 = tpu.matmul %max3A_23, %get3A_26, %dot_general3A {dimension_numbers = #tpu.dot_dimension_numbers<[1], [0], [0], [1], [0, 0, 1, 1], [], []>, transpose_lhs_hint = false} : vector<1000x128xf32>, vector<128x128xf32>, vector<1000x128xf32> -> vector<1000x128xf32>
    %mul3A_28 = vector.broadcast %get3A_1 : vector<1000x1xf32> to vector<1000x128xf32>
    %mul3A_29 = arith.mulf %mul3A_28, %dot_general3A_27 : vector<1000x128xf32>
    %swap3A = arith.constant 0 : index
    %swap3A_30 = arith.constant 0 : index
    %swap3A_31 = vector.load %arg6[%swap3A, %swap3A_30] : memref<1000x128xf32, #tpu.memory_space<vmem>>, vector<1000x128xf32>
    tpu.vector_store %arg6[%swap3A, %swap3A_30], %mul3A_29 {strides = array<i32>} : memref<1000x128xf32, #tpu.memory_space<vmem>>, vector<1000x128xf32>,
    return
  }
  func.func @transform_0(%arg0: i32) -> (i32, i32, i32) {
    %c0_i32 = arith.constant 0 : i32
    %c0_i32_0 = arith.constant 0 : i32
    %c0_i32_1 = arith.constant 0 : i32
    return %c0_i32, %arg0, %c0_i32_0 : i32, i32, i32
  }
  func.func @transform_1(%arg0: i32) -> (i32, i32) {
    %c0_i32 = arith.constant 0 : i32
    %c0_i32_0 = arith.constant 0 : i32
    return %arg0, %c0_i32 : i32, i32
  }
  func.func @transform_2(%arg0: i32) -> (i32, i32) {
    %c0_i32 = arith.constant 0 : i32
    %c0_i32_0 = arith.constant 0 : i32
    return %arg0, %c0_i32 : i32, i32
  }
  func.func @transform_3(%arg0: i32) -> (i32, i32) {
    %c0_i32 = arith.constant 0 : i32
    %c0_i32_0 = arith.constant 0 : i32
    %c0_i32_1 = arith.constant 0 : i32
    return %c0_i32, %c0_i32_0 : i32, i32
  }
  func.func @transform_4(%arg0: i32) -> (i32, i32) {
    %c0_i32 = arith.constant 0 : i32
    %c0_i32_0 = arith.constant 0 : i32
    %c0_i32_1 = arith.constant 0 : i32
    return %c0_i32, %c0_i32_0 : i32, i32
  }
  func.func @transform_5(%arg0: i32) -> (i32, i32) {
    %c0_i32 = arith.constant 0 : i32
    %c0_i32_0 = arith.constant 0 : i32
    return %arg0, %c0_i32 : i32, i32
  }
}

module attributes {stable_mosaic.version = 14 : i64} {
  func.func @_out_body(%arg0: i32, %arg1: memref<2x1000x128xf32, #tpu.memory_space<vmem>>, %arg2: memref<1000x128xf32, #tpu.memory_space<vmem>>, %arg3: memref<1000x1xf32, #tpu.memory_space<vmem>>, %arg4: memref<1x128xf32, #tpu.memory_space<vmem>>, %arg5: memref<1000x128xf32, #tpu.memory_space<vmem>>) attributes {dimension_semantics = [#tpu.dimension_semantics<arbitrary>], iteration_bounds = array<i64: 10>, scalar_prefetch = 0 : i64, scratch_operands = 0 : i64, tpu.core_type = #tpu.core_type<tc>, window_params = [{transform_indices = @transform_0, window_bounds = array<i64: 2, 1000, 128>}, {transform_indices = @transform_1, window_bounds = array<i64: 1000, 128>}, {transform_indices = @transform_2, window_bounds = array<i64: 1000, 1>}, {pipeline_mode = #tpu.pipeline_mode<synchronous>, transform_indices = @transform_3, window_bounds = array<i64: 1, 128>}, {transform_indices = @transform_4, window_bounds = array<i64: 1000, 128>}]} {
    %get3A = arith.constant 0 : index
    %get3A_0 = arith.constant 0 : index
    %get3A_1 = vector.load %arg3[%get3A, %get3A_0] : memref<1000x1xf32, #tpu.memory_space<vmem>>, vector<1000x1xf32>
    %get3A_2 = arith.constant 0 : index
    %get3A_3 = arith.constant 0 : index
    %get3A_4 = arith.constant 0 : index
    %get3A_5 = vector.load %arg1[%get3A_2, %get3A_3, %get3A_4] : memref<2x1000x128xf32, #tpu.memory_space<vmem>>, vector<1x1000x128xf32>
    %get3A_6 = vector.shape_cast %get3A_5 : vector<1x1000x128xf32> to vector<1000x128xf32>
    %get3A_7 = arith.constant 1 : index
    %get3A_8 = arith.constant 0 : index
    %get3A_9 = arith.constant 0 : index
    %get3A_10 = vector.load %arg1[%get3A_7, %get3A_8, %get3A_9] : memref<2x1000x128xf32, #tpu.memory_space<vmem>>, vector<1x1000x128xf32>
    %get3A_11 = vector.shape_cast %get3A_10 : vector<1x1000x128xf32> to vector<1000x128xf32>
    %add3A = arith.addf %get3A_6, %get3A_11 : vector<1000x128xf32>
    %get3A_12 = arith.constant 0 : index
    %get3A_13 = arith.constant 0 : index
    %get3A_14 = vector.load %arg2[%get3A_12, %get3A_13] : memref<1000x128xf32, #tpu.memory_space<vmem>>, vector<1000x128xf32>
    %add3A_15 = arith.addf %add3A, %get3A_14 : vector<1000x128xf32>
    %mul3A = vector.broadcast %get3A_1 : vector<1000x1xf32> to vector<1000x128xf32>
    %mul3A_16 = arith.mulf %mul3A, %add3A_15 : vector<1000x128xf32>
    %get3A_17 = arith.constant 0 : index
    %get3A_18 = arith.constant 0 : index
    %get3A_19 = vector.load %arg4[%get3A_17, %get3A_18] : memref<1x128xf32, #tpu.memory_space<vmem>>, vector<1x128xf32>
    %add3A_20 = vector.broadcast %get3A_19 : vector<1x128xf32> to vector<1000x128xf32>
    %add3A_21 = arith.addf %mul3A_16, %add3A_20 : vector<1000x128xf32>
    %swap3A = arith.constant 0 : index
    %swap3A_22 = arith.constant 0 : index
    %swap3A_23 = vector.load %arg5[%swap3A, %swap3A_22] : memref<1000x128xf32, #tpu.memory_space<vmem>>, vector<1000x128xf32>
    tpu.vector_store %arg5[%swap3A, %swap3A_22], %add3A_21 {strides = array<i32>} : memref<1000x128xf32, #tpu.memory_space<vmem>>, vector<1000x128xf32>,
    return
  }
  func.func @transform_0(%arg0: i32) -> (i32, i32, i32) {
    %c0_i32 = arith.constant 0 : i32
    %c0_i32_0 = arith.constant 0 : i32
    %c0_i32_1 = arith.constant 0 : i32
    return %c0_i32, %arg0, %c0_i32_0 : i32, i32, i32
  }
  func.func @transform_1(%arg0: i32) -> (i32, i32) {
    %c0_i32 = arith.constant 0 : i32
    %c0_i32_0 = arith.constant 0 : i32
    return %arg0, %c0_i32 : i32, i32
  }
  func.func @transform_2(%arg0: i32) -> (i32, i32) {
    %c0_i32 = arith.constant 0 : i32
    %c0_i32_0 = arith.constant 0 : i32
    return %arg0, %c0_i32 : i32, i32
  }
  func.func @transform_3(%arg0: i32) -> (i32, i32) {
    %c0_i32 = arith.constant 0 : i32
    %c0_i32_0 = arith.constant 0 : i32
    %c0_i32_1 = arith.constant 0 : i32
    return %c0_i32, %c0_i32_0 : i32, i32
  }
  func.func @transform_4(%arg0: i32) -> (i32, i32) {
    %c0_i32 = arith.constant 0 : i32
    %c0_i32_0 = arith.constant 0 : i32
    return %arg0, %c0_i32 : i32, i32
  }
}

</mosaic_0001>

<sc_bundles>
// kernel: kernel.12.cloned.1.call-start
scs
__scs_entry_jumppad:
0x0: {  	(pc) =	sbr.rel $0x88, $3  }
0x1: {  	(tag) =	ssettag $0x0;
	lr =	simm.s32 $0x1  }
0x2: {  	[smem:$0x3F9B] =	sst lr;
	_ =	strace $0xD0000000  }
0x3: {  	_ = 	snop  }
0x4: {  	_ = 	snop  }
0x5: {  	_ = 	snop  }
0x6: {  	_ = 	snop  }
0x7: {  	_ = 	snop  }
__scs_overlays_trampoline_lowered:
0x8: {  	[smem:$0x3FAA] =	sst s0  }
0x9: {  	[smem:$0x3FAB] =	sst s1  }
0xa: {  	[smem:$0x3FAC] =	sst s2  }
0xb: {  	[smem:$0x3FAD] =	sst s3  }
0xc: {  	[smem:$0x3FAE] =	sst s4  }
0xd: {  	[smem:$0x3FAF] =	sst s5  }
0xe: {  	[smem:$0x3FB0] =	sst s6  }
0xf: {  	[smem:$0x3FB1] =	sst s7  }
0x10: {  	[smem:$0x3FB2] =	sst s8  }
0x11: {  	[smem:$0x3FB3] =	sst s9;
	s0 =	simm.s32 @!p0 $0x0  }
0x12: {  	s1 =	sld [smem:$0x3F99];
	s0 =	simm.s32 @p0 $0x1  }
0x13: {  	[smem:$0x3FB4] =	sst s0;
	s0 =	simm.s32 @!p1 $0x0  }
0x14: {  	s2 =	sld [smem:$0x3F98];
	s0 =	simm.s32 @p1 $0x1  }
0x15: {  	[smem:$0x3FB5] =	sst s0;
	s0 =	simm.s32 @!p2 $0x0  }
0x16: {  	s3 =	sld [smem:$0x3FDB];
	s0 =	simm.s32 @p2 $0x1  }
0x17: {  	s4 =	simm.s32 $0x1BF5;
	[smem:$0x3FB7] =	sst s0  }
0x18: {  	s0 =	sld [smem:$0x3F9A];
	_ =	swait.ge [sflag:s4], $0x0  }
0x19: {  	s7 =	sld [smem:$0x3F9B]  }
0x1a: {  	s8 =	sadd.s32 $0xFFFFE003, lr  }
0x1b: {  	s9 =	sadd.s32 $0xFFFFFEF7, lr;
	s5 =	simm.s32 $0xFFFFFFFF;
	p2 =	slt.u32 s8, $0xFFFFF086  }
0x1c: {  	p1 =	slt.u32 s9, $0xF7A;
	s5 =	simm.s32 @!p2 $0x0  }
0x1d: {  	s5 =	simm.s32 @p1 $0x1;
	p0 =	seq.s32 s7, s2  }
0x1e: {  	s7 =	smul.u32 @!p0 $0xF7A, s2;
	p2 =	seq.s32 @!p0 s5, $0x0  }
0x1f: {  	s9 =	smul.u32 $0xF7A, s1;
	s8 =	simm.s32 @!p0 $0x1BF5;
	p2 =	por !p2, p0  }
0x20: {  	[sflag:s8] =	ssyncset.s32 @!p0 $0xFFFFF086;
	s6 =	sadd.s32 @!p0 s3, s7;
	s7 =	simm.s32 @!p0 $0x108  }
0x21: {  	s3 =	sadd.s32 s3, s9;
	s6 =	sadd.s32 @!p0 $0x88, s6;
	s7 =	simm.s32 @p2 $0x1082  }
0x22: {  	[simem:s7], [sflag:s8] =	dma.local @!p0 [hbm:s6], $0xF7A  }
0x23: {  	s9 =	sor.u32 $0xD0000000, s2;
	s6 =	simm.s32 $0x108;
	_ =	swait.ge @!p0 [sflag:s8], $0x0  }
0x24: {  	s3 =	sadd.s32 $0x88, s3;
	s6 =	simm.s32 @!p1 $0x1082;
	[sflag:s4] =	ssyncset.s32 $0xFFFFF086  }
0x25: {  	[simem:s6], [sflag:s4] =	dma.local [hbm:s3], $0xF7A  }
0x26: {  	[smem:$0x3F9B] =	sst s1;
	(tag) =	ssettag s2;
	_ =	strace s9  }
0x27: {  	s1 =	sld [smem:$0x3FAB]  }
0x28: {  	s2 =	sld [smem:$0x3FAC]  }
0x29: {  	s4 =	sld [smem:$0x3FAE]  }
0x2a: {  	p0 =	seq.s32 s5, $0x0;
	s5 =	sld [smem:$0x3FAF]  }
0x2b: {  	s6 =	sld [smem:$0x3FB0]  }
0x2c: {  	s7 =	sld [smem:$0x3FB1]  }
0x2d: {  	s3 =	simm.s32 $0x108;
	s8 =	sld [smem:$0x3FB2]  }
0x2e: {  	s3 =	simm.s32 @!p0 $0x1082;
	s9 =	sld [smem:$0x3FB3]  }
0x2f: {  	lr =	sadd.s32 s0, s3;
	s0 =	sld [smem:$0x3FAA]  }
0x30: {  	s3 =	sld [smem:$0x3FAD]  }
0x31: {  	[smem:$0x3FB6] =	sst s10  }
0x32: {  	s10 =	sld [smem:$0x3FB4];
	_ =	sdelay $0x3  }
0x33: {  	p0 =	seq.s32 s10, $0x1;
	s10 =	sld [smem:$0x3FB6];
	_ =	sdelay $0x3  }
0x34: {  	[smem:$0x3FB6] =	sst s10  }
0x35: {  	s10 =	sld [smem:$0x3FB5];
	_ =	sdelay $0x3  }
0x36: {  	p1 =	seq.s32 s10, $0x1;
	s10 =	sld [smem:$0x3FB6];
	_ =	sdelay $0x3  }
0x37: {  	[smem:$0x3FB6] =	sst s10  }
0x38: {  	s10 =	sld [smem:$0x3FB7]  }
0x39: {  	_ = 	snop;
	(pc) =	sbr.ind lr, $3  }
0x3a: {  	_ = 	snop  }
0x3b: {  	_ = 	snop  }
0x3c: {  	p2 =	seq.s32 s10, $0x1;
	s10 =	sld [smem:$0x3FB6]  }
0x3d: {  	_ =	shalt  }
0x3e: {  	_ =	shalt  }
0x3f: {  	_ =	shalt  }
0x40: {  	_ =	shalt  }
0x41: {  	_ =	shalt  }
0x42: {  	_ =	shalt  }
0x43: {  	_ =	shalt  }
0x44: {  	_ =	shalt  }
0x45: {  	_ =	shalt  }
0x46: {  	_ =	shalt  }
0x47: {  	_ =	shalt  }
0x48: {  	_ =	shalt  }
0x49: {  	_ =	shalt  }
0x4a: {  	_ =	shalt  }
0x4b: {  	_ =	shalt  }
0x4c: {  	_ =	shalt  }
0x4d: {  	_ =	shalt  }
0x4e: {  	_ =	shalt  }
0x4f: {  	_ =	shalt  }
0x50: {  	_ =	shalt  }
0x51: {  	_ =	shalt  }
0x52: {  	_ =	shalt  }
0x53: {  	_ =	shalt  }
0x54: {  	_ =	shalt  }
0x55: {  	_ =	shalt  }
0x56: {  	_ =	shalt  }
0x57: {  	_ =	shalt  }
0x58: {  	_ =	shalt  }
0x59: {  	_ =	shalt  }
0x5a: {  	_ =	shalt  }
0x5b: {  	_ =	shalt  }
0x5c: {  	_ =	shalt  }
0x5d: {  	_ =	shalt  }
0x5e: {  	_ =	shalt  }
0x5f: {  	_ =	shalt  }
0x60: {  	_ =	shalt  }
0x61: {  	_ =	shalt  }
0x62: {  	_ =	shalt  }
0x63: {  	_ =	shalt  }
0x64: {  	_ =	shalt  }
0x65: {  	_ =	shalt  }
0x66: {  	_ =	shalt  }
0x67: {  	_ =	shalt  }
0x68: {  	_ =	shalt  }
0x69: {  	_ =	shalt  }
0x6a: {  	_ =	shalt  }
0x6b: {  	_ =	shalt  }
0x6c: {  	_ =	shalt  }
0x6d: {  	_ =	shalt  }
0x6e: {  	_ =	shalt  }
0x6f: {  	_ =	shalt  }
0x70: {  	_ =	shalt  }
0x71: {  	_ =	shalt  }
0x72: {  	_ =	shalt  }
0x73: {  	_ =	shalt  }
0x74: {  	_ =	shalt  }
0x75: {  	_ =	shalt  }
0x76: {  	_ =	shalt  }
0x77: {  	_ =	shalt  }
0x78: {  	_ =	shalt  }
0x79: {  	_ =	shalt  }
0x7a: {  	_ =	shalt  }
0x7b: {  	_ =	shalt  }
0x7c: {  	_ =	shalt  }
0x7d: {  	_ =	shalt  }
0x7e: {  	_ =	shalt  }
0x7f: {  	_ =	shalt  }
0x80: {  	_ =	shalt  }
0x81: {  	_ =	shalt  }
0x82: {  	_ =	shalt  }
0x83: {  	_ =	shalt  }
0x84: {  	_ =	shalt  }
0x85: {  	_ =	shalt  }
0x86: {  	_ =	shalt  }
0x87: {  	_ =	shalt  }
.Lfunc_end0:
.L_simem_size_0:
called_computation.1_lowered:
.L_overlay_start_0:
0x88: {  	s2 =	sld [smem:$0x3FD9]  }
0x89: {  	s3 =	sld [smem:$0x3FFE];
	_ =	sdelay $0x1  }
0x8a: {  	s1 =	srdreg.scid  }
0x8b: {  	s0 =	sand.u32 $0x1, s1  }
0x8c: {  	s17 =	sshll.u32 s0, $0xA;
	s2 =	sadd.s32 s3, s2  }
0x8d: {  	s2 =	sadd.s32 s2, s17  }
0x8e: {  	[smem:$0x3FC2] =	sst s2  }
0x8f: {  	_ = 	snop  }
0x90: {  	s2 =	sld [smem:$0x3FD0];
	(tm) =	ssettm $0x1  }
0x91: {  	s18 =	sld [smem:$0x3FFB];
	_ =	sdelay $0x3  }
0x92: {  	_ =	strace s18  }
0x93: {  	s3 =	sld [smem:$0x3FFC];
	_ =	sdelay $0x3  }
0x94: {  	_ =	strace s3  }
0x95: {  	s3 =	sld [smem:$0x3FFD];
	_ =	sdelay $0x3  }
0x96: {  	_ =	strace s3  }
0x97: {  	_ =	strace $0x8FFFFFFF  }
0x98: {  	s19 =	sld [smem:$0x3FDB];
	_ =	sdelay $0x1  }
0x99: {  	s4 =	simm.s32 $_scs_section_size  }
0x9a: {  	s5 =	simm.s32 $_size__tile_overlayer_lowered;
	s6 =	simm.s32 $_tile_overlayer_lowered  }
0x9b: {  	s22 =	simm.s32 $0x1BFF;
	s21 =	sshll.u32 s6, $0x1;
	s3 =	sadd.s32 s4, s19  }
0x9c: {  	s7 =	simm.s32 $0x0;
	s20 =	sshll.u32 s5, $0x1;
	s5 =	sadd.s32 s21, s3  }
0x9d: {  	[timem:s7], [sflag:s22] =	dma.local [hbm:s5], s20  }
0x9e: {  	_ =	swait.ge [sflag:s22], s20  }
0x9f: {  	s4 =	ssub.s32 $0x0, s20;
	[sflag:s22] =	ssyncset.done $0x0  }
0xa0: {  	[sflag:s22] =	ssyncadd.s32 s4;
	_ =	sdelay $0x1  }
0xa1: {  	s23 =	simm.s32 $0x1B8B  }
0xa2: {  	_ =	swait.ge [sflag:s23], $0x1  }
0xa3: {  	[sflag:s23] =	ssyncset.done $0x0  }
0xa4: {  	s25 =	simm.s32 $0x1B8E;
	s24 =	sld [smem:$0x3FFE];
	[sflag:s23] =	ssyncadd.s32 $0xFFFFFFFF  }
0xa5: {  	s26 =	simm.s32 $execute0_lowered;
	[smem:$0x3FD2] =	sst s25  }
0xa6: {  	s5 =	sshll.u32 s26, $0x1;
	_ =	strace $0x80000049;
	[dreg:$0x1] =	wrdreg $0xFFFFFFFF  }
0xa7: {  	s28 =	simm.s32 $_size_execute0_lowered;
	s3 =	sadd.s32 s3, s5;
	[dreg:$0x0] =	wrdreg $0x0  }
0xa8: {  	s5 =	sshll.u32 s28, $0x1;
	[dreg:$0x2] =	wrdreg s3  }
0xa9: {  	[dreg:$0x3] =	wrdreg s5  }
0xaa: {  	[dreg:$0x4] =	wrdreg $0xC0  }
0xab: {  	_ =	task [dreg:s7], $0x5FFFF  }
0xac: {  	[dreg:$0x1] =	wrdreg $0xFFFFFFFF  }
0xad: {  	[dreg:$0x0] =	wrdreg $0x60  }
0xae: {  	[dreg:$0x2] =	wrdreg s2  }
0xaf: {  	[dreg:$0x3] =	wrdreg s24  }
0xb0: {  	[dreg:$0x4] =	wrdreg $0x9E000  }
0xb1: {  	[dreg:$0x5] =	wrdreg $0x9  }
0xb2: {  	_ =	task.clear_ibuf [dreg:s7], $0x6FFFF;
	_ =	strace $0x90000049  }
0xb3: {  	s29 =	simm.s32 $0x9;
	_ =	strace $0x8000004B  }
0xb4: {  	_ =	swait.ge [sflag:s29], $0x1  }
0xb5: {  	[sflag:s29] =	ssyncadd.s32 $0xFFFFFFFF  }
0xb6: {  	_ =	strace $0x9000004B  }
0xb7: {  	_ =	sfence  }
0xb8: {  	s30 =	sld [smem:$0x0];
	_ =	sdelay $0x2  }
0xb9: {  	s31 =	sshll.u32 s1, $0xD;
	s1 =	sshrl.u32 s1, $0x2  }
0xba: {  	s3 =	sand.u32 $0x4000, s31;
	s1 =	sadd.s32 s1, s30  }
0xbb: {  	s0 =	sor.u32 s3, s0;
	s1 =	sshll.u32 s1, $0x11  }
0xbc: {  	s0 =	sor.u32 s1, s0  }
0xbd: {  	s0 =	sadd.s32 $0x8F2B, s0  }
0xbe: {  	[sflag:s0] =	ssyncadd.remote.s32 $0x1  }
0xbf: {  	_ =	sfence.sel $0xFFFF  }
0xc0: {  	[dreg:$0x0] =	wrdreg $0xFFFFFFFF;
	(pc) =	sbr.abs _section_cstart, $3  }
0xc1: {  	[dreg:$0x1] =	wrdreg $0xFFFFFFFF  }
0xc2: {  	_ =	task.clear_ibuf [dreg:s7], $0x2FFFF;
	_ =	strace $0x9FFFFFFF  }
0xc3: {  	(tm) =	ssettm $0x7FFFFFFF  }
tec
execute0_lowered:
.L_overlay_start_1:
0x0: {  	(tag) =	ssettag $0x1  }
0x1: {  	s1 =	rddreg [dreg:$0x0]  }
0x2: {  	s0 =	srdreg.scid;
	s6 =	rddreg [dreg:$0x1]  }
0x3: {  	s5 =	stileid.u32;
	s3 =	rddreg [dreg:$0x2]  }
0x4: {  	s4 =	simm.s32 $0x0;
	s28 =	simm.s32 $0x1;
	s29 =	simm.s32 $0x7A00  }
0x5: {  	s30 =	simm.s32 $0x7;
	s0 =	sand.u32 $0x1, s0;
	[smem:$0x7FF] =	sst s4  }
0x6: {  	s9 =	smul.u32 $0x2800, s5;
	s2 =	sshll.u32 s0, $0x4;
	s11 =	ssub.s32 $0x2, s0  }
0x7: {  	s14 =	smul.u32 $0x50000, s5;
	s2 =	sor.u32 s5, s2;
	s25 =	sshrl.u32 s11, $0x1  }
0x8: {  	s13 =	sadd.s32 $0xBC00, s6;
	s2 =	smul.u32 $0x2710, s2;
	s26 =	ssub.s32 s11, s25  }
0x9: {  	s7 =	smul.u32 $0x28000, s0;
	_ =	strace $0x8000004A;
	s20 =	smax.u32 s26, $0x1  }
0xa: {  	s8 =	sshrl.u32 s2, $0x3;
	s4 =	sadd.s32 $0x28, s2;
	s2 =	sadd.s32 $0x78, s2  }
0xb: {  	[dreg:$0xb] =	wrdreg s20;
	s11 =	sadd.s32 s13, s8;
	s12 =	sshrl.u32 s4, $0x3  }
0xc: {  	s10 =	sadd.s32 s8, s6;
	s8 =	sadd.s32 s13, s12;
	[dreg:$0x4] =	wrdreg s11  }
0xd: {  	s2 =	sshrl.u32 s2, $0x3;
	s15 =	sadd.s32 $0xA, s11;
	[dreg:$0x5] =	wrdreg s8  }
0xe: {  	s7 =	sadd.s32 s9, s7;
	s2 =	sadd.s32 s13, s2;
	[dreg:$0x6] =	wrdreg s15  }
0xf: {  	s6 =	sadd.s32 s7, s6;
	s16 =	sadd.s32 $0x1E00, s10;
	[dreg:$0x7] =	wrdreg s2  }
0x10: {  	s17 =	sshrl.u32 s14, $0x2;
	s19 =	sadd.s32 $0x15A00, s6;
	[dreg:$0x8] =	wrdreg s16  }
0x11: {  	s18 =	smul.u32 $0x2710, s5;
	s10 =	sadd.s32 s17, s3;
	[dreg:$0xa] =	wrdreg s19  }
0x12: {  	s0 =	smul.u32 $0x27100, s0;
	s21 =	sadd.s32 $0x1000, s10;
	[dreg:$0x9] =	wrdreg s10  }
0x13: {  	s31 =	simm.s32 $0x4;
	s22 =	sadd.s32 $0x2000, s10;
	[dreg:$0xc] =	wrdreg s21  }
0x14: {  	s0 =	sadd.s32 s18, s0;
	s23 =	sadd.s32 $0x3000, s10;
	[dreg:$0xd] =	wrdreg s22  }
0x15: {  	s24 =	sadd.s32 $0x140, s0;
	s25 =	sadd.s32 $0x4000, s10;
	[dreg:$0xe] =	wrdreg s23  }
0x16: {  	s7 =	sadd.s32 $0xF0, s0;
	s26 =	sadd.s32 $0x5000, s10;
	[dreg:$0xf] =	wrdreg s25  }
0x17: {  	s6 =	sadd.s32 $0x118, s0;
	s5 =	sadd.s32 $0x6000, s10;
	[dreg:$0x10] =	wrdreg s26  }
0x18: {  	s8 =	sadd.s32 $0xA0, s0;
	s0 =	sadd.s32 $0xC8, s0;
	[dreg:$0x11] =	wrdreg s5  }
0x19: {  	s4 =	smov.u32 s13;
	s14 =	sadd.s32 $0x7000, s10;
	[dreg:$0x15] =	wrdreg s0  }
0x1a: {  	s12 =	sadd.s32 $0x14, s11;
	s15 =	sadd.s32 $0x8000, s10;
	[dreg:$0x17] =	wrdreg s14  }
0x1b: {  	s9 =	sshrl.u32 s7, $0x3;
	s16 =	sadd.s32 $0x9000, s10;
	[dreg:$0x18] =	wrdreg s15  }
0x1c: {  	s7 =	simm.s32 $0xA;
	s17 =	sadd.s32 $0xA000, s10;
	[dreg:$0x19] =	wrdreg s16  }
0x1d: {  	s2 =	sshrl.u32 s24, $0x3;
	s18 =	sadd.s32 $0xB000, s10;
	[dreg:$0x1a] =	wrdreg s17  }
0x1e: {  	s19 =	sadd.s32 $0xC000, s10;
	s20 =	sadd.s32 $0xD000, s10;
	[dreg:$0x1b] =	wrdreg s18  }
0x1f: {  	s24 =	sadd.s32 $0x11000, s10;
	s2 =	sadd.s32 s2, s13;
	[dreg:$0x1c] =	wrdreg s19  }
0x20: {  	s11 =	sshrl.u32 s8, $0x3;
	[dreg:$0x1d] =	wrdreg s20;
	s21 =	sadd.s32 $0xE000, s10  }
0x21: {  	s22 =	sadd.s32 $0xF000, s10;
	s23 =	sadd.s32 $0x10000, s10;
	[smem:$0x7FB] =	sst s24  }
0x22: {  	s25 =	sadd.s32 $0x12000, s10;
	s26 =	sadd.s32 $0x13000, s10;
	[dreg:$0x12] =	wrdreg s2  }
0x23: {  	s18 =	simm.s32 $0x2900;
	s19 =	simm.s32 $0x10;
	[dreg:$0x1e] =	wrdreg s21  }
0x24: {  	s20 =	simm.s32 $0x28;
	s24 =	simm.s32 $0x6;
	[dreg:$0x1f] =	wrdreg s22  }
0x25: {  	s0 =	simm.s32 $0x5;
	s14 =	simm.s32 $0xE;
	[smem:$0x7FA] =	sst s23  }
.Ltmp0:
0x26: {  	s2 =	sshrl.u32 s6, $0x3;
	[smem:$0x7FC] =	sst s25;
	(pc) =	sbr.rel .LBB2_1-.Ltmp0, $4  }
0x27: {  	[smem:$0x7FD] =	sst s26;
	s23 =	simm.s32 $0x6600;
	s2 =	sadd.s32 s2, s13  }
0x28: {  	s25 =	simm.s32 $0x2;
	[dreg:$0x13] =	wrdreg s2;
	s2 =	sadd.s32 s9, s13  }
0x29: {  	s6 =	simm.s32 $0x0;
	s13 =	sadd.s32 s11, s13;
	[dreg:$0x14] =	wrdreg s2  }
0x2a: {  	v0 =	vimm.f32 $0.0e+00;
	[dreg:$0x16] =	wrdreg s13;
	s2 =	simm.s32 $0x9;
	s13 =	simm.s32 $0xD  }
.LBB2_6:
0x2b: {  	_ =	swait.ge [sflag:s0], $0x1400  }
0x2c: {  	[sflag:s0] =	ssyncset.done $0x0  }
0x2d: {  	[sflag:s0] =	ssyncadd.s32 $0xFFFFEC00  }
0x2e: {  	_ =	swait.ge [sflag:s7], $0x28  }
0x2f: {  	[sflag:s7] =	ssyncset.done $0x0  }
0x30: {  	s5 =	simm.s32 $0x2980;
	s15 =	simm.s32 $0xB;
	[sflag:s7] =	ssyncadd.s32 $0xFFFFFFD8  }
0x31: {  	[spmem:s3] =	stream.indirect.scatter.add.f32 [tilespmem:s29], [sflag:$0xF], $0x80, s5, s20, $0xb8;
	[tilespmem:$0x1DE00] =	vst v63  }
0x32: {  	_ =	swait.ge [sflag:s15], $0x1400  }
0x33: {  	[sflag:s15] =	ssyncset.done $0x0  }
0x34: {  	s16 =	simm.s32 $0xC;
	[sflag:s15] =	ssyncadd.s32 $0xFFFFEC00  }
0x35: {  	_ =	swait.ge [sflag:s16], $0x1400  }
0x36: {  	[sflag:s16] =	ssyncset.done $0x0  }
0x37: {  	[sflag:s16] =	ssyncadd.s32 $0xFFFFEC00  }
0x38: {  	_ =	swait.ge [sflag:s13], $0x1400  }
0x39: {  	[sflag:s13] =	ssyncset.done $0x0  }
0x3a: {  	[sflag:s13] =	ssyncadd.s32 $0xFFFFEC00  }
0x3b: {  	_ =	swait.ge [sflag:s14], $0x1400  }
0x3c: {  	[sflag:s14] =	ssyncset.done $0x0  }
0x3d: {  	s17 =	simm.s32 $0xF;
	[sflag:s14] =	ssyncadd.s32 $0xFFFFEC00  }
0x3e: {  	_ =	swait.ge [sflag:s17], $0x1400  }
0x3f: {  	[sflag:s17] =	ssyncset.done $0x0  }
0x40: {  	[sflag:s17] =	ssyncadd.s32 $0xFFFFEC00  }
0x41: {  	s21 =	stileid.u32;
	[bflag:$0x0] =	sbarrier.arrive $0xFFFF  }
0x42: {  	s5 =	sshll.u32 s21, $0x6;
	s10 =	rddreg [dreg:$0x9]  }
0x43: {  	s5 =	sor.u32 $0x1C10, s5;
	s8 =	rddreg [dreg:$0xa];
	s6 =	sshrl.u32 s10, $0x3  }
0x44: {  	[hbm:s8], [sflag:s5] =	dma.local [spmem:s6], $0x2800  }
0x45: {  	_ =	swait.ge [sflag:s19], $0x2800  }
0x46: {  	s22 =	sld [smem:$0x7F9];
	_ =	sdelay $0x2  }
0x47: {  	s26 =	rddreg [dreg:$0xb];
	s6 =	sadd.s32 $0x1, s22  }
0x48: {  	p0 =	sne.s32 s6, s26  }
.Ltmp1:
0x49: {  	_ = 	snop;
	(pc) =	sbr.rel @!p0 .LBB2_7-.Ltmp1, $3  }
0x4a: {  	_ =	sdelay $0x1  }
0x4b: {  	[sflag:s19] =	ssyncset.done $0x0  }
0x4c: {  	[sflag:s19] =	ssyncadd.s32 $0xFFFFD800  }
.LBB2_1:
0x4d: {  	[smem:$0x7F9] =	sst s6  }
0x4e: {  	s5 =	simm.s32 $0x0;
	s11 =	rddreg [dreg:$0x4];
	s8 =	simm.s32 $0x2780  }
0x4f: {  	[tilespmem:s8], [sflag:$0x6] =	stream.linear.gather [hbm4b:s11+s5], $0x28, $0x38;
	[tilespmem:$0x1DE00] =	vst v63  }
0x50: {  	s15 =	rddreg [dreg:$0x5];
	s16 =	simm.s32 $0x2800  }
0x51: {  	[tilespmem:s16], [sflag:$0x7] =	stream.linear.gather [hbm4b:s15+s5], $0x28, $0x38;
	[tilespmem:$0x1DE00] =	vst v63  }
0x52: {  	s17 =	rddreg [dreg:$0x6];
	s21 =	simm.s32 $0x2880  }
0x53: {  	[tilespmem:s21], [sflag:$0x8] =	stream.linear.gather [hbm4b:s17+s5], $0x28, $0x38;
	[tilespmem:$0x1DE00] =	vst v63  }
0x54: {  	s22 =	rddreg [dreg:$0x7]  }
0x55: {  	[tilespmem:s18], [sflag:$0x9] =	stream.linear.gather [hbm4b:s22+s5], $0x28, $0x38;
	[tilespmem:$0x1DE00] =	vst v63  }
0x56: {  	s26 =	rddreg [dreg:$0x8]  }
0x57: {  	[tilespmem:s5], [sflag:$0x10] =	stream.linear.gather [hbm4b:s26+s5], $0x2710, $0x38;
	[tilespmem:$0x1DE00] =	vst v63  }
0x58: {  	_ =	swait.ge [sflag:s19], $0x2710  }
0x59: {  	[sflag:s19] =	ssyncset.done $0x0  }
0x5a: {  	s6 =	simm.s32 $0x0;
	s9 =	simm.s32 $0x200;
	[sflag:s19] =	ssyncadd.s32 $0xFFFFD8F0  }
.LBB2_2:
0x5b: {  	p0 =	sne.s32 s9, $0x3E00;
	[tilespmem:s6+$0x8E70] =	vst v0  }
0x5c: {  	[tilespmem:s6+$0x8E00] =	vst v0  }
0x5d: {  	[tilespmem:s6+$0x8E10] =	vst v0  }
.Ltmp2:
0x5e: {  	[tilespmem:s6+$0x8E20] =	vst v0;
	(pc) =	sbr.rel @p0 .LBB2_2-.Ltmp2, $4  }
0x5f: {  	[tilespmem:s6+$0x8E30] =	vst v0  }
0x60: {  	[tilespmem:s6+$0x8E40] =	vst v0  }
0x61: {  	[tilespmem:s6+$0x8E50] =	vst v0  }
0x62: {  	[tilespmem:s6+$0x8E60] =	vst v0;
	s6 =	sshra.s32 s9, $0x2;
	s9 =	sadd.s32 $0x200, s9  }
0x63: {  	[tilespmem:s6+$0x8E70] =	vst v0  }
0x64: {  	[tilespmem:s6+$0x8E00] =	vst v0  }
0x65: {  	[tilespmem:s6+$0x8E10] =	vst v0  }
0x66: {  	[tilespmem:s6+$0x8E20] =	vst v0  }
0x67: {  	[tilespmem:s6+$0x8E30] =	vst v0  }
0x68: {  	[tilespmem:s6+$0x8E40] =	vst v0  }
0x69: {  	[tilespmem:s6+$0x8E50] =	vst v0  }
0x6a: {  	[tilespmem:s6+$0x8E60] =	vst v0;
	s6 =	simm.s32 $0x8E00  }
0x6b: {  	[spmem:s10] =	stream.linear.scatter [tilespmem:s6], [sflag:$0x10], $0x1000, $0x38;
	[tilespmem:$0x1DE00] =	vst v63  }
0x6c: {  	_ =	swait.ge [sflag:s19], $0x1000  }
0x6d: {  	[sflag:s19] =	ssyncset.done $0x0  }
0x6e: {  	s5 =	rddreg [dreg:$0xc];
	[sflag:s19] =	ssyncadd.s32 $0xFFFFF000  }
0x6f: {  	[spmem:s5] =	stream.linear.scatter [tilespmem:s6], [sflag:$0x10], $0x1000, $0x38;
	[tilespmem:$0x1DE00] =	vst v63  }
0x70: {  	_ =	swait.ge [sflag:s19], $0x1000  }
0x71: {  	[sflag:s19] =	ssyncset.done $0x0  }
0x72: {  	s21 =	rddreg [dreg:$0xd];
	[sflag:s19] =	ssyncadd.s32 $0xFFFFF000  }
0x73: {  	[spmem:s21] =	stream.linear.scatter [tilespmem:s6], [sflag:$0x10], $0x1000, $0x38;
	[tilespmem:$0x1DE00] =	vst v63  }
0x74: {  	_ =	swait.ge [sflag:s19], $0x1000  }
0x75: {  	[sflag:s19] =	ssyncset.done $0x0  }
0x76: {  	s22 =	rddreg [dreg:$0xe];
	[sflag:s19] =	ssyncadd.s32 $0xFFFFF000  }
0x77: {  	[spmem:s22] =	stream.linear.scatter [tilespmem:s6], [sflag:$0x10], $0x1000, $0x38;
	[tilespmem:$0x1DE00] =	vst v63  }
0x78: {  	_ =	swait.ge [sflag:s19], $0x1000  }
0x79: {  	[sflag:s19] =	ssyncset.done $0x0  }
0x7a: {  	s26 =	rddreg [dreg:$0xf];
	[sflag:s19] =	ssyncadd.s32 $0xFFFFF000  }
0x7b: {  	[spmem:s26] =	stream.linear.scatter [tilespmem:s6], [sflag:$0x10], $0x1000, $0x38;
	[tilespmem:$0x1DE00] =	vst v63  }
0x7c: {  	_ =	swait.ge [sflag:s19], $0x1000  }
0x7d: {  	[sflag:s19] =	ssyncset.done $0x0  }
0x7e: {  	s8 =	rddreg [dreg:$0x10];
	[sflag:s19] =	ssyncadd.s32 $0xFFFFF000  }
0x7f: {  	[spmem:s8] =	stream.linear.scatter [tilespmem:s6], [sflag:$0x10], $0x1000, $0x38;
	[tilespmem:$0x1DE00] =	vst v63  }
0x80: {  	_ =	swait.ge [sflag:s19], $0x1000  }
0x81: {  	[sflag:s19] =	ssyncset.done $0x0  }
0x82: {  	s9 =	rddreg [dreg:$0x11];
	[sflag:s19] =	ssyncadd.s32 $0xFFFFF000  }
0x83: {  	[spmem:s9] =	stream.linear.scatter [tilespmem:s6], [sflag:$0x10], $0x1000, $0x38;
	[tilespmem:$0x1DE00] =	vst v63  }
0x84: {  	_ =	swait.ge [sflag:s19], $0x1000  }
0x85: {  	[sflag:s19] =	ssyncset.done $0x0  }
0x86: {  	s10 =	rddreg [dreg:$0x17];
	[sflag:s19] =	ssyncadd.s32 $0xFFFFF000  }
0x87: {  	[spmem:s10] =	stream.linear.scatter [tilespmem:s6], [sflag:$0x10], $0x1000, $0x38;
	[tilespmem:$0x1DE00] =	vst v63  }
0x88: {  	_ =	swait.ge [sflag:s19], $0x1000  }
0x89: {  	[sflag:s19] =	ssyncset.done $0x0  }
0x8a: {  	s11 =	rddreg [dreg:$0x18];
	[sflag:s19] =	ssyncadd.s32 $0xFFFFF000  }
0x8b: {  	[spmem:s11] =	stream.linear.scatter [tilespmem:s6], [sflag:$0x10], $0x1000, $0x38;
	[tilespmem:$0x1DE00] =	vst v63  }
0x8c: {  	_ =	swait.ge [sflag:s19], $0x1000  }
0x8d: {  	[sflag:s19] =	ssyncset.done $0x0  }
0x8e: {  	s15 =	rddreg [dreg:$0x19];
	[sflag:s19] =	ssyncadd.s32 $0xFFFFF000  }
0x8f: {  	[spmem:s15] =	stream.linear.scatter [tilespmem:s6], [sflag:$0x10], $0x1000, $0x38;
	[tilespmem:$0x1DE00] =	vst v63  }
0x90: {  	_ =	swait.ge [sflag:s19], $0x1000  }
0x91: {  	[sflag:s19] =	ssyncset.done $0x0  }
0x92: {  	s16 =	rddreg [dreg:$0x1a];
	[sflag:s19] =	ssyncadd.s32 $0xFFFFF000  }
0x93: {  	[spmem:s16] =	stream.linear.scatter [tilespmem:s6], [sflag:$0x10], $0x1000, $0x38;
	[tilespmem:$0x1DE00] =	vst v63  }
0x94: {  	_ =	swait.ge [sflag:s19], $0x1000  }
0x95: {  	[sflag:s19] =	ssyncset.done $0x0  }
0x96: {  	s17 =	rddreg [dreg:$0x1b];
	[sflag:s19] =	ssyncadd.s32 $0xFFFFF000  }
0x97: {  	[spmem:s17] =	stream.linear.scatter [tilespmem:s6], [sflag:$0x10], $0x1000, $0x38;
	[tilespmem:$0x1DE00] =	vst v63  }
0x98: {  	_ =	swait.ge [sflag:s19], $0x1000  }
0x99: {  	[sflag:s19] =	ssyncset.done $0x0  }
0x9a: {  	s21 =	rddreg [dreg:$0x1c];
	[sflag:s19] =	ssyncadd.s32 $0xFFFFF000  }
0x9b: {  	[spmem:s21] =	stream.linear.scatter [tilespmem:s6], [sflag:$0x10], $0x1000, $0x38;
	[tilespmem:$0x1DE00] =	vst v63  }
0x9c: {  	_ =	swait.ge [sflag:s19], $0x1000  }
0x9d: {  	[sflag:s19] =	ssyncset.done $0x0  }
0x9e: {  	s22 =	rddreg [dreg:$0x1d];
	[sflag:s19] =	ssyncadd.s32 $0xFFFFF000  }
0x9f: {  	[spmem:s22] =	stream.linear.scatter [tilespmem:s6], [sflag:$0x10], $0x1000, $0x38;
	[tilespmem:$0x1DE00] =	vst v63  }
0xa0: {  	_ =	swait.ge [sflag:s19], $0x1000  }
0xa1: {  	[sflag:s19] =	ssyncset.done $0x0  }
0xa2: {  	s26 =	rddreg [dreg:$0x1e];
	[sflag:s19] =	ssyncadd.s32 $0xFFFFF000  }
0xa3: {  	[spmem:s26] =	stream.linear.scatter [tilespmem:s6], [sflag:$0x10], $0x1000, $0x38;
	[tilespmem:$0x1DE00] =	vst v63  }
0xa4: {  	_ =	swait.ge [sflag:s19], $0x1000  }
0xa5: {  	[sflag:s19] =	ssyncset.done $0x0  }
0xa6: {  	s8 =	rddreg [dreg:$0x1f];
	[sflag:s19] =	ssyncadd.s32 $0xFFFFF000  }
0xa7: {  	[spmem:s8] =	stream.linear.scatter [tilespmem:s6], [sflag:$0x10], $0x1000, $0x38;
	[tilespmem:$0x1DE00] =	vst v63  }
0xa8: {  	_ =	swait.ge [sflag:s19], $0x1000  }
0xa9: {  	s9 =	sld [smem:$0x7FA]  }
0xaa: {  	[sflag:s19] =	ssyncset.done $0x0  }
0xab: {  	[sflag:s19] =	ssyncadd.s32 $0xFFFFF000  }
0xac: {  	[spmem:s9] =	stream.linear.scatter [tilespmem:s6], [sflag:$0x10], $0x1000, $0x38;
	[tilespmem:$0x1DE00] =	vst v63  }
0xad: {  	_ =	swait.ge [sflag:s19], $0x1000  }
0xae: {  	s10 =	sld [smem:$0x7FB]  }
0xaf: {  	[sflag:s19] =	ssyncset.done $0x0  }
0xb0: {  	[sflag:s19] =	ssyncadd.s32 $0xFFFFF000  }
0xb1: {  	[spmem:s10] =	stream.linear.scatter [tilespmem:s6], [sflag:$0x10], $0x1000, $0x38;
	[tilespmem:$0x1DE00] =	vst v63  }
0xb2: {  	_ =	swait.ge [sflag:s19], $0x1000  }
0xb3: {  	s11 =	sld [smem:$0x7FC]  }
0xb4: {  	[sflag:s19] =	ssyncset.done $0x0  }
0xb5: {  	[sflag:s19] =	ssyncadd.s32 $0xFFFFF000  }
0xb6: {  	[spmem:s11] =	stream.linear.scatter [tilespmem:s6], [sflag:$0x10], $0x1000, $0x38;
	[tilespmem:$0x1DE00] =	vst v63  }
0xb7: {  	_ =	swait.ge [sflag:s19], $0x1000  }
0xb8: {  	s15 =	sld [smem:$0x7FD]  }
0xb9: {  	[sflag:s19] =	ssyncset.done $0x0  }
0xba: {  	[sflag:s19] =	ssyncadd.s32 $0xFFFFF000  }
0xbb: {  	[spmem:s15] =	stream.linear.scatter [tilespmem:s6], [sflag:$0x10], $0x1000, $0x38;
	[tilespmem:$0x1DE00] =	vst v63  }
0xbc: {  	_ =	swait.ge [sflag:s19], $0x1000  }
0xbd: {  	[sflag:s19] =	ssyncset.done $0x0  }
0xbe: {  	[sflag:s19] =	ssyncadd.s32 $0xFFFFF000  }
0xbf: {  	s16 =	simm.s32 $0x2A00;
	s9 =	simm.s32 $0x0;
	[bflag:$0x0] =	sbarrier.arrive $0xFFFF  }
0xc0: {  	[tilespmem:s16], [sflag:$0x1] =	stream.indirect.gather [hbm4b:s1+s20], $0x80, s9, s20, $0xb8;
	[tilespmem:$0x1DE00] =	vst v63  }
0xc1: {  	s11 =	rddreg [dreg:$0x16]  }
0xc2: {  	s17 =	simm.s32 $0x3E00;
	s10 =	rddreg [dreg:$0x15]  }
0xc3: {  	[tilespmem:s17], [sflag:$0x2] =	stream.indirect.gather [hbm4b:s1+s20], $0x80, s20, s20, $0xb8;
	[tilespmem:$0x1DE00] =	vst v63  }
0xc4: {  	s21 =	simm.s32 $0x50;
	s22 =	simm.s32 $0x5200;
	s6 =	rddreg [dreg:$0x14]  }
0xc5: {  	[tilespmem:s22], [sflag:$0x3] =	stream.indirect.gather [hbm4b:s1+s20], $0x80, s21, s20, $0xb8;
	[tilespmem:$0x1DE00] =	vst v63  }
0xc6: {  	s26 =	simm.s32 $0x78;
	s17 =	rddreg [dreg:$0x13]  }
0xc7: {  	[tilespmem:s23], [sflag:$0x4] =	stream.indirect.gather [hbm4b:s1+s20], $0x80, s26, s20, $0xb8;
	[tilespmem:$0x1DE00] =	vst v63  }
0xc8: {  	s15 =	simm.s32 $0x0;
	s26 =	rddreg [dreg:$0x12]  }
.LBB2_4:
0xc9: {  	_ =	swait.ge [sflag:s28], $0x1400  }
0xca: {  	[sflag:s28] =	ssyncset.done $0x0  }
0xcb: {  	[sflag:s28] =	ssyncadd.s32 $0xFFFFEC00  }
0xcc: {  	_ =	swait.ge [sflag:s24], $0x28  }
0xcd: {  	s5 =	simm.s32 $0x2780;
	p0 =	sne.s32 s9, $0x0;
	[sflag:s24] =	ssyncset.done $0x0  }
0xce: {  	s8 =	simm.s32 $0x2A00;
	s16 =	simm.s32 @p0 $0xF;
	[sflag:s24] =	ssyncadd.s32 $0xFFFFFFD8  }
0xcf: {  	[spmem:s3] =	stream.indirect.scatter.add.f32 [tilespmem:s8], [sflag:$0xB], $0x80, s5, s20, $0xb8;
	[tilespmem:$0x1DE00] =	vst v63  }
0xd0: {  	_ =	swait.ge @p0 [sflag:s16], $0x1400  }
0xd1: {  	s21 =	smul.u32 $0x5, s15;
	[sflag:s16] =	ssyncset.done @p0 $0x0  }
0xd2: {  	s22 =	simm.s32 @p0 $0x2980;
	[sflag:s16] =	ssyncadd.s32 @p0 $0xFFFFEC00;
	s16 =	simm.s32 @p0 $0x0  }
0xd3: {  	[tilespmem:s22], [sflag:$0xA] =	stream.linear.gather @p0 [hbm4b:s11+s16], $0x28, $0x38;
	[tilespmem:$0x1DE00] =	vst v63  }
0xd4: {  	s8 =	simm.s32 @!p0 $0x2980;
	s16 =	sadd.s32 $0x4, s21  }
0xd5: {  	s21 =	sshra.s32 @p0 s9, $0x2;
	s22 =	simm.s32 @!p0 $0x0;
	s16 =	smul.u32 @!p0 $0xA0, s16  }
0xd6: {  	[tilespmem:s8], [sflag:$0xA] =	stream.linear.gather @!p0 [hbm4b:s12+s22], $0x28, $0x38;
	[tilespmem:$0x1DE00] =	vst v63  }
0xd7: {  	s8 =	sadd.s32 @p0 $0xA0, s21;
	s16 =	sshra.s32 @!p0 s16, $0x2  }
0xd8: {  	s16 =	smov.u32 @p0 s8  }
0xd9: {  	[tilespmem:s29], [sflag:$0x5] =	stream.indirect.gather [hbm4b:s1+s20], $0x80, s16, s20, $0xb8;
	[tilespmem:$0x1DE00] =	vst v63  }
0xda: {  	_ =	swait.ge [sflag:s25], $0x1400  }
0xdb: {  	[sflag:s25] =	ssyncset.done $0x0  }
0xdc: {  	[sflag:s25] =	ssyncadd.s32 $0xFFFFEC00  }
0xdd: {  	_ =	swait.ge [sflag:s30], $0x28  }
0xde: {  	s21 =	simm.s32 $0x2800;
	p0 =	seq.s32 s9, $0x9920;
	[sflag:s30] =	ssyncset.done $0x0  }
0xdf: {  	s22 =	simm.s32 $0x3E00;
	s8 =	simm.s32 @p0 $0x3;
	[sflag:s30] =	ssyncadd.s32 $0xFFFFFFD8  }
0xe0: {  	[spmem:s3] =	stream.indirect.scatter.add.f32 [tilespmem:s22], [sflag:$0xC], $0x80, s21, s20, $0xb8;
	[tilespmem:$0x1DE00] =	vst v63  }
0xe1: {  	_ =	swait.ge @p0 [sflag:s8], $0x1400  }
0xe2: {  	[sflag:s8] =	ssyncset.done @p0 $0x0  }
0xe3: {  	[sflag:s8] =	ssyncadd.s32 @p0 $0xFFFFEC00;
	s8 =	simm.s32 @p0 $0x8  }
0xe4: {  	_ =	swait.ge @p0 [sflag:s8], $0x28  }
0xe5: {  	s16 =	simm.s32 @p0 $0x2880;
	[sflag:s8] =	ssyncset.done @p0 $0x0  }
0xe6: {  	s21 =	simm.s32 @p0 $0x5200;
	[sflag:s8] =	ssyncadd.s32 @p0 $0xFFFFFFD8;
	s8 =	simm.s32 @p0 $0x28  }
0xe7: {  	[spmem:s3] =	stream.indirect.scatter.add.f32 @p0 [tilespmem:s21], [sflag:$0xD], $0x80, s16, s8, $0xb8;
	[tilespmem:$0x1DE00] =	vst v63  }
0xe8: {  	s8 =	simm.s32 @!p0 $0xB  }
0xe9: {  	_ =	swait.ge @!p0 [sflag:s8], $0x1400  }
0xea: {  	[sflag:s8] =	ssyncset.done @!p0 $0x0  }
0xeb: {  	[sflag:s8] =	ssyncadd.s32 @!p0 $0xFFFFEC00;
	s8 =	sshrl.u32 @!p0 s10, $0x3  }
0xec: {  	s16 =	simm.s32 @!p0 $0x0;
	s21 =	simm.s32 @!p0 $0x2780;
	s8 =	sadd.s32 @!p0 s4, s8  }
0xed: {  	[tilespmem:s21], [sflag:$0x6] =	stream.linear.gather @!p0 [hbm4b:s8+s16], $0x28, $0x38;
	[tilespmem:$0x1DE00] =	vst v63  }
0xee: {  	s8 =	sshra.s32 @!p0 s9, $0x2  }
0xef: {  	s5 =	simm.s32 @!p0 $0x2A00;
	s22 =	simm.s32 @!p0 $0x28;
	s21 =	sadd.s32 @!p0 $0xC8, s8  }
0xf0: {  	[tilespmem:s5], [sflag:$0x1] =	stream.indirect.gather @!p0 [hbm4b:s1+s22], $0x80, s21, s22, $0xb8;
	[tilespmem:$0x1DE00] =	vst v63  }
0xf1: {  	s5 =	simm.s32 @!p0 $0x3  }
0xf2: {  	_ =	swait.ge @!p0 [sflag:s5], $0x1400  }
0xf3: {  	[sflag:s5] =	ssyncset.done @!p0 $0x0  }
0xf4: {  	[sflag:s5] =	ssyncadd.s32 @!p0 $0xFFFFEC00;
	s5 =	simm.s32 @!p0 $0x8  }
0xf5: {  	_ =	swait.ge @!p0 [sflag:s5], $0x28  }
0xf6: {  	[sflag:s5] =	ssyncset.done @!p0 $0x0  }
0xf7: {  	s21 =	simm.s32 @!p0 $0x5200;
	[sflag:s5] =	ssyncadd.s32 @!p0 $0xFFFFFFD8;
	s5 =	simm.s32 @!p0 $0x2880  }
0xf8: {  	[spmem:s3] =	stream.indirect.scatter.add.f32 @!p0 [tilespmem:s21], [sflag:$0xD], $0x80, s5, s22, $0xb8;
	[tilespmem:$0x1DE00] =	vst v63  }
0xf9: {  	s5 =	simm.s32 @!p0 $0xC  }
0xfa: {  	_ =	swait.ge @!p0 [sflag:s5], $0x1400  }
0xfb: {  	[sflag:s5] =	ssyncset.done @!p0 $0x0  }
0xfc: {  	[sflag:s5] =	ssyncadd.s32 @!p0 $0xFFFFEC00;
	s5 =	simm.s32 @!p0 $0x2800  }
0xfd: {  	[tilespmem:s5], [sflag:$0x7] =	stream.linear.gather @!p0 [hbm4b:s6+s16], $0x28, $0x38;
	[tilespmem:$0x1DE00] =	vst v63  }
0xfe: {  	s5 =	sadd.s32 @!p0 $0xF0, s8;
	s8 =	simm.s32 @!p0 $0x3E00  }
0xff: {  	[tilespmem:s8], [sflag:$0x2] =	stream.indirect.gather @!p0 [hbm4b:s1+s22], $0x80, s5, s22, $0xb8;
	[tilespmem:$0x1DE00] =	vst v63  }
0x100: {  	_ =	swait.ge [sflag:s31], $0x1400  }
0x101: {  	[sflag:s31] =	ssyncset.done $0x0  }
.Ltmp3:
0x102: {  	[sflag:s31] =	ssyncadd.s32 $0xFFFFEC00;
	(pc) =	sbr.rel @p0 .LBB2_6-.Ltmp3, $4  }
0x103: {  	_ =	swait.ge [sflag:s2], $0x28  }
0x104: {  	[sflag:s2] =	ssyncset.done $0x0  }
0x105: {  	[sflag:s2] =	ssyncadd.s32 $0xFFFFFFD8  }
0x106: {  	[spmem:s3] =	stream.indirect.scatter.add.f32 [tilespmem:s23], [sflag:$0xE], $0x80, s18, s20, $0xb8;
	[tilespmem:$0x1DE00] =	vst v63  }
0x107: {  	_ =	swait.ge [sflag:s13], $0x1400  }
0x108: {  	[sflag:s13] =	ssyncset.done $0x0  }
0x109: {  	s16 =	simm.s32 $0x0;
	s5 =	simm.s32 $0x2880;
	[sflag:s13] =	ssyncadd.s32 $0xFFFFEC00  }
0x10a: {  	[tilespmem:s5], [sflag:$0x8] =	stream.linear.gather [hbm4b:s17+s16], $0x28, $0x38;
	[tilespmem:$0x1DE00] =	vst v63  }
0x10b: {  	s5 =	sshra.s32 s9, $0x2  }
0x10c: {  	s21 =	simm.s32 $0x5200;
	s8 =	sadd.s32 $0x118, s5  }
0x10d: {  	[tilespmem:s21], [sflag:$0x3] =	stream.indirect.gather [hbm4b:s1+s20], $0x80, s8, s20, $0xb8;
	[tilespmem:$0x1DE00] =	vst v63  }
0x10e: {  	_ =	swait.ge [sflag:s0], $0x1400  }
0x10f: {  	[sflag:s0] =	ssyncset.done $0x0  }
0x110: {  	[sflag:s0] =	ssyncadd.s32 $0xFFFFEC00  }
0x111: {  	_ =	swait.ge [sflag:s7], $0x28  }
0x112: {  	[sflag:s7] =	ssyncset.done $0x0  }
0x113: {  	s22 =	simm.s32 $0x2980;
	[sflag:s7] =	ssyncadd.s32 $0xFFFFFFD8  }
0x114: {  	[spmem:s3] =	stream.indirect.scatter.add.f32 [tilespmem:s29], [sflag:$0xF], $0x80, s22, s20, $0xb8;
	[tilespmem:$0x1DE00] =	vst v63  }
0x115: {  	s15 =	sadd.s32 $0x1, s15;
	s6 =	sadd.s32 $0x19, s6;
	_ =	swait.ge [sflag:s14], $0x1400  }
.Ltmp4:
0x116: {  	s10 =	sadd.s32 $0xC8, s10;
	[sflag:s14] =	ssyncset.done $0x0;
	(pc) =	sbr.rel .LBB2_4-.Ltmp4, $4  }
0x117: {  	s11 =	sadd.s32 $0x19, s11;
	s9 =	sadd.s32 $0x320, s9;
	[sflag:s14] =	ssyncadd.s32 $0xFFFFEC00  }
0x118: {  	[tilespmem:s18], [sflag:$0x9] =	stream.linear.gather [hbm4b:s26+s16], $0x28, $0x38;
	[tilespmem:$0x1DE00] =	vst v63  }
0x119: {  	s17 =	sadd.s32 $0x19, s17;
	s5 =	sadd.s32 $0x140, s5;
	s26 =	sadd.s32 $0x19, s26  }
0x11a: {  	[tilespmem:s23], [sflag:$0x4] =	stream.indirect.gather [hbm4b:s1+s20], $0x80, s5, s20, $0xb8;
	[tilespmem:$0x1DE00] =	vst v63  }
.LBB2_7:
0x11b: {  	_ =	sfence.sel $0x180000  }
0x11c: {  	[bflag:$0x0] =	sbarrier.arrive $0xFFFF  }
0x11d: {  	_ =	strace $0x9000004A  }
0x11e: {  	s0 =	stileid.u32;
	[bflag:$0x2] =	sbarrier.arrive $0xFFFF  }
0x11f: {  	p0 =	sne.s32 s0, $0x0;
	s0 =	rddreg [dreg:$0x3]  }
0x120: {  	s0 =	sadd.s32 @!p0 $0x100000, s0  }
0x121: {  	[sflag:s0] =	ssyncadd.tile.s32 @!p0 $0x1;
	_ =	shalt  }
.Lfunc_end2:
_tile_overlayer_lowered:
.L_overlay_start_2:
0x122: {  	(tag) =	ssettag $0x2  }
0x123: {  	s0 =	rddreg [dreg:$0x0];
	s2 =	stileid.u32  }
0x124: {  	s1 =	rddreg [dreg:$0x1];
	p0 =	sne.s32 s2, $0x0  }
0x125: {  	s3 =	rddreg [dreg:$0x2];
	[bflag:$0x3] =	sbarrier.arrive $0xFFFF;
	s2 =	simm.s32 @!p0 $0x1C10  }
0x126: {  	[timem:s3], [sflag:s2] =	dma.local @!p0 [hbm:s0], s1  }
0x127: {  	s0 =	simm.s32 @!p0 $0x10  }
0x128: {  	_ =	swait.ge @!p0 [sflag:s0], s1  }
0x129: {  	s1 =	ssub.s32 @!p0 $0x0, s1;
	[sflag:s0] =	ssyncset.done @!p0 $0x0  }
0x12a: {  	[sflag:s0] =	ssyncadd.s32 @!p0 s1  }
0x12b: {  	[bflag:$0x3] =	sbarrier.arrive $0xFFFF  }
0x12c: {  	_ =	shalt  }

// kernel: kernel.15.cloned.1.call-start
scs
__scs_entry_jumppad:
0x0: {  	(pc) =	sbr.rel $0x88, $3  }
0x1: {  	(tag) =	ssettag $0x0;
	lr =	simm.s32 $0x1  }
0x2: {  	[smem:$0x3F9B] =	sst lr;
	_ =	strace $0xD0000000  }
0x3: {  	_ = 	snop  }
0x4: {  	_ = 	snop  }
0x5: {  	_ = 	snop  }
0x6: {  	_ = 	snop  }
0x7: {  	_ = 	snop  }
__scs_overlays_trampoline_lowered:
0x8: {  	[smem:$0x3FAA] =	sst s0  }
0x9: {  	[smem:$0x3FAB] =	sst s1  }
0xa: {  	[smem:$0x3FAC] =	sst s2  }
0xb: {  	[smem:$0x3FAD] =	sst s3  }
0xc: {  	[smem:$0x3FAE] =	sst s4  }
0xd: {  	[smem:$0x3FAF] =	sst s5  }
0xe: {  	[smem:$0x3FB0] =	sst s6  }
0xf: {  	[smem:$0x3FB1] =	sst s7  }
0x10: {  	[smem:$0x3FB2] =	sst s8  }
0x11: {  	[smem:$0x3FB3] =	sst s9;
	s0 =	simm.s32 @!p0 $0x0  }
0x12: {  	s1 =	sld [smem:$0x3F99];
	s0 =	simm.s32 @p0 $0x1  }
0x13: {  	[smem:$0x3FB4] =	sst s0;
	s0 =	simm.s32 @!p1 $0x0  }
0x14: {  	s2 =	sld [smem:$0x3F98];
	s0 =	simm.s32 @p1 $0x1  }
0x15: {  	[smem:$0x3FB5] =	sst s0;
	s0 =	simm.s32 @!p2 $0x0  }
0x16: {  	s3 =	sld [smem:$0x3FDB];
	s0 =	simm.s32 @p2 $0x1  }
0x17: {  	s4 =	simm.s32 $0x1BF5;
	[smem:$0x3FB7] =	sst s0  }
0x18: {  	s0 =	sld [smem:$0x3F9A];
	_ =	swait.ge [sflag:s4], $0x0  }
0x19: {  	s7 =	sld [smem:$0x3F9B]  }
0x1a: {  	s8 =	sadd.s32 $0xFFFFE003, lr  }
0x1b: {  	s9 =	sadd.s32 $0xFFFFFEF7, lr;
	s5 =	simm.s32 $0xFFFFFFFF;
	p2 =	slt.u32 s8, $0xFFFFF086  }
0x1c: {  	p1 =	slt.u32 s9, $0xF7A;
	s5 =	simm.s32 @!p2 $0x0  }
0x1d: {  	s5 =	simm.s32 @p1 $0x1;
	p0 =	seq.s32 s7, s2  }
0x1e: {  	s7 =	smul.u32 @!p0 $0xF7A, s2;
	p2 =	seq.s32 @!p0 s5, $0x0  }
0x1f: {  	s9 =	smul.u32 $0xF7A, s1;
	s8 =	simm.s32 @!p0 $0x1BF5;
	p2 =	por !p2, p0  }
0x20: {  	[sflag:s8] =	ssyncset.s32 @!p0 $0xFFFFF086;
	s6 =	sadd.s32 @!p0 s3, s7;
	s7 =	simm.s32 @!p0 $0x108  }
0x21: {  	s3 =	sadd.s32 s3, s9;
	s6 =	sadd.s32 @!p0 $0x88, s6;
	s7 =	simm.s32 @p2 $0x1082  }
0x22: {  	[simem:s7], [sflag:s8] =	dma.local @!p0 [hbm:s6], $0xF7A  }
0x23: {  	s9 =	sor.u32 $0xD0000000, s2;
	s6 =	simm.s32 $0x108;
	_ =	swait.ge @!p0 [sflag:s8], $0x0  }
0x24: {  	s3 =	sadd.s32 $0x88, s3;
	s6 =	simm.s32 @!p1 $0x1082;
	[sflag:s4] =	ssyncset.s32 $0xFFFFF086  }
0x25: {  	[simem:s6], [sflag:s4] =	dma.local [hbm:s3], $0xF7A  }
0x26: {  	[smem:$0x3F9B] =	sst s1;
	(tag) =	ssettag s2;
	_ =	strace s9  }
0x27: {  	s1 =	sld [smem:$0x3FAB]  }
0x28: {  	s2 =	sld [smem:$0x3FAC]  }
0x29: {  	s4 =	sld [smem:$0x3FAE]  }
0x2a: {  	p0 =	seq.s32 s5, $0x0;
	s5 =	sld [smem:$0x3FAF]  }
0x2b: {  	s6 =	sld [smem:$0x3FB0]  }
0x2c: {  	s7 =	sld [smem:$0x3FB1]  }
0x2d: {  	s3 =	simm.s32 $0x108;
	s8 =	sld [smem:$0x3FB2]  }
0x2e: {  	s3 =	simm.s32 @!p0 $0x1082;
	s9 =	sld [smem:$0x3FB3]  }
0x2f: {  	lr =	sadd.s32 s0, s3;
	s0 =	sld [smem:$0x3FAA]  }
0x30: {  	s3 =	sld [smem:$0x3FAD]  }
0x31: {  	[smem:$0x3FB6] =	sst s10  }
0x32: {  	s10 =	sld [smem:$0x3FB4];
	_ =	sdelay $0x3  }
0x33: {  	p0 =	seq.s32 s10, $0x1;
	s10 =	sld [smem:$0x3FB6];
	_ =	sdelay $0x3  }
0x34: {  	[smem:$0x3FB6] =	sst s10  }
0x35: {  	s10 =	sld [smem:$0x3FB5];
	_ =	sdelay $0x3  }
0x36: {  	p1 =	seq.s32 s10, $0x1;
	s10 =	sld [smem:$0x3FB6];
	_ =	sdelay $0x3  }
0x37: {  	[smem:$0x3FB6] =	sst s10  }
0x38: {  	s10 =	sld [smem:$0x3FB7]  }
0x39: {  	_ = 	snop;
	(pc) =	sbr.ind lr, $3  }
0x3a: {  	_ = 	snop  }
0x3b: {  	_ = 	snop  }
0x3c: {  	p2 =	seq.s32 s10, $0x1;
	s10 =	sld [smem:$0x3FB6]  }
0x3d: {  	_ =	shalt  }
0x3e: {  	_ =	shalt  }
0x3f: {  	_ =	shalt  }
0x40: {  	_ =	shalt  }
0x41: {  	_ =	shalt  }
0x42: {  	_ =	shalt  }
0x43: {  	_ =	shalt  }
0x44: {  	_ =	shalt  }
0x45: {  	_ =	shalt  }
0x46: {  	_ =	shalt  }
0x47: {  	_ =	shalt  }
0x48: {  	_ =	shalt  }
0x49: {  	_ =	shalt  }
0x4a: {  	_ =	shalt  }
0x4b: {  	_ =	shalt  }
0x4c: {  	_ =	shalt  }
0x4d: {  	_ =	shalt  }
0x4e: {  	_ =	shalt  }
0x4f: {  	_ =	shalt  }
0x50: {  	_ =	shalt  }
0x51: {  	_ =	shalt  }
0x52: {  	_ =	shalt  }
0x53: {  	_ =	shalt  }
0x54: {  	_ =	shalt  }
0x55: {  	_ =	shalt  }
0x56: {  	_ =	shalt  }
0x57: {  	_ =	shalt  }
0x58: {  	_ =	shalt  }
0x59: {  	_ =	shalt  }
0x5a: {  	_ =	shalt  }
0x5b: {  	_ =	shalt  }
0x5c: {  	_ =	shalt  }
0x5d: {  	_ =	shalt  }
0x5e: {  	_ =	shalt  }
0x5f: {  	_ =	shalt  }
0x60: {  	_ =	shalt  }
0x61: {  	_ =	shalt  }
0x62: {  	_ =	shalt  }
0x63: {  	_ =	shalt  }
0x64: {  	_ =	shalt  }
0x65: {  	_ =	shalt  }
0x66: {  	_ =	shalt  }
0x67: {  	_ =	shalt  }
0x68: {  	_ =	shalt  }
0x69: {  	_ =	shalt  }
0x6a: {  	_ =	shalt  }
0x6b: {  	_ =	shalt  }
0x6c: {  	_ =	shalt  }
0x6d: {  	_ =	shalt  }
0x6e: {  	_ =	shalt  }
0x6f: {  	_ =	shalt  }
0x70: {  	_ =	shalt  }
0x71: {  	_ =	shalt  }
0x72: {  	_ =	shalt  }
0x73: {  	_ =	shalt  }
0x74: {  	_ =	shalt  }
0x75: {  	_ =	shalt  }
0x76: {  	_ =	shalt  }
0x77: {  	_ =	shalt  }
0x78: {  	_ =	shalt  }
0x79: {  	_ =	shalt  }
0x7a: {  	_ =	shalt  }
0x7b: {  	_ =	shalt  }
0x7c: {  	_ =	shalt  }
0x7d: {  	_ =	shalt  }
0x7e: {  	_ =	shalt  }
0x7f: {  	_ =	shalt  }
0x80: {  	_ =	shalt  }
0x81: {  	_ =	shalt  }
0x82: {  	_ =	shalt  }
0x83: {  	_ =	shalt  }
0x84: {  	_ =	shalt  }
0x85: {  	_ =	shalt  }
0x86: {  	_ =	shalt  }
0x87: {  	_ =	shalt  }
.Lfunc_end0:
.L_simem_size_0:
called_computation.2_lowered:
.L_overlay_start_0:
0x88: {  	s2 =	sld [smem:$0x3FD9]  }
0x89: {  	s3 =	sld [smem:$0x3FFE];
	_ =	sdelay $0x1  }
0x8a: {  	s1 =	srdreg.scid  }
0x8b: {  	s0 =	sand.u32 $0x1, s1  }
0x8c: {  	s17 =	sshll.u32 s0, $0xA;
	s2 =	sadd.s32 s3, s2  }
0x8d: {  	s2 =	sadd.s32 s2, s17  }
0x8e: {  	[smem:$0x3FC2] =	sst s2  }
0x8f: {  	_ = 	snop  }
0x90: {  	s2 =	sld [smem:$0x3FD0];
	(tm) =	ssettm $0x1  }
0x91: {  	s18 =	sld [smem:$0x3FFB];
	_ =	sdelay $0x3  }
0x92: {  	_ =	strace s18  }
0x93: {  	s3 =	sld [smem:$0x3FFC];
	_ =	sdelay $0x3  }
0x94: {  	_ =	strace s3  }
0x95: {  	s3 =	sld [smem:$0x3FFD];
	_ =	sdelay $0x3  }
0x96: {  	_ =	strace s3  }
0x97: {  	_ =	strace $0x8FFFFFFF  }
0x98: {  	s19 =	sld [smem:$0x3FDB];
	_ =	sdelay $0x1  }
0x99: {  	s4 =	simm.s32 $_scs_section_size  }
0x9a: {  	s5 =	simm.s32 $_size__tile_overlayer_lowered;
	s6 =	simm.s32 $_tile_overlayer_lowered  }
0x9b: {  	s22 =	simm.s32 $0x1BFF;
	s21 =	sshll.u32 s6, $0x1;
	s3 =	sadd.s32 s4, s19  }
0x9c: {  	s7 =	simm.s32 $0x0;
	s20 =	sshll.u32 s5, $0x1;
	s5 =	sadd.s32 s21, s3  }
0x9d: {  	[timem:s7], [sflag:s22] =	dma.local [hbm:s5], s20  }
0x9e: {  	_ =	swait.ge [sflag:s22], s20  }
0x9f: {  	s4 =	ssub.s32 $0x0, s20;
	[sflag:s22] =	ssyncset.done $0x0  }
0xa0: {  	[sflag:s22] =	ssyncadd.s32 s4;
	_ =	sdelay $0x1  }
0xa1: {  	s23 =	simm.s32 $0x1B8B  }
0xa2: {  	_ =	swait.ge [sflag:s23], $0x1  }
0xa3: {  	[sflag:s23] =	ssyncset.done $0x0  }
0xa4: {  	s25 =	simm.s32 $0x1B8E;
	s24 =	sld [smem:$0x3FFE];
	[sflag:s23] =	ssyncadd.s32 $0xFFFFFFFF  }
0xa5: {  	s26 =	simm.s32 $execute0_lowered;
	[smem:$0x3FD2] =	sst s25  }
0xa6: {  	s5 =	sshll.u32 s26, $0x1;
	_ =	strace $0x8000004C;
	[dreg:$0x1] =	wrdreg $0xFFFFFFFF  }
0xa7: {  	s28 =	simm.s32 $_size_execute0_lowered;
	s3 =	sadd.s32 s3, s5;
	[dreg:$0x0] =	wrdreg $0x0  }
0xa8: {  	s5 =	sshll.u32 s28, $0x1;
	[dreg:$0x2] =	wrdreg s3  }
0xa9: {  	[dreg:$0x3] =	wrdreg s5  }
0xaa: {  	[dreg:$0x4] =	wrdreg $0xC0  }
0xab: {  	_ =	task [dreg:s7], $0x5FFFF  }
0xac: {  	[dreg:$0x1] =	wrdreg $0xFFFFFFFF  }
0xad: {  	[dreg:$0x0] =	wrdreg $0x60  }
0xae: {  	[dreg:$0x2] =	wrdreg s2  }
0xaf: {  	[dreg:$0x3] =	wrdreg s24  }
0xb0: {  	[dreg:$0x4] =	wrdreg $0x9E000  }
0xb1: {  	[dreg:$0x5] =	wrdreg $0x9  }
0xb2: {  	_ =	task.clear_ibuf [dreg:s7], $0x6FFFF;
	_ =	strace $0x9000004C  }
0xb3: {  	s29 =	simm.s32 $0x9;
	_ =	strace $0x8000004E  }
0xb4: {  	_ =	swait.ge [sflag:s29], $0x1  }
0xb5: {  	[sflag:s29] =	ssyncadd.s32 $0xFFFFFFFF  }
0xb6: {  	_ =	strace $0x9000004E  }
0xb7: {  	_ =	sfence  }
0xb8: {  	s30 =	sld [smem:$0x0];
	_ =	sdelay $0x2  }
0xb9: {  	s31 =	sshll.u32 s1, $0xD;
	s1 =	sshrl.u32 s1, $0x2  }
0xba: {  	s3 =	sand.u32 $0x4000, s31;
	s1 =	sadd.s32 s1, s30  }
0xbb: {  	s0 =	sor.u32 s3, s0;
	s1 =	sshll.u32 s1, $0x11  }
0xbc: {  	s0 =	sor.u32 s1, s0  }
0xbd: {  	s0 =	sadd.s32 $0x8F2B, s0  }
0xbe: {  	[sflag:s0] =	ssyncadd.remote.s32 $0x1  }
0xbf: {  	_ =	sfence.sel $0xFFFF  }
0xc0: {  	[dreg:$0x0] =	wrdreg $0xFFFFFFFF;
	(pc) =	sbr.abs _section_cstart, $3  }
0xc1: {  	[dreg:$0x1] =	wrdreg $0xFFFFFFFF  }
0xc2: {  	_ =	task.clear_ibuf [dreg:s7], $0x2FFFF;
	_ =	strace $0x9FFFFFFF  }
0xc3: {  	(tm) =	ssettm $0x7FFFFFFF  }
tec
execute0_lowered:
.L_overlay_start_1:
0x0: {  	(tag) =	ssettag $0x1  }
0x1: {  	s1 =	rddreg [dreg:$0x0]  }
0x2: {  	s0 =	srdreg.scid;
	s6 =	rddreg [dreg:$0x1]  }
0x3: {  	s5 =	stileid.u32;
	s3 =	rddreg [dreg:$0x2]  }
0x4: {  	s4 =	simm.s32 $0x0;
	s28 =	simm.s32 $0x1;
	s29 =	simm.s32 $0x7A00  }
0x5: {  	s30 =	simm.s32 $0x7;
	s0 =	sand.u32 $0x1, s0;
	[smem:$0x7FF] =	sst s4  }
0x6: {  	s9 =	smul.u32 $0x2800, s5;
	s2 =	sshll.u32 s0, $0x4;
	s11 =	ssub.s32 $0x2, s0  }
0x7: {  	s14 =	smul.u32 $0x50000, s5;
	s2 =	sor.u32 s5, s2;
	s25 =	sshrl.u32 s11, $0x1  }
0x8: {  	s13 =	sadd.s32 $0xBC00, s6;
	s2 =	smul.u32 $0x2710, s2;
	s26 =	ssub.s32 s11, s25  }
0x9: {  	s7 =	smul.u32 $0x28000, s0;
	_ =	strace $0x8000004D;
	s20 =	smax.u32 s26, $0x1  }
0xa: {  	s8 =	sshrl.u32 s2, $0x3;
	s4 =	sadd.s32 $0x28, s2;
	s2 =	sadd.s32 $0x78, s2  }
0xb: {  	[dreg:$0xb] =	wrdreg s20;
	s11 =	sadd.s32 s13, s8;
	s12 =	sshrl.u32 s4, $0x3  }
0xc: {  	s10 =	sadd.s32 s8, s6;
	s8 =	sadd.s32 s13, s12;
	[dreg:$0x4] =	wrdreg s11  }
0xd: {  	s2 =	sshrl.u32 s2, $0x3;
	s15 =	sadd.s32 $0xA, s11;
	[dreg:$0x5] =	wrdreg s8  }
0xe: {  	s7 =	sadd.s32 s9, s7;
	s2 =	sadd.s32 s13, s2;
	[dreg:$0x6] =	wrdreg s15  }
0xf: {  	s6 =	sadd.s32 s7, s6;
	s16 =	sadd.s32 $0x1E00, s10;
	[dreg:$0x7] =	wrdreg s2  }
0x10: {  	s17 =	sshrl.u32 s14, $0x2;
	s19 =	sadd.s32 $0x15A00, s6;
	[dreg:$0x8] =	wrdreg s16  }
0x11: {  	s18 =	smul.u32 $0x2710, s5;
	s10 =	sadd.s32 s17, s3;
	[dreg:$0xa] =	wrdreg s19  }
0x12: {  	s0 =	smul.u32 $0x27100, s0;
	s21 =	sadd.s32 $0x1000, s10;
	[dreg:$0x9] =	wrdreg s10  }
0x13: {  	s31 =	simm.s32 $0x4;
	s22 =	sadd.s32 $0x2000, s10;
	[dreg:$0xc] =	wrdreg s21  }
0x14: {  	s0 =	sadd.s32 s18, s0;
	s23 =	sadd.s32 $0x3000, s10;
	[dreg:$0xd] =	wrdreg s22  }
0x15: {  	s24 =	sadd.s32 $0x140, s0;
	s25 =	sadd.s32 $0x4000, s10;
	[dreg:$0xe] =	wrdreg s23  }
0x16: {  	s7 =	sadd.s32 $0xF0, s0;
	s26 =	sadd.s32 $0x5000, s10;
	[dreg:$0xf] =	wrdreg s25  }
0x17: {  	s6 =	sadd.s32 $0x118, s0;
	s5 =	sadd.s32 $0x6000, s10;
	[dreg:$0x10] =	wrdreg s26  }
0x18: {  	s8 =	sadd.s32 $0xA0, s0;
	s0 =	sadd.s32 $0xC8, s0;
	[dreg:$0x11] =	wrdreg s5  }
0x19: {  	s4 =	smov.u32 s13;
	s14 =	sadd.s32 $0x7000, s10;
	[dreg:$0x15] =	wrdreg s0  }
0x1a: {  	s12 =	sadd.s32 $0x14, s11;
	s15 =	sadd.s32 $0x8000, s10;
	[dreg:$0x17] =	wrdreg s14  }
0x1b: {  	s9 =	sshrl.u32 s7, $0x3;
	s16 =	sadd.s32 $0x9000, s10;
	[dreg:$0x18] =	wrdreg s15  }
0x1c: {  	s7 =	simm.s32 $0xA;
	s17 =	sadd.s32 $0xA000, s10;
	[dreg:$0x19] =	wrdreg s16  }
0x1d: {  	s2 =	sshrl.u32 s24, $0x3;
	s18 =	sadd.s32 $0xB000, s10;
	[dreg:$0x1a] =	wrdreg s17  }
0x1e: {  	s19 =	sadd.s32 $0xC000, s10;
	s20 =	sadd.s32 $0xD000, s10;
	[dreg:$0x1b] =	wrdreg s18  }
0x1f: {  	s24 =	sadd.s32 $0x11000, s10;
	s2 =	sadd.s32 s2, s13;
	[dreg:$0x1c] =	wrdreg s19  }
0x20: {  	s11 =	sshrl.u32 s8, $0x3;
	[dreg:$0x1d] =	wrdreg s20;
	s21 =	sadd.s32 $0xE000, s10  }
0x21: {  	s22 =	sadd.s32 $0xF000, s10;
	s23 =	sadd.s32 $0x10000, s10;
	[smem:$0x7FB] =	sst s24  }
0x22: {  	s25 =	sadd.s32 $0x12000, s10;
	s26 =	sadd.s32 $0x13000, s10;
	[dreg:$0x12] =	wrdreg s2  }
0x23: {  	s18 =	simm.s32 $0x2900;
	s19 =	simm.s32 $0x10;
	[dreg:$0x1e] =	wrdreg s21  }
0x24: {  	s20 =	simm.s32 $0x28;
	s24 =	simm.s32 $0x6;
	[dreg:$0x1f] =	wrdreg s22  }
0x25: {  	s0 =	simm.s32 $0x5;
	s14 =	simm.s32 $0xE;
	[smem:$0x7FA] =	sst s23  }
.Ltmp0:
0x26: {  	s2 =	sshrl.u32 s6, $0x3;
	[smem:$0x7FC] =	sst s25;
	(pc) =	sbr.rel .LBB2_1-.Ltmp0, $4  }
0x27: {  	[smem:$0x7FD] =	sst s26;
	s23 =	simm.s32 $0x6600;
	s2 =	sadd.s32 s2, s13  }
0x28: {  	s25 =	simm.s32 $0x2;
	[dreg:$0x13] =	wrdreg s2;
	s2 =	sadd.s32 s9, s13  }
0x29: {  	s6 =	simm.s32 $0x0;
	s13 =	sadd.s32 s11, s13;
	[dreg:$0x14] =	wrdreg s2  }
0x2a: {  	v0 =	vimm.f32 $0.0e+00;
	[dreg:$0x16] =	wrdreg s13;
	s2 =	simm.s32 $0x9;
	s13 =	simm.s32 $0xD  }
.LBB2_6:
0x2b: {  	_ =	swait.ge [sflag:s0], $0x1400  }
0x2c: {  	[sflag:s0] =	ssyncset.done $0x0  }
0x2d: {  	[sflag:s0] =	ssyncadd.s32 $0xFFFFEC00  }
0x2e: {  	_ =	swait.ge [sflag:s7], $0x28  }
0x2f: {  	[sflag:s7] =	ssyncset.done $0x0  }
0x30: {  	s5 =	simm.s32 $0x2980;
	s15 =	simm.s32 $0xB;
	[sflag:s7] =	ssyncadd.s32 $0xFFFFFFD8  }
0x31: {  	[spmem:s3] =	stream.indirect.scatter.add.f32 [tilespmem:s29], [sflag:$0xF], $0x80, s5, s20, $0xb8;
	[tilespmem:$0x1DE00] =	vst v63  }
0x32: {  	_ =	swait.ge [sflag:s15], $0x1400  }
0x33: {  	[sflag:s15] =	ssyncset.done $0x0  }
0x34: {  	s16 =	simm.s32 $0xC;
	[sflag:s15] =	ssyncadd.s32 $0xFFFFEC00  }
0x35: {  	_ =	swait.ge [sflag:s16], $0x1400  }
0x36: {  	[sflag:s16] =	ssyncset.done $0x0  }
0x37: {  	[sflag:s16] =	ssyncadd.s32 $0xFFFFEC00  }
0x38: {  	_ =	swait.ge [sflag:s13], $0x1400  }
0x39: {  	[sflag:s13] =	ssyncset.done $0x0  }
0x3a: {  	[sflag:s13] =	ssyncadd.s32 $0xFFFFEC00  }
0x3b: {  	_ =	swait.ge [sflag:s14], $0x1400  }
0x3c: {  	[sflag:s14] =	ssyncset.done $0x0  }
0x3d: {  	s17 =	simm.s32 $0xF;
	[sflag:s14] =	ssyncadd.s32 $0xFFFFEC00  }
0x3e: {  	_ =	swait.ge [sflag:s17], $0x1400  }
0x3f: {  	[sflag:s17] =	ssyncset.done $0x0  }
0x40: {  	[sflag:s17] =	ssyncadd.s32 $0xFFFFEC00  }
0x41: {  	s21 =	stileid.u32;
	[bflag:$0x0] =	sbarrier.arrive $0xFFFF  }
0x42: {  	s5 =	sshll.u32 s21, $0x6;
	s10 =	rddreg [dreg:$0x9]  }
0x43: {  	s5 =	sor.u32 $0x1C10, s5;
	s8 =	rddreg [dreg:$0xa];
	s6 =	sshrl.u32 s10, $0x3  }
0x44: {  	[hbm:s8], [sflag:s5] =	dma.local [spmem:s6], $0x2800  }
0x45: {  	_ =	swait.ge [sflag:s19], $0x2800  }
0x46: {  	s22 =	sld [smem:$0x7F9];
	_ =	sdelay $0x2  }
0x47: {  	s26 =	rddreg [dreg:$0xb];
	s6 =	sadd.s32 $0x1, s22  }
0x48: {  	p0 =	sne.s32 s6, s26  }
.Ltmp1:
0x49: {  	_ = 	snop;
	(pc) =	sbr.rel @!p0 .LBB2_7-.Ltmp1, $3  }
0x4a: {  	_ =	sdelay $0x1  }
0x4b: {  	[sflag:s19] =	ssyncset.done $0x0  }
0x4c: {  	[sflag:s19] =	ssyncadd.s32 $0xFFFFD800  }
.LBB2_1:
0x4d: {  	[smem:$0x7F9] =	sst s6  }
0x4e: {  	s5 =	simm.s32 $0x0;
	s11 =	rddreg [dreg:$0x4];
	s8 =	simm.s32 $0x2780  }
0x4f: {  	[tilespmem:s8], [sflag:$0x6] =	stream.linear.gather [hbm4b:s11+s5], $0x28, $0x38;
	[tilespmem:$0x1DE00] =	vst v63  }
0x50: {  	s15 =	rddreg [dreg:$0x5];
	s16 =	simm.s32 $0x2800  }
0x51: {  	[tilespmem:s16], [sflag:$0x7] =	stream.linear.gather [hbm4b:s15+s5], $0x28, $0x38;
	[tilespmem:$0x1DE00] =	vst v63  }
0x52: {  	s17 =	rddreg [dreg:$0x6];
	s21 =	simm.s32 $0x2880  }
0x53: {  	[tilespmem:s21], [sflag:$0x8] =	stream.linear.gather [hbm4b:s17+s5], $0x28, $0x38;
	[tilespmem:$0x1DE00] =	vst v63  }
0x54: {  	s22 =	rddreg [dreg:$0x7]  }
0x55: {  	[tilespmem:s18], [sflag:$0x9] =	stream.linear.gather [hbm4b:s22+s5], $0x28, $0x38;
	[tilespmem:$0x1DE00] =	vst v63  }
0x56: {  	s26 =	rddreg [dreg:$0x8]  }
0x57: {  	[tilespmem:s5], [sflag:$0x10] =	stream.linear.gather [hbm4b:s26+s5], $0x2710, $0x38;
	[tilespmem:$0x1DE00] =	vst v63  }
0x58: {  	_ =	swait.ge [sflag:s19], $0x2710  }
0x59: {  	[sflag:s19] =	ssyncset.done $0x0  }
0x5a: {  	s6 =	simm.s32 $0x0;
	s9 =	simm.s32 $0x200;
	[sflag:s19] =	ssyncadd.s32 $0xFFFFD8F0  }
.LBB2_2:
0x5b: {  	p0 =	sne.s32 s9, $0x3E00;
	[tilespmem:s6+$0x8E70] =	vst v0  }
0x5c: {  	[tilespmem:s6+$0x8E00] =	vst v0  }
0x5d: {  	[tilespmem:s6+$0x8E10] =	vst v0  }
.Ltmp2:
0x5e: {  	[tilespmem:s6+$0x8E20] =	vst v0;
	(pc) =	sbr.rel @p0 .LBB2_2-.Ltmp2, $4  }
0x5f: {  	[tilespmem:s6+$0x8E30] =	vst v0  }
0x60: {  	[tilespmem:s6+$0x8E40] =	vst v0  }
0x61: {  	[tilespmem:s6+$0x8E50] =	vst v0  }
0x62: {  	[tilespmem:s6+$0x8E60] =	vst v0;
	s6 =	sshra.s32 s9, $0x2;
	s9 =	sadd.s32 $0x200, s9  }
0x63: {  	[tilespmem:s6+$0x8E70] =	vst v0  }
0x64: {  	[tilespmem:s6+$0x8E00] =	vst v0  }
0x65: {  	[tilespmem:s6+$0x8E10] =	vst v0  }
0x66: {  	[tilespmem:s6+$0x8E20] =	vst v0  }
0x67: {  	[tilespmem:s6+$0x8E30] =	vst v0  }
0x68: {  	[tilespmem:s6+$0x8E40] =	vst v0  }
0x69: {  	[tilespmem:s6+$0x8E50] =	vst v0  }
0x6a: {  	[tilespmem:s6+$0x8E60] =	vst v0;
	s6 =	simm.s32 $0x8E00  }
0x6b: {  	[spmem:s10] =	stream.linear.scatter [tilespmem:s6], [sflag:$0x10], $0x1000, $0x38;
	[tilespmem:$0x1DE00] =	vst v63  }
0x6c: {  	_ =	swait.ge [sflag:s19], $0x1000  }
0x6d: {  	[sflag:s19] =	ssyncset.done $0x0  }
0x6e: {  	s5 =	rddreg [dreg:$0xc];
	[sflag:s19] =	ssyncadd.s32 $0xFFFFF000  }
0x6f: {  	[spmem:s5] =	stream.linear.scatter [tilespmem:s6], [sflag:$0x10], $0x1000, $0x38;
	[tilespmem:$0x1DE00] =	vst v63  }
0x70: {  	_ =	swait.ge [sflag:s19], $0x1000  }
0x71: {  	[sflag:s19] =	ssyncset.done $0x0  }
0x72: {  	s21 =	rddreg [dreg:$0xd];
	[sflag:s19] =	ssyncadd.s32 $0xFFFFF000  }
0x73: {  	[spmem:s21] =	stream.linear.scatter [tilespmem:s6], [sflag:$0x10], $0x1000, $0x38;
	[tilespmem:$0x1DE00] =	vst v63  }
0x74: {  	_ =	swait.ge [sflag:s19], $0x1000  }
0x75: {  	[sflag:s19] =	ssyncset.done $0x0  }
0x76: {  	s22 =	rddreg [dreg:$0xe];
	[sflag:s19] =	ssyncadd.s32 $0xFFFFF000  }
0x77: {  	[spmem:s22] =	stream.linear.scatter [tilespmem:s6], [sflag:$0x10], $0x1000, $0x38;
	[tilespmem:$0x1DE00] =	vst v63  }
0x78: {  	_ =	swait.ge [sflag:s19], $0x1000  }
0x79: {  	[sflag:s19] =	ssyncset.done $0x0  }
0x7a: {  	s26 =	rddreg [dreg:$0xf];
	[sflag:s19] =	ssyncadd.s32 $0xFFFFF000  }
0x7b: {  	[spmem:s26] =	stream.linear.scatter [tilespmem:s6], [sflag:$0x10], $0x1000, $0x38;
	[tilespmem:$0x1DE00] =	vst v63  }
0x7c: {  	_ =	swait.ge [sflag:s19], $0x1000  }
0x7d: {  	[sflag:s19] =	ssyncset.done $0x0  }
0x7e: {  	s8 =	rddreg [dreg:$0x10];
	[sflag:s19] =	ssyncadd.s32 $0xFFFFF000  }
0x7f: {  	[spmem:s8] =	stream.linear.scatter [tilespmem:s6], [sflag:$0x10], $0x1000, $0x38;
	[tilespmem:$0x1DE00] =	vst v63  }
0x80: {  	_ =	swait.ge [sflag:s19], $0x1000  }
0x81: {  	[sflag:s19] =	ssyncset.done $0x0  }
0x82: {  	s9 =	rddreg [dreg:$0x11];
	[sflag:s19] =	ssyncadd.s32 $0xFFFFF000  }
0x83: {  	[spmem:s9] =	stream.linear.scatter [tilespmem:s6], [sflag:$0x10], $0x1000, $0x38;
	[tilespmem:$0x1DE00] =	vst v63  }
0x84: {  	_ =	swait.ge [sflag:s19], $0x1000  }
0x85: {  	[sflag:s19] =	ssyncset.done $0x0  }
0x86: {  	s10 =	rddreg [dreg:$0x17];
	[sflag:s19] =	ssyncadd.s32 $0xFFFFF000  }
0x87: {  	[spmem:s10] =	stream.linear.scatter [tilespmem:s6], [sflag:$0x10], $0x1000, $0x38;
	[tilespmem:$0x1DE00] =	vst v63  }
0x88: {  	_ =	swait.ge [sflag:s19], $0x1000  }
0x89: {  	[sflag:s19] =	ssyncset.done $0x0  }
0x8a: {  	s11 =	rddreg [dreg:$0x18];
	[sflag:s19] =	ssyncadd.s32 $0xFFFFF000  }
0x8b: {  	[spmem:s11] =	stream.linear.scatter [tilespmem:s6], [sflag:$0x10], $0x1000, $0x38;
	[tilespmem:$0x1DE00] =	vst v63  }
0x8c: {  	_ =	swait.ge [sflag:s19], $0x1000  }
0x8d: {  	[sflag:s19] =	ssyncset.done $0x0  }
0x8e: {  	s15 =	rddreg [dreg:$0x19];
	[sflag:s19] =	ssyncadd.s32 $0xFFFFF000  }
0x8f: {  	[spmem:s15] =	stream.linear.scatter [tilespmem:s6], [sflag:$0x10], $0x1000, $0x38;
	[tilespmem:$0x1DE00] =	vst v63  }
0x90: {  	_ =	swait.ge [sflag:s19], $0x1000  }
0x91: {  	[sflag:s19] =	ssyncset.done $0x0  }
0x92: {  	s16 =	rddreg [dreg:$0x1a];
	[sflag:s19] =	ssyncadd.s32 $0xFFFFF000  }
0x93: {  	[spmem:s16] =	stream.linear.scatter [tilespmem:s6], [sflag:$0x10], $0x1000, $0x38;
	[tilespmem:$0x1DE00] =	vst v63  }
0x94: {  	_ =	swait.ge [sflag:s19], $0x1000  }
0x95: {  	[sflag:s19] =	ssyncset.done $0x0  }
0x96: {  	s17 =	rddreg [dreg:$0x1b];
	[sflag:s19] =	ssyncadd.s32 $0xFFFFF000  }
0x97: {  	[spmem:s17] =	stream.linear.scatter [tilespmem:s6], [sflag:$0x10], $0x1000, $0x38;
	[tilespmem:$0x1DE00] =	vst v63  }
0x98: {  	_ =	swait.ge [sflag:s19], $0x1000  }
0x99: {  	[sflag:s19] =	ssyncset.done $0x0  }
0x9a: {  	s21 =	rddreg [dreg:$0x1c];
	[sflag:s19] =	ssyncadd.s32 $0xFFFFF000  }
0x9b: {  	[spmem:s21] =	stream.linear.scatter [tilespmem:s6], [sflag:$0x10], $0x1000, $0x38;
	[tilespmem:$0x1DE00] =	vst v63  }
0x9c: {  	_ =	swait.ge [sflag:s19], $0x1000  }
0x9d: {  	[sflag:s19] =	ssyncset.done $0x0  }
0x9e: {  	s22 =	rddreg [dreg:$0x1d];
	[sflag:s19] =	ssyncadd.s32 $0xFFFFF000  }
0x9f: {  	[spmem:s22] =	stream.linear.scatter [tilespmem:s6], [sflag:$0x10], $0x1000, $0x38;
	[tilespmem:$0x1DE00] =	vst v63  }
0xa0: {  	_ =	swait.ge [sflag:s19], $0x1000  }
0xa1: {  	[sflag:s19] =	ssyncset.done $0x0  }
0xa2: {  	s26 =	rddreg [dreg:$0x1e];
	[sflag:s19] =	ssyncadd.s32 $0xFFFFF000  }
0xa3: {  	[spmem:s26] =	stream.linear.scatter [tilespmem:s6], [sflag:$0x10], $0x1000, $0x38;
	[tilespmem:$0x1DE00] =	vst v63  }
0xa4: {  	_ =	swait.ge [sflag:s19], $0x1000  }
0xa5: {  	[sflag:s19] =	ssyncset.done $0x0  }
0xa6: {  	s8 =	rddreg [dreg:$0x1f];
	[sflag:s19] =	ssyncadd.s32 $0xFFFFF000  }
0xa7: {  	[spmem:s8] =	stream.linear.scatter [tilespmem:s6], [sflag:$0x10], $0x1000, $0x38;
	[tilespmem:$0x1DE00] =	vst v63  }
0xa8: {  	_ =	swait.ge [sflag:s19], $0x1000  }
0xa9: {  	s9 =	sld [smem:$0x7FA]  }
0xaa: {  	[sflag:s19] =	ssyncset.done $0x0  }
0xab: {  	[sflag:s19] =	ssyncadd.s32 $0xFFFFF000  }
0xac: {  	[spmem:s9] =	stream.linear.scatter [tilespmem:s6], [sflag:$0x10], $0x1000, $0x38;
	[tilespmem:$0x1DE00] =	vst v63  }
0xad: {  	_ =	swait.ge [sflag:s19], $0x1000  }
0xae: {  	s10 =	sld [smem:$0x7FB]  }
0xaf: {  	[sflag:s19] =	ssyncset.done $0x0  }
0xb0: {  	[sflag:s19] =	ssyncadd.s32 $0xFFFFF000  }
0xb1: {  	[spmem:s10] =	stream.linear.scatter [tilespmem:s6], [sflag:$0x10], $0x1000, $0x38;
	[tilespmem:$0x1DE00] =	vst v63  }
0xb2: {  	_ =	swait.ge [sflag:s19], $0x1000  }
0xb3: {  	s11 =	sld [smem:$0x7FC]  }
0xb4: {  	[sflag:s19] =	ssyncset.done $0x0  }
0xb5: {  	[sflag:s19] =	ssyncadd.s32 $0xFFFFF000  }
0xb6: {  	[spmem:s11] =	stream.linear.scatter [tilespmem:s6], [sflag:$0x10], $0x1000, $0x38;
	[tilespmem:$0x1DE00] =	vst v63  }
0xb7: {  	_ =	swait.ge [sflag:s19], $0x1000  }
0xb8: {  	s15 =	sld [smem:$0x7FD]  }
0xb9: {  	[sflag:s19] =	ssyncset.done $0x0  }
0xba: {  	[sflag:s19] =	ssyncadd.s32 $0xFFFFF000  }
0xbb: {  	[spmem:s15] =	stream.linear.scatter [tilespmem:s6], [sflag:$0x10], $0x1000, $0x38;
	[tilespmem:$0x1DE00] =	vst v63  }
0xbc: {  	_ =	swait.ge [sflag:s19], $0x1000  }
0xbd: {  	[sflag:s19] =	ssyncset.done $0x0  }
0xbe: {  	[sflag:s19] =	ssyncadd.s32 $0xFFFFF000  }
0xbf: {  	s16 =	simm.s32 $0x2A00;
	s9 =	simm.s32 $0x0;
	[bflag:$0x0] =	sbarrier.arrive $0xFFFF  }
0xc0: {  	[tilespmem:s16], [sflag:$0x1] =	stream.indirect.gather [hbm4b:s1+s20], $0x80, s9, s20, $0xb8;
	[tilespmem:$0x1DE00] =	vst v63  }
0xc1: {  	s11 =	rddreg [dreg:$0x16]  }
0xc2: {  	s17 =	simm.s32 $0x3E00;
	s10 =	rddreg [dreg:$0x15]  }
0xc3: {  	[tilespmem:s17], [sflag:$0x2] =	stream.indirect.gather [hbm4b:s1+s20], $0x80, s20, s20, $0xb8;
	[tilespmem:$0x1DE00] =	vst v63  }
0xc4: {  	s21 =	simm.s32 $0x50;
	s22 =	simm.s32 $0x5200;
	s6 =	rddreg [dreg:$0x14]  }
0xc5: {  	[tilespmem:s22], [sflag:$0x3] =	stream.indirect.gather [hbm4b:s1+s20], $0x80, s21, s20, $0xb8;
	[tilespmem:$0x1DE00] =	vst v63  }
0xc6: {  	s26 =	simm.s32 $0x78;
	s17 =	rddreg [dreg:$0x13]  }
0xc7: {  	[tilespmem:s23], [sflag:$0x4] =	stream.indirect.gather [hbm4b:s1+s20], $0x80, s26, s20, $0xb8;
	[tilespmem:$0x1DE00] =	vst v63  }
0xc8: {  	s15 =	simm.s32 $0x0;
	s26 =	rddreg [dreg:$0x12]  }
.LBB2_4:
0xc9: {  	_ =	swait.ge [sflag:s28], $0x1400  }
0xca: {  	[sflag:s28] =	ssyncset.done $0x0  }
0xcb: {  	[sflag:s28] =	ssyncadd.s32 $0xFFFFEC00  }
0xcc: {  	_ =	swait.ge [sflag:s24], $0x28  }
0xcd: {  	s5 =	simm.s32 $0x2780;
	p0 =	sne.s32 s9, $0x0;
	[sflag:s24] =	ssyncset.done $0x0  }
0xce: {  	s8 =	simm.s32 $0x2A00;
	s16 =	simm.s32 @p0 $0xF;
	[sflag:s24] =	ssyncadd.s32 $0xFFFFFFD8  }
0xcf: {  	[spmem:s3] =	stream.indirect.scatter.add.f32 [tilespmem:s8], [sflag:$0xB], $0x80, s5, s20, $0xb8;
	[tilespmem:$0x1DE00] =	vst v63  }
0xd0: {  	_ =	swait.ge @p0 [sflag:s16], $0x1400  }
0xd1: {  	s21 =	smul.u32 $0x5, s15;
	[sflag:s16] =	ssyncset.done @p0 $0x0  }
0xd2: {  	s22 =	simm.s32 @p0 $0x2980;
	[sflag:s16] =	ssyncadd.s32 @p0 $0xFFFFEC00;
	s16 =	simm.s32 @p0 $0x0  }
0xd3: {  	[tilespmem:s22], [sflag:$0xA] =	stream.linear.gather @p0 [hbm4b:s11+s16], $0x28, $0x38;
	[tilespmem:$0x1DE00] =	vst v63  }
0xd4: {  	s8 =	simm.s32 @!p0 $0x2980;
	s16 =	sadd.s32 $0x4, s21  }
0xd5: {  	s21 =	sshra.s32 @p0 s9, $0x2;
	s22 =	simm.s32 @!p0 $0x0;
	s16 =	smul.u32 @!p0 $0xA0, s16  }
0xd6: {  	[tilespmem:s8], [sflag:$0xA] =	stream.linear.gather @!p0 [hbm4b:s12+s22], $0x28, $0x38;
	[tilespmem:$0x1DE00] =	vst v63  }
0xd7: {  	s8 =	sadd.s32 @p0 $0xA0, s21;
	s16 =	sshra.s32 @!p0 s16, $0x2  }
0xd8: {  	s16 =	smov.u32 @p0 s8  }
0xd9: {  	[tilespmem:s29], [sflag:$0x5] =	stream.indirect.gather [hbm4b:s1+s20], $0x80, s16, s20, $0xb8;
	[tilespmem:$0x1DE00] =	vst v63  }
0xda: {  	_ =	swait.ge [sflag:s25], $0x1400  }
0xdb: {  	[sflag:s25] =	ssyncset.done $0x0  }
0xdc: {  	[sflag:s25] =	ssyncadd.s32 $0xFFFFEC00  }
0xdd: {  	_ =	swait.ge [sflag:s30], $0x28  }
0xde: {  	s21 =	simm.s32 $0x2800;
	p0 =	seq.s32 s9, $0x9920;
	[sflag:s30] =	ssyncset.done $0x0  }
0xdf: {  	s22 =	simm.s32 $0x3E00;
	s8 =	simm.s32 @p0 $0x3;
	[sflag:s30] =	ssyncadd.s32 $0xFFFFFFD8  }
0xe0: {  	[spmem:s3] =	stream.indirect.scatter.add.f32 [tilespmem:s22], [sflag:$0xC], $0x80, s21, s20, $0xb8;
	[tilespmem:$0x1DE00] =	vst v63  }
0xe1: {  	_ =	swait.ge @p0 [sflag:s8], $0x1400  }
0xe2: {  	[sflag:s8] =	ssyncset.done @p0 $0x0  }
0xe3: {  	[sflag:s8] =	ssyncadd.s32 @p0 $0xFFFFEC00;
	s8 =	simm.s32 @p0 $0x8  }
0xe4: {  	_ =	swait.ge @p0 [sflag:s8], $0x28  }
0xe5: {  	s16 =	simm.s32 @p0 $0x2880;
	[sflag:s8] =	ssyncset.done @p0 $0x0  }
0xe6: {  	s21 =	simm.s32 @p0 $0x5200;
	[sflag:s8] =	ssyncadd.s32 @p0 $0xFFFFFFD8;
	s8 =	simm.s32 @p0 $0x28  }
0xe7: {  	[spmem:s3] =	stream.indirect.scatter.add.f32 @p0 [tilespmem:s21], [sflag:$0xD], $0x80, s16, s8, $0xb8;
	[tilespmem:$0x1DE00] =	vst v63  }
0xe8: {  	s8 =	simm.s32 @!p0 $0xB  }
0xe9: {  	_ =	swait.ge @!p0 [sflag:s8], $0x1400  }
0xea: {  	[sflag:s8] =	ssyncset.done @!p0 $0x0  }
0xeb: {  	[sflag:s8] =	ssyncadd.s32 @!p0 $0xFFFFEC00;
	s8 =	sshrl.u32 @!p0 s10, $0x3  }
0xec: {  	s16 =	simm.s32 @!p0 $0x0;
	s21 =	simm.s32 @!p0 $0x2780;
	s8 =	sadd.s32 @!p0 s4, s8  }
0xed: {  	[tilespmem:s21], [sflag:$0x6] =	stream.linear.gather @!p0 [hbm4b:s8+s16], $0x28, $0x38;
	[tilespmem:$0x1DE00] =	vst v63  }
0xee: {  	s8 =	sshra.s32 @!p0 s9, $0x2  }
0xef: {  	s5 =	simm.s32 @!p0 $0x2A00;
	s22 =	simm.s32 @!p0 $0x28;
	s21 =	sadd.s32 @!p0 $0xC8, s8  }
0xf0: {  	[tilespmem:s5], [sflag:$0x1] =	stream.indirect.gather @!p0 [hbm4b:s1+s22], $0x80, s21, s22, $0xb8;
	[tilespmem:$0x1DE00] =	vst v63  }
0xf1: {  	s5 =	simm.s32 @!p0 $0x3  }
0xf2: {  	_ =	swait.ge @!p0 [sflag:s5], $0x1400  }
0xf3: {  	[sflag:s5] =	ssyncset.done @!p0 $0x0  }
0xf4: {  	[sflag:s5] =	ssyncadd.s32 @!p0 $0xFFFFEC00;
	s5 =	simm.s32 @!p0 $0x8  }
0xf5: {  	_ =	swait.ge @!p0 [sflag:s5], $0x28  }
0xf6: {  	[sflag:s5] =	ssyncset.done @!p0 $0x0  }
0xf7: {  	s21 =	simm.s32 @!p0 $0x5200;
	[sflag:s5] =	ssyncadd.s32 @!p0 $0xFFFFFFD8;
	s5 =	simm.s32 @!p0 $0x2880  }
0xf8: {  	[spmem:s3] =	stream.indirect.scatter.add.f32 @!p0 [tilespmem:s21], [sflag:$0xD], $0x80, s5, s22, $0xb8;
	[tilespmem:$0x1DE00] =	vst v63  }
0xf9: {  	s5 =	simm.s32 @!p0 $0xC  }
0xfa: {  	_ =	swait.ge @!p0 [sflag:s5], $0x1400  }
0xfb: {  	[sflag:s5] =	ssyncset.done @!p0 $0x0  }
0xfc: {  	[sflag:s5] =	ssyncadd.s32 @!p0 $0xFFFFEC00;
	s5 =	simm.s32 @!p0 $0x2800  }
0xfd: {  	[tilespmem:s5], [sflag:$0x7] =	stream.linear.gather @!p0 [hbm4b:s6+s16], $0x28, $0x38;
	[tilespmem:$0x1DE00] =	vst v63  }
0xfe: {  	s5 =	sadd.s32 @!p0 $0xF0, s8;
	s8 =	simm.s32 @!p0 $0x3E00  }
0xff: {  	[tilespmem:s8], [sflag:$0x2] =	stream.indirect.gather @!p0 [hbm4b:s1+s22], $0x80, s5, s22, $0xb8;
	[tilespmem:$0x1DE00] =	vst v63  }
0x100: {  	_ =	swait.ge [sflag:s31], $0x1400  }
0x101: {  	[sflag:s31] =	ssyncset.done $0x0  }
.Ltmp3:
0x102: {  	[sflag:s31] =	ssyncadd.s32 $0xFFFFEC00;
	(pc) =	sbr.rel @p0 .LBB2_6-.Ltmp3, $4  }
0x103: {  	_ =	swait.ge [sflag:s2], $0x28  }
0x104: {  	[sflag:s2] =	ssyncset.done $0x0  }
0x105: {  	[sflag:s2] =	ssyncadd.s32 $0xFFFFFFD8  }
0x106: {  	[spmem:s3] =	stream.indirect.scatter.add.f32 [tilespmem:s23], [sflag:$0xE], $0x80, s18, s20, $0xb8;
	[tilespmem:$0x1DE00] =	vst v63  }
0x107: {  	_ =	swait.ge [sflag:s13], $0x1400  }
0x108: {  	[sflag:s13] =	ssyncset.done $0x0  }
0x109: {  	s16 =	simm.s32 $0x0;
	s5 =	simm.s32 $0x2880;
	[sflag:s13] =	ssyncadd.s32 $0xFFFFEC00  }
0x10a: {  	[tilespmem:s5], [sflag:$0x8] =	stream.linear.gather [hbm4b:s17+s16], $0x28, $0x38;
	[tilespmem:$0x1DE00] =	vst v63  }
0x10b: {  	s5 =	sshra.s32 s9, $0x2  }
0x10c: {  	s21 =	simm.s32 $0x5200;
	s8 =	sadd.s32 $0x118, s5  }
0x10d: {  	[tilespmem:s21], [sflag:$0x3] =	stream.indirect.gather [hbm4b:s1+s20], $0x80, s8, s20, $0xb8;
	[tilespmem:$0x1DE00] =	vst v63  }
0x10e: {  	_ =	swait.ge [sflag:s0], $0x1400  }
0x10f: {  	[sflag:s0] =	ssyncset.done $0x0  }
0x110: {  	[sflag:s0] =	ssyncadd.s32 $0xFFFFEC00  }
0x111: {  	_ =	swait.ge [sflag:s7], $0x28  }
0x112: {  	[sflag:s7] =	ssyncset.done $0x0  }
0x113: {  	s22 =	simm.s32 $0x2980;
	[sflag:s7] =	ssyncadd.s32 $0xFFFFFFD8  }
0x114: {  	[spmem:s3] =	stream.indirect.scatter.add.f32 [tilespmem:s29], [sflag:$0xF], $0x80, s22, s20, $0xb8;
	[tilespmem:$0x1DE00] =	vst v63  }
0x115: {  	s15 =	sadd.s32 $0x1, s15;
	s6 =	sadd.s32 $0x19, s6;
	_ =	swait.ge [sflag:s14], $0x1400  }
.Ltmp4:
0x116: {  	s10 =	sadd.s32 $0xC8, s10;
	[sflag:s14] =	ssyncset.done $0x0;
	(pc) =	sbr.rel .LBB2_4-.Ltmp4, $4  }
0x117: {  	s11 =	sadd.s32 $0x19, s11;
	s9 =	sadd.s32 $0x320, s9;
	[sflag:s14] =	ssyncadd.s32 $0xFFFFEC00  }
0x118: {  	[tilespmem:s18], [sflag:$0x9] =	stream.linear.gather [hbm4b:s26+s16], $0x28, $0x38;
	[tilespmem:$0x1DE00] =	vst v63  }
0x119: {  	s17 =	sadd.s32 $0x19, s17;
	s5 =	sadd.s32 $0x140, s5;
	s26 =	sadd.s32 $0x19, s26  }
0x11a: {  	[tilespmem:s23], [sflag:$0x4] =	stream.indirect.gather [hbm4b:s1+s20], $0x80, s5, s20, $0xb8;
	[tilespmem:$0x1DE00] =	vst v63  }
.LBB2_7:
0x11b: {  	_ =	sfence.sel $0x180000  }
0x11c: {  	[bflag:$0x0] =	sbarrier.arrive $0xFFFF  }
0x11d: {  	_ =	strace $0x9000004D  }
0x11e: {  	s0 =	stileid.u32;
	[bflag:$0x2] =	sbarrier.arrive $0xFFFF  }
0x11f: {  	p0 =	sne.s32 s0, $0x0;
	s0 =	rddreg [dreg:$0x3]  }
0x120: {  	s0 =	sadd.s32 @!p0 $0x100000, s0  }
0x121: {  	[sflag:s0] =	ssyncadd.tile.s32 @!p0 $0x1;
	_ =	shalt  }
.Lfunc_end2:
_tile_overlayer_lowered:
.L_overlay_start_2:
0x122: {  	(tag) =	ssettag $0x2  }
0x123: {  	s0 =	rddreg [dreg:$0x0];
	s2 =	stileid.u32  }
0x124: {  	s1 =	rddreg [dreg:$0x1];
	p0 =	sne.s32 s2, $0x0  }
0x125: {  	s3 =	rddreg [dreg:$0x2];
	[bflag:$0x3] =	sbarrier.arrive $0xFFFF;
	s2 =	simm.s32 @!p0 $0x1C10  }
0x126: {  	[timem:s3], [sflag:s2] =	dma.local @!p0 [hbm:s0], s1  }
0x127: {  	s0 =	simm.s32 @!p0 $0x10  }
0x128: {  	_ =	swait.ge @!p0 [sflag:s0], s1  }
0x129: {  	s1 =	ssub.s32 @!p0 $0x0, s1;
	[sflag:s0] =	ssyncset.done @!p0 $0x0  }
0x12a: {  	[sflag:s0] =	ssyncadd.s32 @!p0 s1  }
0x12b: {  	[bflag:$0x3] =	sbarrier.arrive $0xFFFF  }
0x12c: {  	_ =	shalt  }

// kernel: kernel.9.cloned.1.call-start
scs
__scs_entry_jumppad:
0x0: {  	(pc) =	sbr.rel $0x88, $3  }
0x1: {  	(tag) =	ssettag $0x0;
	lr =	simm.s32 $0x1  }
0x2: {  	[smem:$0x3F9B] =	sst lr;
	_ =	strace $0xD0000000  }
0x3: {  	_ = 	snop  }
0x4: {  	_ = 	snop  }
0x5: {  	_ = 	snop  }
0x6: {  	_ = 	snop  }
0x7: {  	_ = 	snop  }
__scs_overlays_trampoline_lowered:
0x8: {  	[smem:$0x3FAA] =	sst s0  }
0x9: {  	[smem:$0x3FAB] =	sst s1  }
0xa: {  	[smem:$0x3FAC] =	sst s2  }
0xb: {  	[smem:$0x3FAD] =	sst s3  }
0xc: {  	[smem:$0x3FAE] =	sst s4  }
0xd: {  	[smem:$0x3FAF] =	sst s5  }
0xe: {  	[smem:$0x3FB0] =	sst s6  }
0xf: {  	[smem:$0x3FB1] =	sst s7  }
0x10: {  	[smem:$0x3FB2] =	sst s8  }
0x11: {  	[smem:$0x3FB3] =	sst s9;
	s0 =	simm.s32 @!p0 $0x0  }
0x12: {  	s1 =	sld [smem:$0x3F99];
	s0 =	simm.s32 @p0 $0x1  }
0x13: {  	[smem:$0x3FB4] =	sst s0;
	s0 =	simm.s32 @!p1 $0x0  }
0x14: {  	s2 =	sld [smem:$0x3F98];
	s0 =	simm.s32 @p1 $0x1  }
0x15: {  	[smem:$0x3FB5] =	sst s0;
	s0 =	simm.s32 @!p2 $0x0  }
0x16: {  	s3 =	sld [smem:$0x3FDB];
	s0 =	simm.s32 @p2 $0x1  }
0x17: {  	s4 =	simm.s32 $0x1BF5;
	[smem:$0x3FB7] =	sst s0  }
0x18: {  	s0 =	sld [smem:$0x3F9A];
	_ =	swait.ge [sflag:s4], $0x0  }
0x19: {  	s7 =	sld [smem:$0x3F9B]  }
0x1a: {  	s8 =	sadd.s32 $0xFFFFE003, lr  }
0x1b: {  	s9 =	sadd.s32 $0xFFFFFEF7, lr;
	s5 =	simm.s32 $0xFFFFFFFF;
	p2 =	slt.u32 s8, $0xFFFFF086  }
0x1c: {  	p1 =	slt.u32 s9, $0xF7A;
	s5 =	simm.s32 @!p2 $0x0  }
0x1d: {  	s5 =	simm.s32 @p1 $0x1;
	p0 =	seq.s32 s7, s2  }
0x1e: {  	s7 =	smul.u32 @!p0 $0xF7A, s2;
	p2 =	seq.s32 @!p0 s5, $0x0  }
0x1f: {  	s9 =	smul.u32 $0xF7A, s1;
	s8 =	simm.s32 @!p0 $0x1BF5;
	p2 =	por !p2, p0  }
0x20: {  	[sflag:s8] =	ssyncset.s32 @!p0 $0xFFFFF086;
	s6 =	sadd.s32 @!p0 s3, s7;
	s7 =	simm.s32 @!p0 $0x108  }
0x21: {  	s3 =	sadd.s32 s3, s9;
	s6 =	sadd.s32 @!p0 $0x88, s6;
	s7 =	simm.s32 @p2 $0x1082  }
0x22: {  	[simem:s7], [sflag:s8] =	dma.local @!p0 [hbm:s6], $0xF7A  }
0x23: {  	s9 =	sor.u32 $0xD0000000, s2;
	s6 =	simm.s32 $0x108;
	_ =	swait.ge @!p0 [sflag:s8], $0x0  }
0x24: {  	s3 =	sadd.s32 $0x88, s3;
	s6 =	simm.s32 @!p1 $0x1082;
	[sflag:s4] =	ssyncset.s32 $0xFFFFF086  }
0x25: {  	[simem:s6], [sflag:s4] =	dma.local [hbm:s3], $0xF7A  }
0x26: {  	[smem:$0x3F9B] =	sst s1;
	(tag) =	ssettag s2;
	_ =	strace s9  }
0x27: {  	s1 =	sld [smem:$0x3FAB]  }
0x28: {  	s2 =	sld [smem:$0x3FAC]  }
0x29: {  	s4 =	sld [smem:$0x3FAE]  }
0x2a: {  	p0 =	seq.s32 s5, $0x0;
	s5 =	sld [smem:$0x3FAF]  }
0x2b: {  	s6 =	sld [smem:$0x3FB0]  }
0x2c: {  	s7 =	sld [smem:$0x3FB1]  }
0x2d: {  	s3 =	simm.s32 $0x108;
	s8 =	sld [smem:$0x3FB2]  }
0x2e: {  	s3 =	simm.s32 @!p0 $0x1082;
	s9 =	sld [smem:$0x3FB3]  }
0x2f: {  	lr =	sadd.s32 s0, s3;
	s0 =	sld [smem:$0x3FAA]  }
0x30: {  	s3 =	sld [smem:$0x3FAD]  }
0x31: {  	[smem:$0x3FB6] =	sst s10  }
0x32: {  	s10 =	sld [smem:$0x3FB4];
	_ =	sdelay $0x3  }
0x33: {  	p0 =	seq.s32 s10, $0x1;
	s10 =	sld [smem:$0x3FB6];
	_ =	sdelay $0x3  }
0x34: {  	[smem:$0x3FB6] =	sst s10  }
0x35: {  	s10 =	sld [smem:$0x3FB5];
	_ =	sdelay $0x3  }
0x36: {  	p1 =	seq.s32 s10, $0x1;
	s10 =	sld [smem:$0x3FB6];
	_ =	sdelay $0x3  }
0x37: {  	[smem:$0x3FB6] =	sst s10  }
0x38: {  	s10 =	sld [smem:$0x3FB7]  }
0x39: {  	_ = 	snop;
	(pc) =	sbr.ind lr, $3  }
0x3a: {  	_ = 	snop  }
0x3b: {  	_ = 	snop  }
0x3c: {  	p2 =	seq.s32 s10, $0x1;
	s10 =	sld [smem:$0x3FB6]  }
0x3d: {  	_ =	shalt  }
0x3e: {  	_ =	shalt  }
0x3f: {  	_ =	shalt  }
0x40: {  	_ =	shalt  }
0x41: {  	_ =	shalt  }
0x42: {  	_ =	shalt  }
0x43: {  	_ =	shalt  }
0x44: {  	_ =	shalt  }
0x45: {  	_ =	shalt  }
0x46: {  	_ =	shalt  }
0x47: {  	_ =	shalt  }
0x48: {  	_ =	shalt  }
0x49: {  	_ =	shalt  }
0x4a: {  	_ =	shalt  }
0x4b: {  	_ =	shalt  }
0x4c: {  	_ =	shalt  }
0x4d: {  	_ =	shalt  }
0x4e: {  	_ =	shalt  }
0x4f: {  	_ =	shalt  }
0x50: {  	_ =	shalt  }
0x51: {  	_ =	shalt  }
0x52: {  	_ =	shalt  }
0x53: {  	_ =	shalt  }
0x54: {  	_ =	shalt  }
0x55: {  	_ =	shalt  }
0x56: {  	_ =	shalt  }
0x57: {  	_ =	shalt  }
0x58: {  	_ =	shalt  }
0x59: {  	_ =	shalt  }
0x5a: {  	_ =	shalt  }
0x5b: {  	_ =	shalt  }
0x5c: {  	_ =	shalt  }
0x5d: {  	_ =	shalt  }
0x5e: {  	_ =	shalt  }
0x5f: {  	_ =	shalt  }
0x60: {  	_ =	shalt  }
0x61: {  	_ =	shalt  }
0x62: {  	_ =	shalt  }
0x63: {  	_ =	shalt  }
0x64: {  	_ =	shalt  }
0x65: {  	_ =	shalt  }
0x66: {  	_ =	shalt  }
0x67: {  	_ =	shalt  }
0x68: {  	_ =	shalt  }
0x69: {  	_ =	shalt  }
0x6a: {  	_ =	shalt  }
0x6b: {  	_ =	shalt  }
0x6c: {  	_ =	shalt  }
0x6d: {  	_ =	shalt  }
0x6e: {  	_ =	shalt  }
0x6f: {  	_ =	shalt  }
0x70: {  	_ =	shalt  }
0x71: {  	_ =	shalt  }
0x72: {  	_ =	shalt  }
0x73: {  	_ =	shalt  }
0x74: {  	_ =	shalt  }
0x75: {  	_ =	shalt  }
0x76: {  	_ =	shalt  }
0x77: {  	_ =	shalt  }
0x78: {  	_ =	shalt  }
0x79: {  	_ =	shalt  }
0x7a: {  	_ =	shalt  }
0x7b: {  	_ =	shalt  }
0x7c: {  	_ =	shalt  }
0x7d: {  	_ =	shalt  }
0x7e: {  	_ =	shalt  }
0x7f: {  	_ =	shalt  }
0x80: {  	_ =	shalt  }
0x81: {  	_ =	shalt  }
0x82: {  	_ =	shalt  }
0x83: {  	_ =	shalt  }
0x84: {  	_ =	shalt  }
0x85: {  	_ =	shalt  }
0x86: {  	_ =	shalt  }
0x87: {  	_ =	shalt  }
.Lfunc_end0:
.L_simem_size_0:
called_computation_lowered:
.L_overlay_start_0:
0x88: {  	s2 =	sld [smem:$0x3FD9]  }
0x89: {  	s3 =	sld [smem:$0x3FFE];
	_ =	sdelay $0x1  }
0x8a: {  	s1 =	srdreg.scid  }
0x8b: {  	s0 =	sand.u32 $0x1, s1  }
0x8c: {  	s16 =	sshll.u32 s0, $0xA;
	s2 =	sadd.s32 s3, s2  }
0x8d: {  	s2 =	sadd.s32 s2, s16  }
0x8e: {  	[smem:$0x3FC2] =	sst s2  }
0x8f: {  	_ = 	snop  }
0x90: {  	(tm) =	ssettm $0x1  }
0x91: {  	s17 =	sld [smem:$0x3FFB];
	_ =	sdelay $0x3  }
0x92: {  	_ =	strace s17  }
0x93: {  	s2 =	sld [smem:$0x3FFC];
	_ =	sdelay $0x3  }
0x94: {  	_ =	strace s2  }
0x95: {  	s2 =	sld [smem:$0x3FFD];
	_ =	sdelay $0x3  }
0x96: {  	_ =	strace s2  }
0x97: {  	_ =	strace $0x8FFFFFFF  }
0x98: {  	s18 =	sld [smem:$0x3FDB];
	_ =	sdelay $0x1  }
0x99: {  	s19 =	simm.s32 $_scs_section_size  }
0x9a: {  	s4 =	simm.s32 $_size__tile_overlayer_lowered;
	s5 =	simm.s32 $_tile_overlayer_lowered  }
0x9b: {  	s22 =	simm.s32 $0x1BFF;
	s21 =	sshll.u32 s5, $0x1;
	s2 =	sadd.s32 s19, s18  }
0x9c: {  	s6 =	simm.s32 $0x0;
	s20 =	sshll.u32 s4, $0x1;
	s4 =	sadd.s32 s21, s2  }
0x9d: {  	[timem:s6], [sflag:s22] =	dma.local [hbm:s4], s20  }
0x9e: {  	_ =	swait.ge [sflag:s22], s20  }
0x9f: {  	s3 =	ssub.s32 $0x0, s20;
	[sflag:s22] =	ssyncset.done $0x0  }
0xa0: {  	[sflag:s22] =	ssyncadd.s32 s3;
	_ =	sdelay $0x1  }
0xa1: {  	s23 =	simm.s32 $0x1B8B  }
0xa2: {  	_ =	swait.ge [sflag:s23], $0x1  }
0xa3: {  	[sflag:s23] =	ssyncset.done $0x0  }
0xa4: {  	s25 =	simm.s32 $0x1B8E;
	s24 =	sld [smem:$0x3FFE];
	[sflag:s23] =	ssyncadd.s32 $0xFFFFFFFF  }
0xa5: {  	s26 =	simm.s32 $execute0_lowered;
	[smem:$0x3FD2] =	sst s25  }
0xa6: {  	s4 =	sshll.u32 s26, $0x1;
	_ =	strace $0x80000046;
	[dreg:$0x1] =	wrdreg $0xFFFFFFFF  }
0xa7: {  	s28 =	simm.s32 $_size_execute0_lowered;
	s2 =	sadd.s32 s2, s4;
	[dreg:$0x0] =	wrdreg $0x0  }
0xa8: {  	s4 =	sshll.u32 s28, $0x1;
	[dreg:$0x2] =	wrdreg s2  }
0xa9: {  	[dreg:$0x3] =	wrdreg s4  }
0xaa: {  	[dreg:$0x4] =	wrdreg $0xC0  }
0xab: {  	_ =	task [dreg:s6], $0x5FFFF  }
0xac: {  	[dreg:$0x1] =	wrdreg $0xFFFFFFFF  }
0xad: {  	[dreg:$0x0] =	wrdreg $0x60  }
0xae: {  	[dreg:$0x2] =	wrdreg s24  }
0xaf: {  	[dreg:$0x3] =	wrdreg $0x26800  }
0xb0: {  	[dreg:$0x4] =	wrdreg $0x9  }
0xb1: {  	_ =	task.clear_ibuf [dreg:s6], $0x5FFFF;
	_ =	strace $0x90000046  }
0xb2: {  	s29 =	simm.s32 $0x9;
	_ =	strace $0x80000048  }
0xb3: {  	_ =	swait.ge [sflag:s29], $0x1  }
0xb4: {  	[sflag:s29] =	ssyncadd.s32 $0xFFFFFFFF  }
0xb5: {  	_ =	strace $0x90000048  }
0xb6: {  	_ =	sfence  }
0xb7: {  	s30 =	sld [smem:$0x0];
	_ =	sdelay $0x2  }
0xb8: {  	s31 =	sshll.u32 s1, $0xD;
	s1 =	sshrl.u32 s1, $0x2  }
0xb9: {  	s3 =	sand.u32 $0x4000, s31;
	s1 =	sadd.s32 s1, s30  }
0xba: {  	s0 =	sor.u32 s3, s0;
	s1 =	sshll.u32 s1, $0x11  }
0xbb: {  	s0 =	sor.u32 s1, s0  }
0xbc: {  	s0 =	sadd.s32 $0x8F2B, s0  }
0xbd: {  	[sflag:s0] =	ssyncadd.remote.s32 $0x1  }
0xbe: {  	_ =	sfence.sel $0xFFFF  }
0xbf: {  	[dreg:$0x0] =	wrdreg $0xFFFFFFFF;
	(pc) =	sbr.abs _section_cstart, $3  }
0xc0: {  	[dreg:$0x1] =	wrdreg $0xFFFFFFFF  }
0xc1: {  	_ =	task.clear_ibuf [dreg:s6], $0x2FFFF;
	_ =	strace $0x9FFFFFFF  }
0xc2: {  	(tm) =	ssettm $0x7FFFFFFF  }
0xc3: {  	_ =	shalt  }
tec
execute0_lowered:
.L_overlay_start_1:
0x0: {  	(tag) =	ssettag $0x1  }
0x1: {  	s0 =	rddreg [dreg:$0x0]  }
0x2: {  	s1 =	rddreg [dreg:$0x1];
	s11 =	stileid.u32  }
0x3: {  	s2 =	srdreg.scid;
	s5 =	smul.u32 $0x2800, s11  }
0x4: {  	s3 =	simm.s32 $0x0;
	s2 =	sand.u32 $0x1, s2;
	s22 =	smul.u32 $0x2710, s11  }
0x5: {  	[smem:$0x7FF] =	sst s3;
	s4 =	smul.u32 $0x28000, s2  }
0x6: {  	s6 =	sshll.u32 s2, $0x4;
	_ =	strace $0x80000047;
	s7 =	ssub.s32 $0x2, s2  }
0x7: {  	s19 =	smul.u32 $0x27100, s2;
	s6 =	sor.u32 s11, s6;
	s10 =	sshrl.u32 s7, $0x1  }
0x8: {  	s5 =	sadd.s32 s5, s4;
	s6 =	smul.u32 $0x2710, s6;
	s4 =	sadd.s32 $0xBC00, s0  }
0x9: {  	s0 =	sadd.s32 s5, s0;
	s5 =	ssub.s32 s7, s10;
	s10 =	smul.u32 $0x50000, s11  }
0xa: {  	s12 =	sshrl.u32 s6, $0x3;
	s8 =	sadd.s32 $0x28, s6;
	s9 =	sadd.s32 $0x78, s6  }
0xb: {  	s0 =	sadd.s32 $0x15A00, s0;
	s17 =	smax.u32 s5, $0x1;
	s8 =	sshrl.u32 s8, $0x3  }
0xc: {  	s12 =	sadd.s32 s4, s12;
	s14 =	sshrl.u32 s9, $0x3;
	[dreg:$0x7] =	wrdreg s0  }
0xd: {  	s16 =	sshrl.u32 s10, $0x2;
	[dreg:$0x8] =	wrdreg s17;
	s0 =	sadd.s32 s22, s19  }
0xe: {  	s13 =	sadd.s32 s4, s8;
	[dreg:$0x3] =	wrdreg s12;
	s15 =	sadd.s32 $0xA, s12  }
0xf: {  	s7 =	sadd.s32 s4, s14;
	s9 =	sadd.s32 s16, s1;
	[dreg:$0x4] =	wrdreg s13  }
0x10: {  	s8 =	sadd.s32 $0x140, s0;
	s11 =	sadd.s32 $0x118, s0;
	[dreg:$0x5] =	wrdreg s15  }
0x11: {  	s12 =	sadd.s32 $0xF0, s0;
	s0 =	sadd.s32 $0xC8, s0;
	[dreg:$0x6] =	wrdreg s7  }
0x12: {  	s18 =	sadd.s32 $0x1000, s9;
	[dreg:$0x12] =	wrdreg s0  }
0x13: {  	s20 =	sadd.s32 $0x2000, s9;
	[dreg:$0x9] =	wrdreg s18  }
0x14: {  	s28 =	simm.s32 $0x7;
	s21 =	sadd.s32 $0x3000, s9;
	[dreg:$0xa] =	wrdreg s20  }
0x15: {  	s29 =	simm.s32 $0x8;
	s23 =	sadd.s32 $0x4000, s9;
	[dreg:$0xb] =	wrdreg s21  }
0x16: {  	s30 =	simm.s32 $0xA;
	s24 =	sadd.s32 $0x5000, s9;
	[dreg:$0xc] =	wrdreg s23  }
0x17: {  	s31 =	simm.s32 $0x0;
	s25 =	sadd.s32 $0x6000, s9;
	[dreg:$0xd] =	wrdreg s24  }
0x18: {  	s10 =	sadd.s32 $0xA0, s6;
	s26 =	sadd.s32 $0x7000, s9;
	[dreg:$0xe] =	wrdreg s25  }
0x19: {  	s6 =	sadd.s32 $0x8000, s9;
	s7 =	sadd.s32 $0x9000, s9;
	[dreg:$0xf] =	wrdreg s26  }
0x1a: {  	s2 =	sshrl.u32 s8, $0x3;
	s5 =	sshrl.u32 s11, $0x3;
	[dreg:$0x10] =	wrdreg s6  }
0x1b: {  	s13 =	sshrl.u32 s12, $0x3;
	s14 =	sadd.s32 $0xA000, s9;
	[dreg:$0x11] =	wrdreg s7  }
0x1c: {  	s15 =	sadd.s32 $0xB000, s9;
	s16 =	sadd.s32 $0xC000, s9;
	[dreg:$0x13] =	wrdreg s14  }
0x1d: {  	s17 =	sadd.s32 $0xD000, s9;
	s19 =	sadd.s32 $0xF000, s9;
	[dreg:$0x14] =	wrdreg s15  }
0x1e: {  	s11 =	simm.s32 $0x80;
	s12 =	simm.s32 $0x100;
	[dreg:$0x15] =	wrdreg s16  }
0x1f: {  	s22 =	sadd.s32 s2, s4;
	s23 =	sadd.s32 s5, s4;
	[dreg:$0x16] =	wrdreg s17  }
0x20: {  	s24 =	sadd.s32 s13, s4;
	s18 =	sadd.s32 $0xE000, s9;
	[dreg:$0x18] =	wrdreg s19  }
0x21: {  	s20 =	sadd.s32 $0x10000, s9;
	s21 =	sadd.s32 $0x11000, s9;
	s25 =	sadd.s32 $0x12000, s9  }
0x22: {  	s26 =	sadd.s32 $0x13000, s9;
	s13 =	simm.s32 $0x180;
	[dreg:$0x17] =	wrdreg s18  }
.Ltmp0:
0x23: {  	s5 =	simm.s32 $0x1680;
	[dreg:$0x19] =	wrdreg s20;
	(pc) =	sbr.rel .LBB2_1-.Ltmp0, $4  }
0x24: {  	s14 =	simm.s32 $0xB;
	s15 =	simm.s32 $0x1;
	[dreg:$0x1a] =	wrdreg s21  }
0x25: {  	s16 =	simm.s32 $0x28;
	s17 =	simm.s32 $0x280;
	[dreg:$0x1b] =	wrdreg s25  }
0x26: {  	vm0 =	vcmask $0x300;
	v0 =	vimm.f32 $0.0e+00;
	s19 =	simm.s32 $0x2;
	[dreg:$0x1c] =	wrdreg s26;
	s18 =	simm.s32 $0x200  }
0x27: {  	v1 =	vsel vm0, $0x3F800000, v0;
	s20 =	simm.s32 $0x4;
	s21 =	simm.s32 $0x5;
	s25 =	simm.s32 $0x9  }
.LBB2_8:
0x28: {  	_ =	swait.ge [sflag:s21], $0x28  }
0x29: {  	[sflag:s21] =	ssyncset.done $0x0  }
0x2a: {  	s0 =	simm.s32 $0x6;
	[sflag:s21] =	ssyncadd.s32 $0xFFFFFFD8  }
0x2b: {  	[spmem:s1] =	stream.indirect.scatter.add.f32 [tilespmem:s17], [sflag:$0xA], $0x80, s18, s16, $0xb8;
	[tilespmem:$0x16680] =	vst v63  }
0x2c: {  	_ =	swait.ge [sflag:s0], $0x1400  }
0x2d: {  	[sflag:s0] =	ssyncset.done $0x0  }
0x2e: {  	[sflag:s0] =	ssyncadd.s32 $0xFFFFEC00  }
0x2f: {  	_ =	swait.ge [sflag:s28], $0x1400  }
0x30: {  	[sflag:s28] =	ssyncset.done $0x0  }
0x31: {  	[sflag:s28] =	ssyncadd.s32 $0xFFFFEC00  }
0x32: {  	_ =	swait.ge [sflag:s29], $0x1400  }
0x33: {  	[sflag:s29] =	ssyncset.done $0x0  }
0x34: {  	[sflag:s29] =	ssyncadd.s32 $0xFFFFEC00  }
0x35: {  	_ =	swait.ge [sflag:s25], $0x1400  }
0x36: {  	[sflag:s25] =	ssyncset.done $0x0  }
0x37: {  	[sflag:s25] =	ssyncadd.s32 $0xFFFFEC00  }
0x38: {  	_ =	swait.ge [sflag:s30], $0x1400  }
0x39: {  	[sflag:s30] =	ssyncset.done $0x0  }
0x3a: {  	s8 =	stileid.u32;
	[sflag:s30] =	ssyncadd.s32 $0xFFFFEC00  }
0x3b: {  	s0 =	sshll.u32 s8, $0x6;
	[bflag:$0x0] =	sbarrier.arrive $0xFFFF  }
0x3c: {  	s2 =	sshrl.u32 s9, $0x3;
	s0 =	sor.u32 $0x1C0B, s0;
	s6 =	rddreg [dreg:$0x7]  }
0x3d: {  	[hbm:s6], [sflag:s0] =	dma.local [spmem:s2], $0x2800  }
0x3e: {  	_ =	swait.ge [sflag:s14], $0x2800  }
0x3f: {  	s31 =	sadd.s32 $0x1, s31;
	s26 =	rddreg [dreg:$0x8]  }
0x40: {  	p0 =	sne.s32 s31, s26  }
.Ltmp1:
0x41: {  	_ = 	snop;
	(pc) =	sbr.rel @!p0 .LBB2_9-.Ltmp1, $3  }
0x42: {  	_ =	sdelay $0x1  }
0x43: {  	[sflag:s14] =	ssyncset.done $0x0  }
0x44: {  	[sflag:s14] =	ssyncadd.s32 $0xFFFFD800  }
.LBB2_1:
0x45: {  	s0 =	rddreg [dreg:$0x3]  }
0x46: {  	[tilespmem:s3], [sflag:$0x1] =	stream.linear.gather [hbm4b:s0+s3], $0x28, $0x38;
	[tilespmem:$0x16680] =	vst v63  }
0x47: {  	s7 =	rddreg [dreg:$0x4]  }
0x48: {  	[tilespmem:s11], [sflag:$0x2] =	stream.linear.gather [hbm4b:s7+s3], $0x28, $0x38;
	[tilespmem:$0x16680] =	vst v63  }
0x49: {  	s8 =	rddreg [dreg:$0x5]  }
0x4a: {  	[tilespmem:s12], [sflag:$0x3] =	stream.linear.gather [hbm4b:s8+s3], $0x28, $0x38;
	[tilespmem:$0x16680] =	vst v63  }
0x4b: {  	s26 =	rddreg [dreg:$0x6];
	s2 =	simm.s32 $0x200;
	s0 =	simm.s32 $0x0  }
0x4c: {  	[tilespmem:s13], [sflag:$0x4] =	stream.linear.gather [hbm4b:s26+s3], $0x28, $0x38;
	[tilespmem:$0x16680] =	vst v63  }
.LBB2_2:
0x4d: {  	p0 =	sne.s32 s2, $0x4E00;
	[tilespmem:s0+$0x2F0] =	vst v0  }
0x4e: {  	[tilespmem:s0+$0x280] =	vst v1  }
0x4f: {  	[tilespmem:s0+$0x290] =	vst v0  }
.Ltmp2:
0x50: {  	[tilespmem:s0+$0x2A0] =	vst v0;
	(pc) =	sbr.rel @p0 .LBB2_2-.Ltmp2, $4  }
0x51: {  	[tilespmem:s0+$0x2B0] =	vst v0  }
0x52: {  	[tilespmem:s0+$0x2C0] =	vst v0  }
0x53: {  	[tilespmem:s0+$0x2D0] =	vst v0  }
0x54: {  	[tilespmem:s0+$0x2E0] =	vst v0;
	s0 =	sshra.s32 s2, $0x2;
	s2 =	sadd.s32 $0x200, s2  }
0x55: {  	[tilespmem:s0+$0x2F0] =	vst v0  }
0x56: {  	[tilespmem:s0+$0x280] =	vst v1  }
0x57: {  	[tilespmem:s0+$0x290] =	vst v0  }
0x58: {  	[tilespmem:s0+$0x2A0] =	vst v0  }
0x59: {  	[tilespmem:s0+$0x2B0] =	vst v0  }
0x5a: {  	[tilespmem:s0+$0x2C0] =	vst v0  }
0x5b: {  	[tilespmem:s0+$0x2D0] =	vst v0  }
0x5c: {  	[tilespmem:s0+$0x2E0] =	vst v0;
	s0 =	simm.s32 $0x0;
	s2 =	simm.s32 $0x200  }
.LBB2_4:
0x5d: {  	p0 =	sne.s32 s2, $0x3E00;
	[tilespmem:s0+$0x16F0] =	vst v0  }
0x5e: {  	[tilespmem:s0+$0x1680] =	vst v0  }
0x5f: {  	[tilespmem:s0+$0x1690] =	vst v0  }
.Ltmp3:
0x60: {  	[tilespmem:s0+$0x16A0] =	vst v0;
	(pc) =	sbr.rel @p0 .LBB2_4-.Ltmp3, $4  }
0x61: {  	[tilespmem:s0+$0x16B0] =	vst v0  }
0x62: {  	[tilespmem:s0+$0x16C0] =	vst v0  }
0x63: {  	[tilespmem:s0+$0x16D0] =	vst v0  }
0x64: {  	[tilespmem:s0+$0x16E0] =	vst v0;
	s0 =	sshra.s32 s2, $0x2;
	s2 =	sadd.s32 $0x200, s2  }
0x65: {  	[tilespmem:s0+$0x16F0] =	vst v0  }
0x66: {  	[tilespmem:s0+$0x1680] =	vst v0  }
0x67: {  	[tilespmem:s0+$0x1690] =	vst v0  }
0x68: {  	[tilespmem:s0+$0x16A0] =	vst v0  }
0x69: {  	[tilespmem:s0+$0x16B0] =	vst v0  }
0x6a: {  	[tilespmem:s0+$0x16C0] =	vst v0  }
0x6b: {  	[tilespmem:s0+$0x16D0] =	vst v0  }
0x6c: {  	[tilespmem:s0+$0x16E0] =	vst v0  }
0x6d: {  	[spmem:s9] =	stream.linear.scatter [tilespmem:s5], [sflag:$0xB], $0x1000, $0x38;
	[tilespmem:$0x16680] =	vst v63  }
0x6e: {  	_ =	swait.ge [sflag:s14], $0x1000  }
0x6f: {  	[sflag:s14] =	ssyncset.done $0x0  }
0x70: {  	s6 =	rddreg [dreg:$0x9];
	[sflag:s14] =	ssyncadd.s32 $0xFFFFF000  }
0x71: {  	[spmem:s6] =	stream.linear.scatter [tilespmem:s5], [sflag:$0xB], $0x1000, $0x38;
	[tilespmem:$0x16680] =	vst v63  }
0x72: {  	_ =	swait.ge [sflag:s14], $0x1000  }
0x73: {  	[sflag:s14] =	ssyncset.done $0x0  }
0x74: {  	s7 =	rddreg [dreg:$0xa];
	[sflag:s14] =	ssyncadd.s32 $0xFFFFF000  }
0x75: {  	[spmem:s7] =	stream.linear.scatter [tilespmem:s5], [sflag:$0xB], $0x1000, $0x38;
	[tilespmem:$0x16680] =	vst v63  }
0x76: {  	_ =	swait.ge [sflag:s14], $0x1000  }
0x77: {  	[sflag:s14] =	ssyncset.done $0x0  }
0x78: {  	s8 =	rddreg [dreg:$0xb];
	[sflag:s14] =	ssyncadd.s32 $0xFFFFF000  }
0x79: {  	[spmem:s8] =	stream.linear.scatter [tilespmem:s5], [sflag:$0xB], $0x1000, $0x38;
	[tilespmem:$0x16680] =	vst v63  }
0x7a: {  	_ =	swait.ge [sflag:s14], $0x1000  }
0x7b: {  	[sflag:s14] =	ssyncset.done $0x0  }
0x7c: {  	s26 =	rddreg [dreg:$0xc];
	[sflag:s14] =	ssyncadd.s32 $0xFFFFF000  }
0x7d: {  	[spmem:s26] =	stream.linear.scatter [tilespmem:s5], [sflag:$0xB], $0x1000, $0x38;
	[tilespmem:$0x16680] =	vst v63  }
0x7e: {  	_ =	swait.ge [sflag:s14], $0x1000  }
0x7f: {  	[sflag:s14] =	ssyncset.done $0x0  }
0x80: {  	s2 =	rddreg [dreg:$0xd];
	[sflag:s14] =	ssyncadd.s32 $0xFFFFF000  }
0x81: {  	[spmem:s2] =	stream.linear.scatter [tilespmem:s5], [sflag:$0xB], $0x1000, $0x38;
	[tilespmem:$0x16680] =	vst v63  }
0x82: {  	_ =	swait.ge [sflag:s14], $0x1000  }
0x83: {  	[sflag:s14] =	ssyncset.done $0x0  }
0x84: {  	s6 =	rddreg [dreg:$0xe];
	[sflag:s14] =	ssyncadd.s32 $0xFFFFF000  }
0x85: {  	[spmem:s6] =	stream.linear.scatter [tilespmem:s5], [sflag:$0xB], $0x1000, $0x38;
	[tilespmem:$0x16680] =	vst v63  }
0x86: {  	_ =	swait.ge [sflag:s14], $0x1000  }
0x87: {  	[sflag:s14] =	ssyncset.done $0x0  }
0x88: {  	s7 =	rddreg [dreg:$0xf];
	[sflag:s14] =	ssyncadd.s32 $0xFFFFF000  }
0x89: {  	[spmem:s7] =	stream.linear.scatter [tilespmem:s5], [sflag:$0xB], $0x1000, $0x38;
	[tilespmem:$0x16680] =	vst v63  }
0x8a: {  	_ =	swait.ge [sflag:s14], $0x1000  }
0x8b: {  	[sflag:s14] =	ssyncset.done $0x0  }
0x8c: {  	s8 =	rddreg [dreg:$0x10];
	[sflag:s14] =	ssyncadd.s32 $0xFFFFF000  }
0x8d: {  	[spmem:s8] =	stream.linear.scatter [tilespmem:s5], [sflag:$0xB], $0x1000, $0x38;
	[tilespmem:$0x16680] =	vst v63  }
0x8e: {  	_ =	swait.ge [sflag:s14], $0x1000  }
0x8f: {  	[sflag:s14] =	ssyncset.done $0x0  }
0x90: {  	s26 =	rddreg [dreg:$0x11];
	[sflag:s14] =	ssyncadd.s32 $0xFFFFF000  }
0x91: {  	[spmem:s26] =	stream.linear.scatter [tilespmem:s5], [sflag:$0xB], $0x1000, $0x38;
	[tilespmem:$0x16680] =	vst v63  }
0x92: {  	_ =	swait.ge [sflag:s14], $0x1000  }
0x93: {  	[sflag:s14] =	ssyncset.done $0x0  }
0x94: {  	s2 =	rddreg [dreg:$0x13];
	[sflag:s14] =	ssyncadd.s32 $0xFFFFF000  }
0x95: {  	[spmem:s2] =	stream.linear.scatter [tilespmem:s5], [sflag:$0xB], $0x1000, $0x38;
	[tilespmem:$0x16680] =	vst v63  }
0x96: {  	_ =	swait.ge [sflag:s14], $0x1000  }
0x97: {  	[sflag:s14] =	ssyncset.done $0x0  }
0x98: {  	s6 =	rddreg [dreg:$0x14];
	[sflag:s14] =	ssyncadd.s32 $0xFFFFF000  }
0x99: {  	[spmem:s6] =	stream.linear.scatter [tilespmem:s5], [sflag:$0xB], $0x1000, $0x38;
	[tilespmem:$0x16680] =	vst v63  }
0x9a: {  	_ =	swait.ge [sflag:s14], $0x1000  }
0x9b: {  	[sflag:s14] =	ssyncset.done $0x0  }
0x9c: {  	s7 =	rddreg [dreg:$0x15];
	[sflag:s14] =	ssyncadd.s32 $0xFFFFF000  }
0x9d: {  	[spmem:s7] =	stream.linear.scatter [tilespmem:s5], [sflag:$0xB], $0x1000, $0x38;
	[tilespmem:$0x16680] =	vst v63  }
0x9e: {  	_ =	swait.ge [sflag:s14], $0x1000  }
0x9f: {  	[sflag:s14] =	ssyncset.done $0x0  }
0xa0: {  	s8 =	rddreg [dreg:$0x16];
	[sflag:s14] =	ssyncadd.s32 $0xFFFFF000  }
0xa1: {  	[spmem:s8] =	stream.linear.scatter [tilespmem:s5], [sflag:$0xB], $0x1000, $0x38;
	[tilespmem:$0x16680] =	vst v63  }
0xa2: {  	_ =	swait.ge [sflag:s14], $0x1000  }
0xa3: {  	[sflag:s14] =	ssyncset.done $0x0  }
0xa4: {  	s26 =	rddreg [dreg:$0x17];
	[sflag:s14] =	ssyncadd.s32 $0xFFFFF000  }
0xa5: {  	[spmem:s26] =	stream.linear.scatter [tilespmem:s5], [sflag:$0xB], $0x1000, $0x38;
	[tilespmem:$0x16680] =	vst v63  }
0xa6: {  	_ =	swait.ge [sflag:s14], $0x1000  }
0xa7: {  	[sflag:s14] =	ssyncset.done $0x0  }
0xa8: {  	s2 =	rddreg [dreg:$0x18];
	[sflag:s14] =	ssyncadd.s32 $0xFFFFF000  }
0xa9: {  	[spmem:s2] =	stream.linear.scatter [tilespmem:s5], [sflag:$0xB], $0x1000, $0x38;
	[tilespmem:$0x16680] =	vst v63  }
0xaa: {  	_ =	swait.ge [sflag:s14], $0x1000  }
0xab: {  	[sflag:s14] =	ssyncset.done $0x0  }
0xac: {  	s6 =	rddreg [dreg:$0x19];
	[sflag:s14] =	ssyncadd.s32 $0xFFFFF000  }
0xad: {  	[spmem:s6] =	stream.linear.scatter [tilespmem:s5], [sflag:$0xB], $0x1000, $0x38;
	[tilespmem:$0x16680] =	vst v63  }
0xae: {  	_ =	swait.ge [sflag:s14], $0x1000  }
0xaf: {  	[sflag:s14] =	ssyncset.done $0x0  }
0xb0: {  	s7 =	rddreg [dreg:$0x1a];
	[sflag:s14] =	ssyncadd.s32 $0xFFFFF000  }
0xb1: {  	[spmem:s7] =	stream.linear.scatter [tilespmem:s5], [sflag:$0xB], $0x1000, $0x38;
	[tilespmem:$0x16680] =	vst v63  }
0xb2: {  	_ =	swait.ge [sflag:s14], $0x1000  }
0xb3: {  	[sflag:s14] =	ssyncset.done $0x0  }
0xb4: {  	s8 =	rddreg [dreg:$0x1b];
	[sflag:s14] =	ssyncadd.s32 $0xFFFFF000  }
0xb5: {  	[spmem:s8] =	stream.linear.scatter [tilespmem:s5], [sflag:$0xB], $0x1000, $0x38;
	[tilespmem:$0x16680] =	vst v63  }
0xb6: {  	_ =	swait.ge [sflag:s14], $0x1000  }
0xb7: {  	[sflag:s14] =	ssyncset.done $0x0  }
0xb8: {  	s26 =	rddreg [dreg:$0x1c];
	[sflag:s14] =	ssyncadd.s32 $0xFFFFF000  }
0xb9: {  	[spmem:s26] =	stream.linear.scatter [tilespmem:s5], [sflag:$0xB], $0x1000, $0x38;
	[tilespmem:$0x16680] =	vst v63  }
0xba: {  	_ =	swait.ge [sflag:s14], $0x1000  }
0xbb: {  	[sflag:s14] =	ssyncset.done $0x0  }
0xbc: {  	[sflag:s14] =	ssyncadd.s32 $0xFFFFF000  }
0xbd: {  	[bflag:$0x0] =	sbarrier.arrive $0xFFFF  }
0xbe: {  	s0 =	simm.s32 $0x0;
	s2 =	rddreg [dreg:$0x12]  }
.LBB2_6:
0xbf: {  	_ =	swait.ge [sflag:s15], $0x28  }
0xc0: {  	p0 =	seq.s32 s0, $0x0;
	[sflag:s15] =	ssyncset.done $0x0  }
0xc1: {  	s6 =	simm.s32 @!p0 $0xA;
	s7 =	sadd.s32 @!p0 $0xFFFFFFD8, s2;
	[sflag:s15] =	ssyncadd.s32 $0xFFFFFFD8  }
0xc2: {  	[spmem:s1] =	stream.indirect.scatter.add.f32 [tilespmem:s17], [sflag:$0x6], $0x80, s3, s16, $0xb8;
	[tilespmem:$0x16680] =	vst v63  }
0xc3: {  	s7 =	smov.u32 @p0 s10;
	_ =	swait.ge @!p0 [sflag:s6], $0x1400  }
0xc4: {  	s7 =	sshrl.u32 s7, $0x3;
	[sflag:s6] =	ssyncset.done @!p0 $0x0  }
0xc5: {  	s26 =	sadd.s32 s4, s7;
	[sflag:s6] =	ssyncadd.s32 @!p0 $0xFFFFEC00  }
0xc6: {  	[tilespmem:s18], [sflag:$0x5] =	stream.linear.gather [hbm4b:s26+s3], $0x28, $0x38;
	[tilespmem:$0x16680] =	vst v63  }
0xc7: {  	_ =	swait.ge [sflag:s19], $0x28  }
0xc8: {  	p0 =	seq.s32 s0, $0x4C9;
	[sflag:s19] =	ssyncset.done $0x0  }
0xc9: {  	s6 =	simm.s32 @p0 $0x3;
	[sflag:s19] =	ssyncadd.s32 $0xFFFFFFD8  }
0xca: {  	[spmem:s1] =	stream.indirect.scatter.add.f32 [tilespmem:s17], [sflag:$0x7], $0x80, s11, s16, $0xb8;
	[tilespmem:$0x16680] =	vst v63  }
0xcb: {  	_ =	swait.ge @p0 [sflag:s6], $0x28  }
0xcc: {  	s7 =	simm.s32 @p0 $0x100;
	[sflag:s6] =	ssyncset.done @p0 $0x0  }
0xcd: {  	s8 =	simm.s32 @p0 $0x280;
	[sflag:s6] =	ssyncadd.s32 @p0 $0xFFFFFFD8;
	s6 =	simm.s32 @p0 $0x28  }
0xce: {  	[spmem:s1] =	stream.indirect.scatter.add.f32 @p0 [tilespmem:s8], [sflag:$0x8], $0x80, s7, s6, $0xb8;
	[tilespmem:$0x16680] =	vst v63  }
0xcf: {  	s6 =	simm.s32 @!p0 $0x6  }
0xd0: {  	_ =	swait.ge @!p0 [sflag:s6], $0x1400  }
0xd1: {  	s7 =	sshrl.u32 @!p0 s2, $0x3;
	[sflag:s6] =	ssyncset.done @!p0 $0x0  }
0xd2: {  	[sflag:s6] =	ssyncadd.s32 @!p0 $0xFFFFEC00;
	s6 =	sadd.s32 @!p0 s4, s7;
	s7 =	simm.s32 @!p0 $0x0  }
0xd3: {  	[tilespmem:s7], [sflag:$0x1] =	stream.linear.gather @!p0 [hbm4b:s6+s7], $0x28, $0x38;
	[tilespmem:$0x16680] =	vst v63  }
0xd4: {  	s6 =	simm.s32 @!p0 $0x3  }
0xd5: {  	_ =	swait.ge @!p0 [sflag:s6], $0x28  }
0xd6: {  	s26 =	simm.s32 @!p0 $0x280;
	[sflag:s6] =	ssyncset.done @!p0 $0x0  }
0xd7: {  	s8 =	simm.s32 @!p0 $0x100;
	[sflag:s6] =	ssyncadd.s32 @!p0 $0xFFFFFFD8;
	s6 =	simm.s32 @!p0 $0x28  }
0xd8: {  	[spmem:s1] =	stream.indirect.scatter.add.f32 @!p0 [tilespmem:s26], [sflag:$0x8], $0x80, s8, s6, $0xb8;
	[tilespmem:$0x16680] =	vst v63  }
0xd9: {  	s6 =	simm.s32 @!p0 $0x7  }
0xda: {  	_ =	swait.ge @!p0 [sflag:s6], $0x1400  }
0xdb: {  	[sflag:s6] =	ssyncset.done @!p0 $0x0  }
0xdc: {  	s8 =	simm.s32 @!p0 $0x80;
	[sflag:s6] =	ssyncadd.s32 @!p0 $0xFFFFEC00;
	s6 =	sadd.s32 @!p0 s0, s24  }
0xdd: {  	[tilespmem:s8], [sflag:$0x2] =	stream.linear.gather @!p0 [hbm4b:s6+s7], $0x28, $0x38;
	[tilespmem:$0x16680] =	vst v63  }
.Ltmp4:
0xde: {  	_ = 	snop;
	(pc) =	sbr.rel @p0 .LBB2_8-.Ltmp4, $4  }
0xdf: {  	_ =	swait.ge [sflag:s20], $0x28  }
0xe0: {  	[sflag:s20] =	ssyncset.done $0x0  }
0xe1: {  	[sflag:s20] =	ssyncadd.s32 $0xFFFFFFD8  }
0xe2: {  	[spmem:s1] =	stream.indirect.scatter.add.f32 [tilespmem:s17], [sflag:$0x9], $0x80, s13, s16, $0xb8;
	[tilespmem:$0x16680] =	vst v63  }
0xe3: {  	_ =	swait.ge [sflag:s29], $0x1400  }
0xe4: {  	[sflag:s29] =	ssyncset.done $0x0  }
0xe5: {  	s6 =	sadd.s32 s0, s23;
	[sflag:s29] =	ssyncadd.s32 $0xFFFFEC00  }
0xe6: {  	[tilespmem:s12], [sflag:$0x3] =	stream.linear.gather [hbm4b:s6+s3], $0x28, $0x38;
	[tilespmem:$0x16680] =	vst v63  }
0xe7: {  	_ =	swait.ge [sflag:s21], $0x28  }
0xe8: {  	[sflag:s21] =	ssyncset.done $0x0  }
0xe9: {  	[sflag:s21] =	ssyncadd.s32 $0xFFFFFFD8  }
0xea: {  	[spmem:s1] =	stream.indirect.scatter.add.f32 [tilespmem:s17], [sflag:$0xA], $0x80, s18, s16, $0xb8;
	[tilespmem:$0x16680] =	vst v63  }
.Ltmp5:
0xeb: {  	_ = 	snop;
	(pc) =	sbr.rel .LBB2_6-.Ltmp5, $4  }
0xec: {  	_ =	swait.ge [sflag:s25], $0x1400  }
0xed: {  	s26 =	sadd.s32 s0, s22;
	[sflag:s25] =	ssyncset.done $0x0  }
0xee: {  	s0 =	sadd.s32 $0x19, s0;
	s2 =	sadd.s32 $0xC8, s2;
	[sflag:s25] =	ssyncadd.s32 $0xFFFFEC00  }
0xef: {  	[tilespmem:s13], [sflag:$0x4] =	stream.linear.gather [hbm4b:s26+s3], $0x28, $0x38;
	[tilespmem:$0x16680] =	vst v63  }
.LBB2_9:
0xf0: {  	_ =	sfence.sel $0x180000  }
0xf1: {  	[bflag:$0x0] =	sbarrier.arrive $0xFFFF  }
0xf2: {  	_ =	strace $0x90000047  }
0xf3: {  	s0 =	stileid.u32;
	[bflag:$0x2] =	sbarrier.arrive $0xFFFF  }
0xf4: {  	p0 =	sne.s32 s0, $0x0;
	s0 =	rddreg [dreg:$0x2]  }
0xf5: {  	s0 =	sadd.s32 @!p0 $0x100000, s0  }
0xf6: {  	[sflag:s0] =	ssyncadd.tile.s32 @!p0 $0x1;
	_ =	shalt  }
.Lfunc_end2:
_tile_overlayer_lowered:
.L_overlay_start_2:
0xf7: {  	(tag) =	ssettag $0x2  }
0xf8: {  	s0 =	rddreg [dreg:$0x0];
	s2 =	stileid.u32  }
0xf9: {  	s1 =	rddreg [dreg:$0x1];
	p0 =	sne.s32 s2, $0x0  }
0xfa: {  	s3 =	rddreg [dreg:$0x2];
	[bflag:$0x3] =	sbarrier.arrive $0xFFFF;
	s2 =	simm.s32 @!p0 $0x1C0B  }
0xfb: {  	[timem:s3], [sflag:s2] =	dma.local @!p0 [hbm:s0], s1  }
0xfc: {  	s0 =	simm.s32 @!p0 $0xB  }
0xfd: {  	_ =	swait.ge @!p0 [sflag:s0], s1  }
0xfe: {  	s1 =	ssub.s32 @!p0 $0x0, s1;
	[sflag:s0] =	ssyncset.done @!p0 $0x0  }
0xff: {  	[sflag:s0] =	ssyncadd.s32 @!p0 s1  }
0x100: {  	[bflag:$0x3] =	sbarrier.arrive $0xFFFF  }
0x101: {  	_ =	shalt  }

</sc_bundles>
